<compile_context>
chip_gen: v7x
topology: tpu7x:2x2x1
jax: 0.10.2.dev20260603
libtpu: 0.0.44.dev20260713+nightly
codegen_flags: <defaults>
</compile_context>

<pallas_src>
import jax
import jax.numpy as jnp
from jax import lax
from jax.experimental import pallas as pl
from jax.experimental.pallas import tpu as pltpu
from jax.experimental.pallas import tpu_sc as plsc

N = 10000
E = 320000
IN_CH = 128
HID = 64
NG = 64

NC, NS, L = 2, 16, 16
NW = NC * NS
CH = 128

RPT = 632
NPADR = RPT * NS
ZRT = NPADR // NS
CNTW = 16

EPW = E // NW
K = -(-EPW // CH)
PAD = K * CH - EPW

NSW = 4
EPT = E // NS
KH = -(-EPT // (NSW * CH))
PADA = NS * NSW * KH * CH - E


def _pad_dst(n_pad):
  return N + (jnp.arange(n_pad, dtype=jnp.int32) % (NPADR - N))


def _sc_pass_alledges():
  out_type = [jax.ShapeDtypeStruct((NC * NPADR, HID), jnp.float32),
              jax.ShapeDtypeStruct((NPADR, CNTW), jnp.float32)]
  scratch = {
      "srcv": pltpu.VMEM((KH, CH), jnp.int32),
      "dstv": pltpu.VMEM((KH, CH), jnp.int32),
      "buf": pltpu.VMEM((2, CH, HID), jnp.float32),
      "onesv": pltpu.VMEM((CH, CNTW), jnp.float32),
      "acc": pltpu.VMEM_SHARED((NPADR, HID), jnp.float32),
      "cntacc": pltpu.VMEM_SHARED((NPADR, CNTW), jnp.float32),
      "zsp": pltpu.VMEM_SHARED((NPADR, HID), jnp.float32),
      "sem": pltpu.SemaphoreType.DMA,
  }
  mesh = plsc.VectorSubcoreMesh(
      core_axis_name="c", subcore_axis_name="s",
      num_cores=NC, num_subcores=NS)

  def body(xs, srcs, dsts, zrow, zcnt, ones, out, cntout, *, srcv, dstv,
           buf, onesv, acc, cntacc, zsp, sem):
    cid = lax.axis_index("c")
    sid = lax.axis_index("s")
    pltpu.sync_copy(xs.at[cid, pl.ds(sid * ZRT, ZRT)],
                    zsp.at[pl.ds(sid * ZRT, ZRT)])
    pltpu.sync_copy(zrow, acc.at[pl.ds(sid * RPT, RPT)])
    pltpu.sync_copy(ones, onesv)

    @pl.when(cid == 0)
    def _():
      pltpu.sync_copy(zcnt, cntacc.at[pl.ds(sid * RPT, RPT)])
    plsc.subcore_barrier()

    for s in range(NSW):
      pltpu.sync_copy(srcs.at[sid, s], srcv)
      pltpu.sync_copy(dsts.at[sid, s], dstv)
      pltpu.async_copy(zsp.at[srcv.at[0]], buf.at[0], sem)

      def step(j, carry):
        p = lax.rem(j, 2)

        @pl.when(j + 1 < KH)
        def _():
          pltpu.async_copy(zsp.at[srcv.at[j + 1]], buf.at[1 - p], sem)
        pltpu.make_async_copy(zsp.at[srcv.at[j]], buf.at[p], sem).wait()
        pltpu.sync_copy(buf.at[p], acc.at[dstv.at[j]], add=True)

        @pl.when(cid == 0)
        def _():
          pltpu.sync_copy(onesv, cntacc.at[dstv.at[j]], add=True)
        return carry
      lax.fori_loop(0, KH, step, 0)

    plsc.subcore_barrier()
    obase = cid * NPADR + sid * RPT
    pltpu.sync_copy(acc.at[pl.ds(sid * RPT, RPT)], out.at[pl.ds(obase, RPT)])

    @pl.when(cid == 0)
    def _():
      pltpu.sync_copy(cntacc.at[pl.ds(sid * RPT, RPT)],
                      cntout.at[pl.ds(sid * RPT, RPT)])

  return pl.kernel(body, out_type=out_type, mesh=mesh,
                   scratch_types=scratch,
                   compiler_params=pltpu.CompilerParams(
                       use_tc_tiling_on_sc=False))


def _sc_pass_split():
  out_type = [jax.ShapeDtypeStruct((NC * NPADR, HID), jnp.float32)]
  scratch = {
      "srcv": pltpu.VMEM((K, CH), jnp.int32),
      "dstv": pltpu.VMEM((K, CH), jnp.int32),
      "buf": pltpu.VMEM((2, CH, HID), jnp.float32),
      "acc": pltpu.VMEM_SHARED((NPADR, HID), jnp.float32),
      "zsp": pltpu.VMEM_SHARED((NPADR, HID), jnp.float32),
      "sem": pltpu.SemaphoreType.DMA,
  }
  mesh = plsc.VectorSubcoreMesh(
      core_axis_name="c", subcore_axis_name="s",
      num_cores=NC, num_subcores=NS)

  def body(z, srcs, dsts, zrow, out, *, srcv, dstv, buf, acc, zsp, sem):
    cid = lax.axis_index("c")
    sid = lax.axis_index("s")
    wid = cid * NS + sid
    pltpu.sync_copy(srcs.at[wid], srcv)
    pltpu.sync_copy(dsts.at[wid], dstv)
    pltpu.sync_copy(z.at[pl.ds(sid * ZRT, ZRT)],
                    zsp.at[pl.ds(sid * ZRT, ZRT)])
    pltpu.sync_copy(zrow, acc.at[pl.ds(sid * RPT, RPT)])
    plsc.subcore_barrier()

    pltpu.async_copy(zsp.at[srcv.at[0]], buf.at[0], sem)

    def step(j, carry):
      p = lax.rem(j, 2)

      @pl.when(j + 1 < K)
      def _():
        pltpu.async_copy(zsp.at[srcv.at[j + 1]], buf.at[1 - p], sem)
      pltpu.make_async_copy(zsp.at[srcv.at[j]], buf.at[p], sem).wait()
      pltpu.sync_copy(buf.at[p], acc.at[dstv.at[j]], add=True)
      return carry
    lax.fori_loop(0, K, step, 0)

    plsc.subcore_barrier()
    obase = cid * NPADR + sid * RPT
    pltpu.sync_copy(acc.at[pl.ds(sid * RPT, RPT)], out.at[pl.ds(obase, RPT)])

  return pl.kernel(body, out_type=out_type, mesh=mesh,
                   scratch_types=scratch,
                   compiler_params=pltpu.CompilerParams(
                       use_tc_tiling_on_sc=False))


def _deg(cnt_ref):
  cnt = cnt_ref[pl.ds(0, N)]
  return jnp.maximum(jnp.max(cnt, axis=1, keepdims=True), 1.0)


BR = 2000


def _tc_layer1(accA, cnt, x, Wl, Wr, b):
  def body(acc_ref, cnt_ref, x_ref, wl_ref, wr_ref, b_ref, h_ref):
    cntv = cnt_ref[...]
    deg = jnp.maximum(jnp.max(cntv, axis=1, keepdims=True), 1.0)
    mean = jnp.concatenate([acc_ref[0] / deg, acc_ref[1] / deg], axis=1)
    h = (jnp.dot(mean, wl_ref[...], preferred_element_type=jnp.float32)
         + jnp.dot(x_ref[...], wr_ref[...],
                   preferred_element_type=jnp.float32) + b_ref[...])
    h_ref[...] = jnp.maximum(h, 0.0)
  grid = (N // BR,)
  return pl.pallas_call(
      body,
      grid=grid,
      in_specs=[
          pl.BlockSpec((NC, BR, HID), lambda i: (0, i, 0)),
          pl.BlockSpec((BR, CNTW), lambda i: (i, 0)),
          pl.BlockSpec((BR, IN_CH), lambda i: (i, 0)),
          pl.BlockSpec((IN_CH, HID), lambda i: (0, 0)),
          pl.BlockSpec((IN_CH, HID), lambda i: (0, 0)),
          pl.BlockSpec((HID,), lambda i: (0,)),
      ],
      out_specs=pl.BlockSpec((BR, HID), lambda i: (i, 0)),
      out_shape=jax.ShapeDtypeStruct((N, HID), jnp.float32),
  )(accA.reshape(NC, NPADR, HID), cnt, x, Wl, Wr, b)


def _tc_layer2(accp, cnt, h_prev, Wl, Wr, b):
  def body(acc_ref, cnt_ref, hp_ref, wl_ref, wr_ref, b_ref, h_ref):
    cntv = cnt_ref[...]
    deg = jnp.maximum(jnp.max(cntv, axis=1, keepdims=True), 1.0)
    mean = (acc_ref[0] + acc_ref[1]) / deg
    h = (jnp.dot(mean, wl_ref[...], preferred_element_type=jnp.float32)
         + jnp.dot(hp_ref[...], wr_ref[...],
                   preferred_element_type=jnp.float32) + b_ref[...])
    h_ref[...] = jnp.maximum(h, 0.0)
  grid = (N // BR,)
  return pl.pallas_call(
      body,
      grid=grid,
      in_specs=[
          pl.BlockSpec((NC, BR, HID), lambda i: (0, i, 0)),
          pl.BlockSpec((BR, CNTW), lambda i: (i, 0)),
          pl.BlockSpec((BR, HID), lambda i: (i, 0)),
          pl.BlockSpec((HID, HID), lambda i: (0, 0)),
          pl.BlockSpec((HID, HID), lambda i: (0, 0)),
          pl.BlockSpec((HID,), lambda i: (0,)),
      ],
      out_specs=pl.BlockSpec((BR, HID), lambda i: (i, 0)),
      out_shape=jax.ShapeDtypeStruct((N, HID), jnp.float32),
  )(accp.reshape(NC, NPADR, HID), cnt, h_prev, Wl, Wr, b)


def _tc_final(accp, cnt, h_prev, batch2d, Wl, Wr, b, Wc1, bc1, Wc2, bc2):
  def body(acc_ref, cnt_ref, hp_ref, b2d_ref, wl_ref, wr_ref, b_ref,
           wc1_ref, bc1_ref, wc2_ref, bc2_ref, out_ref):
    deg = _deg(cnt_ref)
    mean = (acc_ref[pl.ds(0, N)] + acc_ref[pl.ds(NPADR, N)]) / deg
    h = (jnp.dot(mean, wl_ref[...], preferred_element_type=jnp.float32)
         + jnp.dot(hp_ref[...], wr_ref[...],
                   preferred_element_type=jnp.float32) + b_ref[...])
    gid = b2d_ref[...]
    onehot = (gid == lax.broadcasted_iota(jnp.int32, (1, NG), 1))
    onehot = onehot.astype(jnp.float32)
    g = lax.dot_general(onehot, h, (((0,), (0,)), ((), ())),
                        preferred_element_type=jnp.float32,
                        precision=lax.Precision.HIGHEST)
    g = jnp.maximum(
        jnp.dot(g, wc1_ref[...], preferred_element_type=jnp.float32)
        + bc1_ref[...], 0.0)
    out_ref[...] = jnp.dot(
        g, wc2_ref[...], preferred_element_type=jnp.float32) + bc2_ref[...]
  outs = jax.ShapeDtypeStruct((NG, 1), jnp.float32)
  return pl.pallas_call(body, out_shape=outs)(
      accp, cnt, h_prev, batch2d, Wl, Wr, b, Wc1, bc1, Wc2, bc2)


def kernel(x, edge_index, batch, Wl1, Wr1, b1, Wl2, Wr2, b2, Wl3, Wr3, b3,
           Wc1, bc1, Wc2, bc2):
  src = edge_index[0].astype(jnp.int32)
  dst = edge_index[1].astype(jnp.int32)

  srcA = jnp.concatenate([src, jnp.zeros((PADA,), jnp.int32)])
  dstA = jnp.concatenate([dst, _pad_dst(PADA)])
  srcA = srcA.reshape(NS, NSW, KH, CH)
  dstA = dstA.reshape(NS, NSW, KH, CH)

  padsrc = jnp.zeros((NW, PAD), jnp.int32)
  paddst = jnp.broadcast_to(_pad_dst(PAD), (NW, PAD))
  srcs = jnp.concatenate([src.reshape(NW, EPW), padsrc], 1).reshape(NW, K, CH)
  dsts = jnp.concatenate([dst.reshape(NW, EPW), paddst], 1).reshape(NW, K, CH)

  xpad = jnp.concatenate([x, jnp.zeros((NPADR - N, IN_CH), jnp.float32)])
  xs = jnp.stack([xpad[:, :HID], xpad[:, HID:]])

  zrow = jnp.zeros((RPT, HID), jnp.float32)
  zcnt = jnp.zeros((RPT, CNTW), jnp.float32)
  ones = jnp.ones((CH, CNTW), jnp.float32)
  batch2d = batch.astype(jnp.int32).reshape(N, 1)

  zpadrows = jnp.zeros((NPADR - N, HID), jnp.float32)

  accA, cnt = _sc_pass_alledges()(xs, srcA, dstA, zrow, zcnt, ones)
  h1 = _tc_layer1(accA, cnt, x, Wl1, Wr1, b1)
  h1p = jnp.concatenate([h1, zpadrows])
  (acc2,) = _sc_pass_split()(h1p, srcs, dsts, zrow)
  h2 = _tc_layer2(acc2, cnt, h1, Wl2, Wr2, b2)
  h2p = jnp.concatenate([h2, zpadrows])
  (acc3,) = _sc_pass_split()(h2p, srcs, dsts, zrow)
  return _tc_final(acc3, cnt, h2, batch2d, Wl3, Wr3, b3, Wc1, bc1, Wc2, bc2)

# --- scband reference (transcript-rebuilt; emitter-appended) ---
"""Pipeline reference for scband-deadlock-gnn-74560632258655 (READ-ONLY COPY).

The authoritative reference and input builder live on the scoring server;
editing this copy changes nothing except your own understanding.
"""

import jax, jax.numpy as jnp
import numpy as np

N_NODES = 10000
N_EDGES = 320000
IN_CH = 128
HID = 64
NUM_GRAPHS = 64


def _glorot(key, shape):
    fan_in, fan_out = shape[0], shape[1]
    limit = np.sqrt(6.0 / (fan_in + fan_out))
    return jax.random.uniform(key, shape, dtype=jnp.float32, minval=-limit, maxval=limit)


def setup_inputs(seed: int = 0) -> dict:
    key = jax.random.key(seed)
    ks = jax.random.split(key, 20)
    x = jax.random.normal(ks[0], (N_NODES, IN_CH), dtype=jnp.float32)
    edge_index = jax.random.randint(ks[1], (2, N_EDGES), 0, N_NODES, dtype=jnp.int64)
    batch = jnp.sort(jax.random.randint(ks[2], (N_NODES,), 0, NUM_GRAPHS, dtype=jnp.int64))
    # SAGEConv params: lin_l acts on aggregated neighbors, lin_r on root; bias on lin_l
    Wl1 = _glorot(ks[3], (IN_CH, HID)); Wr1 = _glorot(ks[4], (IN_CH, HID)); b1 = jnp.zeros((HID,), jnp.float32)
    Wl2 = _glorot(ks[5], (HID, HID));  Wr2 = _glorot(ks[6], (HID, HID));  b2 = jnp.zeros((HID,), jnp.float32)
    Wl3 = _glorot(ks[7], (HID, HID));  Wr3 = _glorot(ks[8], (HID, HID));  b3 = jnp.zeros((HID,), jnp.float32)
    # classifier: Linear(HID, HID//2) -> ReLU -> Dropout -> Linear(HID//2, 1)
    Wc1 = _glorot(ks[9], (HID, HID // 2)); bc1 = jnp.zeros((HID // 2,), jnp.float32)
    Wc2 = _glorot(ks[10], (HID // 2, 1)); bc2 = jnp.zeros((1,), jnp.float32)
    return {"x": x, "edge_index": edge_index, "batch": batch,
            "Wl1": Wl1, "Wr1": Wr1, "b1": b1,
            "Wl2": Wl2, "Wr2": Wr2, "b2": b2,
            "Wl3": Wl3, "Wr3": Wr3, "b3": b3,
            "Wc1": Wc1, "bc1": bc1, "Wc2": Wc2, "bc2": bc2}


def _sage_conv(x, src, dst, Wl, Wr, b):
    # mean aggregation of neighbor messages (x_src scattered to dst)
    msg = jnp.take(x, src, axis=0)
    agg = jax.ops.segment_sum(msg, dst, num_segments=N_NODES)
    cnt = jax.ops.segment_sum(jnp.ones((src.shape[0], 1), x.dtype), dst, num_segments=N_NODES)
    mean = agg / jnp.maximum(cnt, 1.0)
    return mean @ Wl + x @ Wr + b


def reference(x, edge_index, batch, Wl1, Wr1, b1, Wl2, Wr2, b2, Wl3, Wr3, b3, Wc1, bc1, Wc2, bc2):
    src = edge_index[0]
    dst = edge_index[1]
    h = jax.nn.relu(_sage_conv(x, src, dst, Wl1, Wr1, b1))
    h = jax.nn.relu(_sage_conv(h, src, dst, Wl2, Wr2, b2))
    h = _sage_conv(h, src, dst, Wl3, Wr3, b3)
    # global_add_pool over graph-id `batch`
    g = jax.ops.segment_sum(h, batch, num_segments=NUM_GRAPHS)
    # dropout is identity in eval mode
    g = jax.nn.relu(g @ Wc1 + bc1)
    out = g @ Wc2 + bc2
    return out

if __name__ == "__main__":
    import jax
    _d = setup_inputs()
    print(jax.jit(kernel)(*tuple(_d.values())))

</pallas_src>

<mosaic_0001>
#map = affine_map<(d0, d1) -> (0, 0)>
#map1 = affine_map<(d0, d1) -> (0, 0, 0)>
module attributes {stable_mosaic.version = 14 : i64} {
  func.func @body(%arg0: i32, %arg1: i32, %arg2: memref<10112x64xf32, #tpu.memory_space<hbm>>, %arg3: memref<32x79x128xi32, #tpu.memory_space<hbm>>, %arg4: memref<32x79x128xi32, #tpu.memory_space<hbm>>, %arg5: memref<632x64xf32, #tpu.memory_space<hbm>>, %arg6: memref<20224x64xf32, #tpu.memory_space<hbm>>, %arg7: memref<10112x64xf32, #tpu.memory_space<vmem_shared>>, %arg8: memref<2x128x64xf32, #tpu.memory_space<vmem>>, %arg9: memref<79x128xi32, #tpu.memory_space<vmem>>, %arg10: memref<!tpu.dma_semaphore, #tpu.memory_space<semaphore_mem>>, %arg11: memref<79x128xi32, #tpu.memory_space<vmem>>, %arg12: memref<10112x64xf32, #tpu.memory_space<vmem_shared>>) attributes {dimension_semantics = [#tpu.dimension_semantics<core_parallel>, #tpu.dimension_semantics<subcore_parallel>], iteration_bounds = array<i64: 2, 16>, scalar_prefetch = 0 : i64, scratch_operands = 6 : i64, tpu.core_type = #tpu.core_type<sc_vector_subcore>, window_params = [{transform_indices = #map}, {transform_indices = #map1}, {transform_indices = #map1}, {transform_indices = #map}, {transform_indices = #map}]} {
    %mul3A = arith.constant 16 : i32
    %mul3A_0 = arith.muli %arg0, %mul3A : i32
    %add3A = arith.addi %mul3A_0, %arg1 : i32
    "tpu.region"() ({
      %run_scoped3A = tpu.sem_alloc : memref<!tpu.dma_semaphore, #tpu.memory_space<semaphore_mem>>
      %dma_start3A_31 = arith.constant 0 : i32
      %dma_start3A_32 = arith.constant 0 : i32
      %dma_start3A_33 = tpu.memref_slice %arg3[%add3A, %dma_start3A_31, %dma_start3A_32] : memref<32x79x128xi32, #tpu.memory_space<hbm>> -> memref<1x79x128xi32, #tpu.memory_space<hbm>>
      %dma_start3A_34 = tpu.memref_squeeze %dma_start3A_33 : memref<1x79x128xi32, #tpu.memory_space<hbm>> -> memref<79x128xi32, #tpu.memory_space<hbm>>
      %dma_start3A_35 = arith.constant 0 : i32
      %dma_start3A_36 = arith.constant 0 : i32
      %dma_start3A_37 = tpu.memref_slice %arg3[%add3A, %dma_start3A_35, %dma_start3A_36] : memref<32x79x128xi32, #tpu.memory_space<hbm>> -> memref<1x79x128xi32, #tpu.memory_space<hbm>>
      %dma_start3A_38 = tpu.memref_squeeze %dma_start3A_37 : memref<1x79x128xi32, #tpu.memory_space<hbm>> -> memref<79x128xi32, #tpu.memory_space<hbm>>
      tpu.enqueue_dma source(%dma_start3A_38 : memref<79x128xi32, #tpu.memory_space<hbm>>) target(%arg11 : memref<79x128xi32, #tpu.memory_space<vmem>>) target_semaphore(%run_scoped3A : memref<!tpu.dma_semaphore, #tpu.memory_space<semaphore_mem>>)
      %dma_wait3A = arith.constant 0 : i32
      %dma_wait3A_39 = arith.constant 0 : i32
      %dma_wait3A_40 = tpu.memref_slice %arg3[%add3A, %dma_wait3A, %dma_wait3A_39] : memref<32x79x128xi32, #tpu.memory_space<hbm>> -> memref<1x79x128xi32, #tpu.memory_space<hbm>>
      %dma_wait3A_41 = tpu.memref_squeeze %dma_wait3A_40 : memref<1x79x128xi32, #tpu.memory_space<hbm>> -> memref<79x128xi32, #tpu.memory_space<hbm>>
      %dma_wait3A_42 = arith.constant 0 : i32
      %dma_wait3A_43 = arith.constant 0 : i32
      %dma_wait3A_44 = tpu.memref_slice %arg3[%add3A, %dma_wait3A_42, %dma_wait3A_43] : memref<32x79x128xi32, #tpu.memory_space<hbm>> -> memref<1x79x128xi32, #tpu.memory_space<hbm>>
      %dma_wait3A_45 = tpu.memref_squeeze %dma_wait3A_44 : memref<1x79x128xi32, #tpu.memory_space<hbm>> -> memref<79x128xi32, #tpu.memory_space<hbm>>
      tpu.wait_dma2 semaphore(%run_scoped3A : memref<!tpu.dma_semaphore, #tpu.memory_space<semaphore_mem>>) src(%dma_wait3A_45 : memref<79x128xi32, #tpu.memory_space<hbm>>) dst(%arg11 : memref<79x128xi32, #tpu.memory_space<vmem>>)
      tpu.yield
    }) : () -> ()
    "tpu.region"() ({
      %run_scoped3A = tpu.sem_alloc : memref<!tpu.dma_semaphore, #tpu.memory_space<semaphore_mem>>
      %dma_start3A_31 = arith.constant 0 : i32
      %dma_start3A_32 = arith.constant 0 : i32
      %dma_start3A_33 = tpu.memref_slice %arg4[%add3A, %dma_start3A_31, %dma_start3A_32] : memref<32x79x128xi32, #tpu.memory_space<hbm>> -> memref<1x79x128xi32, #tpu.memory_space<hbm>>
      %dma_start3A_34 = tpu.memref_squeeze %dma_start3A_33 : memref<1x79x128xi32, #tpu.memory_space<hbm>> -> memref<79x128xi32, #tpu.memory_space<hbm>>
      %dma_start3A_35 = arith.constant 0 : i32
      %dma_start3A_36 = arith.constant 0 : i32
      %dma_start3A_37 = tpu.memref_slice %arg4[%add3A, %dma_start3A_35, %dma_start3A_36] : memref<32x79x128xi32, #tpu.memory_space<hbm>> -> memref<1x79x128xi32, #tpu.memory_space<hbm>>
      %dma_start3A_38 = tpu.memref_squeeze %dma_start3A_37 : memref<1x79x128xi32, #tpu.memory_space<hbm>> -> memref<79x128xi32, #tpu.memory_space<hbm>>
      tpu.enqueue_dma source(%dma_start3A_38 : memref<79x128xi32, #tpu.memory_space<hbm>>) target(%arg9 : memref<79x128xi32, #tpu.memory_space<vmem>>) target_semaphore(%run_scoped3A : memref<!tpu.dma_semaphore, #tpu.memory_space<semaphore_mem>>)
      %dma_wait3A = arith.constant 0 : i32
      %dma_wait3A_39 = arith.constant 0 : i32
      %dma_wait3A_40 = tpu.memref_slice %arg4[%add3A, %dma_wait3A, %dma_wait3A_39] : memref<32x79x128xi32, #tpu.memory_space<hbm>> -> memref<1x79x128xi32, #tpu.memory_space<hbm>>
      %dma_wait3A_41 = tpu.memref_squeeze %dma_wait3A_40 : memref<1x79x128xi32, #tpu.memory_space<hbm>> -> memref<79x128xi32, #tpu.memory_space<hbm>>
      %dma_wait3A_42 = arith.constant 0 : i32
      %dma_wait3A_43 = arith.constant 0 : i32
      %dma_wait3A_44 = tpu.memref_slice %arg4[%add3A, %dma_wait3A_42, %dma_wait3A_43] : memref<32x79x128xi32, #tpu.memory_space<hbm>> -> memref<1x79x128xi32, #tpu.memory_space<hbm>>
      %dma_wait3A_45 = tpu.memref_squeeze %dma_wait3A_44 : memref<1x79x128xi32, #tpu.memory_space<hbm>> -> memref<79x128xi32, #tpu.memory_space<hbm>>
      tpu.wait_dma2 semaphore(%run_scoped3A : memref<!tpu.dma_semaphore, #tpu.memory_space<semaphore_mem>>) src(%dma_wait3A_45 : memref<79x128xi32, #tpu.memory_space<hbm>>) dst(%arg9 : memref<79x128xi32, #tpu.memory_space<vmem>>)
      tpu.yield
    }) : () -> ()
    %mul3A_1 = arith.constant 632 : i32
    %mul3A_2 = arith.muli %arg1, %mul3A_1 : i32
    %mul3A_3 = arith.constant 632 : i32
    %mul3A_4 = arith.muli %arg1, %mul3A_3 : i32
    "tpu.region"() ({
      %run_scoped3A = tpu.sem_alloc : memref<!tpu.dma_semaphore, #tpu.memory_space<semaphore_mem>>
      %dma_start3A_31 = arith.constant 0 : i32
      %dma_start3A_32 = tpu.memref_slice %arg12[%mul3A_4, %dma_start3A_31] : memref<10112x64xf32, #tpu.memory_space<vmem_shared>> -> memref<632x64xf32, #tpu.memory_space<vmem_shared>>
      %dma_start3A_33 = arith.constant 0 : i32
      %dma_start3A_34 = tpu.memref_slice %arg2[%mul3A_2, %dma_start3A_33] : memref<10112x64xf32, #tpu.memory_space<hbm>> -> memref<632x64xf32, #tpu.memory_space<hbm>>
      tpu.enqueue_dma source(%dma_start3A_34 : memref<632x64xf32, #tpu.memory_space<hbm>>) target(%dma_start3A_32 : memref<632x64xf32, #tpu.memory_space<vmem_shared>>) target_semaphore(%run_scoped3A : memref<!tpu.dma_semaphore, #tpu.memory_space<semaphore_mem>>)
      %dma_wait3A = arith.constant 0 : i32
      %dma_wait3A_35 = tpu.memref_slice %arg12[%mul3A_4, %dma_wait3A] : memref<10112x64xf32, #tpu.memory_space<vmem_shared>> -> memref<632x64xf32, #tpu.memory_space<vmem_shared>>
      %dma_wait3A_36 = arith.constant 0 : i32
      %dma_wait3A_37 = tpu.memref_slice %arg2[%mul3A_2, %dma_wait3A_36] : memref<10112x64xf32, #tpu.memory_space<hbm>> -> memref<632x64xf32, #tpu.memory_space<hbm>>
      tpu.wait_dma2 semaphore(%run_scoped3A : memref<!tpu.dma_semaphore, #tpu.memory_space<semaphore_mem>>) src(%dma_wait3A_37 : memref<632x64xf32, #tpu.memory_space<hbm>>) dst(%dma_wait3A_35 : memref<632x64xf32, #tpu.memory_space<vmem_shared>>)
      tpu.yield
    }) : () -> ()
    %mul3A_5 = arith.constant 632 : i32
    %mul3A_6 = arith.muli %arg1, %mul3A_5 : i32
    "tpu.region"() ({
      %run_scoped3A = tpu.sem_alloc : memref<!tpu.dma_semaphore, #tpu.memory_space<semaphore_mem>>
      %dma_start3A_31 = arith.constant 0 : i32
      %dma_start3A_32 = tpu.memref_slice %arg7[%mul3A_6, %dma_start3A_31] : memref<10112x64xf32, #tpu.memory_space<vmem_shared>> -> memref<632x64xf32, #tpu.memory_space<vmem_shared>>
      tpu.enqueue_dma source(%arg5 : memref<632x64xf32, #tpu.memory_space<hbm>>) target(%dma_start3A_32 : memref<632x64xf32, #tpu.memory_space<vmem_shared>>) target_semaphore(%run_scoped3A : memref<!tpu.dma_semaphore, #tpu.memory_space<semaphore_mem>>)
      %dma_wait3A = arith.constant 0 : i32
      %dma_wait3A_33 = tpu.memref_slice %arg7[%mul3A_6, %dma_wait3A] : memref<10112x64xf32, #tpu.memory_space<vmem_shared>> -> memref<632x64xf32, #tpu.memory_space<vmem_shared>>
      tpu.wait_dma2 semaphore(%run_scoped3A : memref<!tpu.dma_semaphore, #tpu.memory_space<semaphore_mem>>) src(%arg5 : memref<632x64xf32, #tpu.memory_space<hbm>>) dst(%dma_wait3A_33 : memref<632x64xf32, #tpu.memory_space<vmem_shared>>)
      tpu.yield
    }) : () -> ()
    %barrier3A = arith.constant 0 : index
    tpu.barrier barrier_id(%barrier3A)
    %dma_start3A = arith.constant 0 : i32
    %dma_start3A_7 = arith.constant 0 : i32
    %dma_start3A_8 = arith.constant 0 : i32
    %dma_start3A_9 = arith.constant 0 : i32
    %dma_start3A_10 = tpu.memref_slice %arg8[%dma_start3A_7, %dma_start3A_8, %dma_start3A_9] : memref<2x128x64xf32, #tpu.memory_space<vmem>> -> memref<1x128x64xf32, #tpu.memory_space<vmem>>
    %dma_start3A_11 = tpu.memref_squeeze %dma_start3A_10 : memref<1x128x64xf32, #tpu.memory_space<vmem>> -> memref<128x64xf32, #tpu.memory_space<vmem>>
    %dma_start3A_12 = arith.constant 0 : i32
    %dma_start3A_13 = tpu.memref_slice %arg11[%dma_start3A, %dma_start3A_12] : memref<79x128xi32, #tpu.memory_space<vmem>> -> memref<1x128xi32, #tpu.memory_space<vmem>>
    %dma_start3A_14 = tpu.memref_squeeze %dma_start3A_13 : memref<1x128xi32, #tpu.memory_space<vmem>> -> memref<128xi32, #tpu.memory_space<vmem>>
    %dma_start3A_15 = arith.constant 0 : i32
    %dma_start3A_16 = arith.constant 0 : i32
    %dma_start3A_17 = tpu.memref_slice %arg12[%dma_start3A_15, %dma_start3A_16] : memref<10112x64xf32, #tpu.memory_space<vmem_shared>> -> memref<10112x64xf32, #tpu.memory_space<vmem_shared>>
    tpu.enqueue_indirect_dma source(%dma_start3A_17 : memref<10112x64xf32, #tpu.memory_space<vmem_shared>>) target(%dma_start3A_11 : memref<128x64xf32, #tpu.memory_space<vmem>>) offsets(%dma_start3A_14 : memref<128xi32, #tpu.memory_space<vmem>>) semaphore(%arg10 : memref<!tpu.dma_semaphore, #tpu.memory_space<semaphore_mem>>)
    %scan3A = arith.constant 0 : i32
    %scan3A_18 = arith.constant 0 : i32
    %scan3A_19 = arith.constant 79 : i32
    %scan3A_20 = arith.addi %scan3A_18, %scan3A_19 : i32
    %scan3A_21 = arith.constant 1 : i32
    scf.for %scan3A_31 = %scan3A_18 to %scan3A_20 step %scan3A_21  : i32 {
      %rem3A = arith.constant 2 : i32
      %rem3A_32 = arith.remsi %scan3A_31, %rem3A : i32
      %add3A_33 = arith.constant 1 : i32
      %add3A_34 = arith.addi %scan3A_31, %add3A_33 : i32
      %lt3A = arith.constant 79 : i32
      %lt3A_35 = arith.cmpi slt, %add3A_34, %lt3A : i32
      %convert_element_type3A = arith.extui %lt3A_35 : i1 to i32
      %cond3A = arith.constant 0 : i32
      %cond3A_36 = arith.cmpi ne, %convert_element_type3A, %cond3A : i32
      scf.if %cond3A_36 {
        %add3A_46 = arith.constant 1 : i32
        %add3A_47 = arith.addi %scan3A_31, %add3A_46 : i32
        %sub3A = arith.constant 1 : i32
        %sub3A_48 = arith.subi %sub3A, %rem3A_32 : i32
        %dma_start3A_49 = arith.constant 0 : i32
        %dma_start3A_50 = arith.constant 0 : i32
        %dma_start3A_51 = tpu.memref_slice %arg8[%sub3A_48, %dma_start3A_49, %dma_start3A_50] : memref<2x128x64xf32, #tpu.memory_space<vmem>> -> memref<1x128x64xf32, #tpu.memory_space<vmem>>
        %dma_start3A_52 = tpu.memref_squeeze %dma_start3A_51 : memref<1x128x64xf32, #tpu.memory_space<vmem>> -> memref<128x64xf32, #tpu.memory_space<vmem>>
        %dma_start3A_53 = arith.constant 0 : i32
        %dma_start3A_54 = tpu.memref_slice %arg11[%add3A_47, %dma_start3A_53] : memref<79x128xi32, #tpu.memory_space<vmem>> -> memref<1x128xi32, #tpu.memory_space<vmem>>
        %dma_start3A_55 = tpu.memref_squeeze %dma_start3A_54 : memref<1x128xi32, #tpu.memory_space<vmem>> -> memref<128xi32, #tpu.memory_space<vmem>>
        %dma_start3A_56 = arith.constant 0 : i32
        %dma_start3A_57 = arith.constant 0 : i32
        %dma_start3A_58 = tpu.memref_slice %arg12[%dma_start3A_56, %dma_start3A_57] : memref<10112x64xf32, #tpu.memory_space<vmem_shared>> -> memref<10112x64xf32, #tpu.memory_space<vmem_shared>>
        tpu.enqueue_indirect_dma source(%dma_start3A_58 : memref<10112x64xf32, #tpu.memory_space<vmem_shared>>) target(%dma_start3A_52 : memref<128x64xf32, #tpu.memory_space<vmem>>) offsets(%dma_start3A_55 : memref<128xi32, #tpu.memory_space<vmem>>) semaphore(%arg10 : memref<!tpu.dma_semaphore, #tpu.memory_space<semaphore_mem>>)
      } else {
      }
      %dma_wait3A = arith.constant 0 : i32
      %dma_wait3A_37 = arith.constant 0 : i32
      %dma_wait3A_38 = tpu.memref_slice %arg8[%rem3A_32, %dma_wait3A, %dma_wait3A_37] : memref<2x128x64xf32, #tpu.memory_space<vmem>> -> memref<1x128x64xf32, #tpu.memory_space<vmem>>
      %dma_wait3A_39 = tpu.memref_squeeze %dma_wait3A_38 : memref<1x128x64xf32, #tpu.memory_space<vmem>> -> memref<128x64xf32, #tpu.memory_space<vmem>>
      %dma_wait3A_40 = arith.constant 0 : i32
      %dma_wait3A_41 = tpu.memref_slice %arg11[%scan3A_31, %dma_wait3A_40] : memref<79x128xi32, #tpu.memory_space<vmem>> -> memref<1x128xi32, #tpu.memory_space<vmem>>
      %dma_wait3A_42 = tpu.memref_squeeze %dma_wait3A_41 : memref<1x128xi32, #tpu.memory_space<vmem>> -> memref<128xi32, #tpu.memory_space<vmem>>
      %dma_wait3A_43 = arith.constant 0 : i32
      %dma_wait3A_44 = arith.constant 0 : i32
      %dma_wait3A_45 = tpu.memref_slice %arg12[%dma_wait3A_43, %dma_wait3A_44] : memref<10112x64xf32, #tpu.memory_space<vmem_shared>> -> memref<10112x64xf32, #tpu.memory_space<vmem_shared>>
      tpu.wait_indirect_dma semaphore(%arg10 : memref<!tpu.dma_semaphore, #tpu.memory_space<semaphore_mem>>) src(%dma_wait3A_45 : memref<10112x64xf32, #tpu.memory_space<vmem_shared>>) dst(%dma_wait3A_39 : memref<128x64xf32, #tpu.memory_space<vmem>>)
      "tpu.region"() ({
        %run_scoped3A = tpu.sem_alloc : memref<!tpu.dma_semaphore, #tpu.memory_space<semaphore_mem>>
        %dma_start3A_46 = arith.constant 0 : i32
        %dma_start3A_47 = arith.constant 0 : i32
        %dma_start3A_48 = tpu.memref_slice %arg8[%rem3A_32, %dma_start3A_46, %dma_start3A_47] : memref<2x128x64xf32, #tpu.memory_space<vmem>> -> memref<1x128x64xf32, #tpu.memory_space<vmem>>
        %dma_start3A_49 = tpu.memref_squeeze %dma_start3A_48 : memref<1x128x64xf32, #tpu.memory_space<vmem>> -> memref<128x64xf32, #tpu.memory_space<vmem>>
        %dma_start3A_50 = arith.constant 0 : i32
        %dma_start3A_51 = tpu.memref_slice %arg9[%scan3A_31, %dma_start3A_50] : memref<79x128xi32, #tpu.memory_space<vmem>> -> memref<1x128xi32, #tpu.memory_space<vmem>>
        %dma_start3A_52 = tpu.memref_squeeze %dma_start3A_51 : memref<1x128xi32, #tpu.memory_space<vmem>> -> memref<128xi32, #tpu.memory_space<vmem>>
        %dma_start3A_53 = arith.constant 0 : i32
        %dma_start3A_54 = arith.constant 0 : i32
        %dma_start3A_55 = tpu.memref_slice %arg7[%dma_start3A_53, %dma_start3A_54] : memref<10112x64xf32, #tpu.memory_space<vmem_shared>> -> memref<10112x64xf32, #tpu.memory_space<vmem_shared>>
        tpu.enqueue_indirect_dma source(%dma_start3A_49 : memref<128x64xf32, #tpu.memory_space<vmem>>) target(%dma_start3A_55 : memref<10112x64xf32, #tpu.memory_space<vmem_shared>>) offsets(%dma_start3A_52 : memref<128xi32, #tpu.memory_space<vmem>>) semaphore(%run_scoped3A : memref<!tpu.dma_semaphore, #tpu.memory_space<semaphore_mem>>) {add = true}
        %dma_wait3A_56 = arith.constant 0 : i32
        %dma_wait3A_57 = arith.constant 0 : i32
        %dma_wait3A_58 = tpu.memref_slice %arg8[%rem3A_32, %dma_wait3A_56, %dma_wait3A_57] : memref<2x128x64xf32, #tpu.memory_space<vmem>> -> memref<1x128x64xf32, #tpu.memory_space<vmem>>
        %dma_wait3A_59 = tpu.memref_squeeze %dma_wait3A_58 : memref<1x128x64xf32, #tpu.memory_space<vmem>> -> memref<128x64xf32, #tpu.memory_space<vmem>>
        %dma_wait3A_60 = arith.constant 0 : i32
        %dma_wait3A_61 = tpu.memref_slice %arg9[%scan3A_31, %dma_wait3A_60] : memref<79x128xi32, #tpu.memory_space<vmem>> -> memref<1x128xi32, #tpu.memory_space<vmem>>
        %dma_wait3A_62 = tpu.memref_squeeze %dma_wait3A_61 : memref<1x128xi32, #tpu.memory_space<vmem>> -> memref<128xi32, #tpu.memory_space<vmem>>
        %dma_wait3A_63 = arith.constant 0 : i32
        %dma_wait3A_64 = arith.constant 0 : i32
        %dma_wait3A_65 = tpu.memref_slice %arg7[%dma_wait3A_63, %dma_wait3A_64] : memref<10112x64xf32, #tpu.memory_space<vmem_shared>> -> memref<10112x64xf32, #tpu.memory_space<vmem_shared>>
        tpu.wait_indirect_dma semaphore(%run_scoped3A : memref<!tpu.dma_semaphore, #tpu.memory_space<semaphore_mem>>) src(%dma_wait3A_59 : memref<128x64xf32, #tpu.memory_space<vmem>>) dst(%dma_wait3A_65 : memref<10112x64xf32, #tpu.memory_space<vmem_shared>>)
        tpu.yield
      }) : () -> ()
    }
    %scan3A_22 = arith.constant 79 : i32
    %barrier3A_23 = arith.constant 0 : index
    tpu.barrier barrier_id(%barrier3A_23)
    %mul3A_24 = arith.constant 10112 : i32
    %mul3A_25 = arith.muli %arg0, %mul3A_24 : i32
    %mul3A_26 = arith.constant 632 : i32
    %mul3A_27 = arith.muli %arg1, %mul3A_26 : i32
    %add3A_28 = arith.addi %mul3A_25, %mul3A_27 : i32
    %mul3A_29 = arith.constant 632 : i32
    %mul3A_30 = arith.muli %arg1, %mul3A_29 : i32
    "tpu.region"() ({
      %run_scoped3A = tpu.sem_alloc : memref<!tpu.dma_semaphore, #tpu.memory_space<semaphore_mem>>
      %dma_start3A_31 = arith.constant 0 : i32
      %dma_start3A_32 = tpu.memref_slice %arg6[%add3A_28, %dma_start3A_31] : memref<20224x64xf32, #tpu.memory_space<hbm>> -> memref<632x64xf32, #tpu.memory_space<hbm>>
      %dma_start3A_33 = arith.constant 0 : i32
      %dma_start3A_34 = tpu.memref_slice %arg7[%mul3A_30, %dma_start3A_33] : memref<10112x64xf32, #tpu.memory_space<vmem_shared>> -> memref<632x64xf32, #tpu.memory_space<vmem_shared>>
      tpu.enqueue_dma source(%dma_start3A_34 : memref<632x64xf32, #tpu.memory_space<vmem_shared>>) target(%dma_start3A_32 : memref<632x64xf32, #tpu.memory_space<hbm>>) target_semaphore(%run_scoped3A : memref<!tpu.dma_semaphore, #tpu.memory_space<semaphore_mem>>)
      %dma_wait3A = arith.constant 0 : i32
      %dma_wait3A_35 = tpu.memref_slice %arg6[%add3A_28, %dma_wait3A] : memref<20224x64xf32, #tpu.memory_space<hbm>> -> memref<632x64xf32, #tpu.memory_space<hbm>>
      %dma_wait3A_36 = arith.constant 0 : i32
      %dma_wait3A_37 = tpu.memref_slice %arg7[%mul3A_30, %dma_wait3A_36] : memref<10112x64xf32, #tpu.memory_space<vmem_shared>> -> memref<632x64xf32, #tpu.memory_space<vmem_shared>>
      tpu.wait_dma2 semaphore(%run_scoped3A : memref<!tpu.dma_semaphore, #tpu.memory_space<semaphore_mem>>) src(%dma_wait3A_37 : memref<632x64xf32, #tpu.memory_space<vmem_shared>>) dst(%dma_wait3A_35 : memref<632x64xf32, #tpu.memory_space<hbm>>)
      tpu.yield
    }) : () -> ()
    return
  }
}

#map = affine_map<(d0, d1) -> (0, 0)>
#map1 = affine_map<(d0, d1) -> (0, 0, 0)>
module attributes {stable_mosaic.version = 14 : i64} {
  func.func @body(%arg0: i32, %arg1: i32, %arg2: memref<10112x64xf32, #tpu.memory_space<hbm>>, %arg3: memref<32x79x128xi32, #tpu.memory_space<hbm>>, %arg4: memref<32x79x128xi32, #tpu.memory_space<hbm>>, %arg5: memref<632x64xf32, #tpu.memory_space<hbm>>, %arg6: memref<20224x64xf32, #tpu.memory_space<hbm>>, %arg7: memref<10112x64xf32, #tpu.memory_space<vmem_shared>>, %arg8: memref<2x128x64xf32, #tpu.memory_space<vmem>>, %arg9: memref<79x128xi32, #tpu.memory_space<vmem>>, %arg10: memref<!tpu.dma_semaphore, #tpu.memory_space<semaphore_mem>>, %arg11: memref<79x128xi32, #tpu.memory_space<vmem>>, %arg12: memref<10112x64xf32, #tpu.memory_space<vmem_shared>>) attributes {dimension_semantics = [#tpu.dimension_semantics<core_parallel>, #tpu.dimension_semantics<subcore_parallel>], iteration_bounds = array<i64: 2, 16>, scalar_prefetch = 0 : i64, scratch_operands = 6 : i64, tpu.core_type = #tpu.core_type<sc_vector_subcore>, window_params = [{transform_indices = #map}, {transform_indices = #map1}, {transform_indices = #map1}, {transform_indices = #map}, {transform_indices = #map}]} {
    %mul3A = arith.constant 16 : i32
    %mul3A_0 = arith.muli %arg0, %mul3A : i32
    %add3A = arith.addi %mul3A_0, %arg1 : i32
    "tpu.region"() ({
      %run_scoped3A = tpu.sem_alloc : memref<!tpu.dma_semaphore, #tpu.memory_space<semaphore_mem>>
      %dma_start3A_31 = arith.constant 0 : i32
      %dma_start3A_32 = arith.constant 0 : i32
      %dma_start3A_33 = tpu.memref_slice %arg3[%add3A, %dma_start3A_31, %dma_start3A_32] : memref<32x79x128xi32, #tpu.memory_space<hbm>> -> memref<1x79x128xi32, #tpu.memory_space<hbm>>
      %dma_start3A_34 = tpu.memref_squeeze %dma_start3A_33 : memref<1x79x128xi32, #tpu.memory_space<hbm>> -> memref<79x128xi32, #tpu.memory_space<hbm>>
      %dma_start3A_35 = arith.constant 0 : i32
      %dma_start3A_36 = arith.constant 0 : i32
      %dma_start3A_37 = tpu.memref_slice %arg3[%add3A, %dma_start3A_35, %dma_start3A_36] : memref<32x79x128xi32, #tpu.memory_space<hbm>> -> memref<1x79x128xi32, #tpu.memory_space<hbm>>
      %dma_start3A_38 = tpu.memref_squeeze %dma_start3A_37 : memref<1x79x128xi32, #tpu.memory_space<hbm>> -> memref<79x128xi32, #tpu.memory_space<hbm>>
      tpu.enqueue_dma source(%dma_start3A_38 : memref<79x128xi32, #tpu.memory_space<hbm>>) target(%arg11 : memref<79x128xi32, #tpu.memory_space<vmem>>) target_semaphore(%run_scoped3A : memref<!tpu.dma_semaphore, #tpu.memory_space<semaphore_mem>>)
      %dma_wait3A = arith.constant 0 : i32
      %dma_wait3A_39 = arith.constant 0 : i32
      %dma_wait3A_40 = tpu.memref_slice %arg3[%add3A, %dma_wait3A, %dma_wait3A_39] : memref<32x79x128xi32, #tpu.memory_space<hbm>> -> memref<1x79x128xi32, #tpu.memory_space<hbm>>
      %dma_wait3A_41 = tpu.memref_squeeze %dma_wait3A_40 : memref<1x79x128xi32, #tpu.memory_space<hbm>> -> memref<79x128xi32, #tpu.memory_space<hbm>>
      %dma_wait3A_42 = arith.constant 0 : i32
      %dma_wait3A_43 = arith.constant 0 : i32
      %dma_wait3A_44 = tpu.memref_slice %arg3[%add3A, %dma_wait3A_42, %dma_wait3A_43] : memref<32x79x128xi32, #tpu.memory_space<hbm>> -> memref<1x79x128xi32, #tpu.memory_space<hbm>>
      %dma_wait3A_45 = tpu.memref_squeeze %dma_wait3A_44 : memref<1x79x128xi32, #tpu.memory_space<hbm>> -> memref<79x128xi32, #tpu.memory_space<hbm>>
      tpu.wait_dma2 semaphore(%run_scoped3A : memref<!tpu.dma_semaphore, #tpu.memory_space<semaphore_mem>>) src(%dma_wait3A_45 : memref<79x128xi32, #tpu.memory_space<hbm>>) dst(%arg11 : memref<79x128xi32, #tpu.memory_space<vmem>>)
      tpu.yield
    }) : () -> ()
    "tpu.region"() ({
      %run_scoped3A = tpu.sem_alloc : memref<!tpu.dma_semaphore, #tpu.memory_space<semaphore_mem>>
      %dma_start3A_31 = arith.constant 0 : i32
      %dma_start3A_32 = arith.constant 0 : i32
      %dma_start3A_33 = tpu.memref_slice %arg4[%add3A, %dma_start3A_31, %dma_start3A_32] : memref<32x79x128xi32, #tpu.memory_space<hbm>> -> memref<1x79x128xi32, #tpu.memory_space<hbm>>
      %dma_start3A_34 = tpu.memref_squeeze %dma_start3A_33 : memref<1x79x128xi32, #tpu.memory_space<hbm>> -> memref<79x128xi32, #tpu.memory_space<hbm>>
      %dma_start3A_35 = arith.constant 0 : i32
      %dma_start3A_36 = arith.constant 0 : i32
      %dma_start3A_37 = tpu.memref_slice %arg4[%add3A, %dma_start3A_35, %dma_start3A_36] : memref<32x79x128xi32, #tpu.memory_space<hbm>> -> memref<1x79x128xi32, #tpu.memory_space<hbm>>
      %dma_start3A_38 = tpu.memref_squeeze %dma_start3A_37 : memref<1x79x128xi32, #tpu.memory_space<hbm>> -> memref<79x128xi32, #tpu.memory_space<hbm>>
      tpu.enqueue_dma source(%dma_start3A_38 : memref<79x128xi32, #tpu.memory_space<hbm>>) target(%arg9 : memref<79x128xi32, #tpu.memory_space<vmem>>) target_semaphore(%run_scoped3A : memref<!tpu.dma_semaphore, #tpu.memory_space<semaphore_mem>>)
      %dma_wait3A = arith.constant 0 : i32
      %dma_wait3A_39 = arith.constant 0 : i32
      %dma_wait3A_40 = tpu.memref_slice %arg4[%add3A, %dma_wait3A, %dma_wait3A_39] : memref<32x79x128xi32, #tpu.memory_space<hbm>> -> memref<1x79x128xi32, #tpu.memory_space<hbm>>
      %dma_wait3A_41 = tpu.memref_squeeze %dma_wait3A_40 : memref<1x79x128xi32, #tpu.memory_space<hbm>> -> memref<79x128xi32, #tpu.memory_space<hbm>>
      %dma_wait3A_42 = arith.constant 0 : i32
      %dma_wait3A_43 = arith.constant 0 : i32
      %dma_wait3A_44 = tpu.memref_slice %arg4[%add3A, %dma_wait3A_42, %dma_wait3A_43] : memref<32x79x128xi32, #tpu.memory_space<hbm>> -> memref<1x79x128xi32, #tpu.memory_space<hbm>>
      %dma_wait3A_45 = tpu.memref_squeeze %dma_wait3A_44 : memref<1x79x128xi32, #tpu.memory_space<hbm>> -> memref<79x128xi32, #tpu.memory_space<hbm>>
      tpu.wait_dma2 semaphore(%run_scoped3A : memref<!tpu.dma_semaphore, #tpu.memory_space<semaphore_mem>>) src(%dma_wait3A_45 : memref<79x128xi32, #tpu.memory_space<hbm>>) dst(%arg9 : memref<79x128xi32, #tpu.memory_space<vmem>>)
      tpu.yield
    }) : () -> ()
    %mul3A_1 = arith.constant 632 : i32
    %mul3A_2 = arith.muli %arg1, %mul3A_1 : i32
    %mul3A_3 = arith.constant 632 : i32
    %mul3A_4 = arith.muli %arg1, %mul3A_3 : i32
    "tpu.region"() ({
      %run_scoped3A = tpu.sem_alloc : memref<!tpu.dma_semaphore, #tpu.memory_space<semaphore_mem>>
      %dma_start3A_31 = arith.constant 0 : i32
      %dma_start3A_32 = tpu.memref_slice %arg12[%mul3A_4, %dma_start3A_31] : memref<10112x64xf32, #tpu.memory_space<vmem_shared>> -> memref<632x64xf32, #tpu.memory_space<vmem_shared>>
      %dma_start3A_33 = arith.constant 0 : i32
      %dma_start3A_34 = tpu.memref_slice %arg2[%mul3A_2, %dma_start3A_33] : memref<10112x64xf32, #tpu.memory_space<hbm>> -> memref<632x64xf32, #tpu.memory_space<hbm>>
      tpu.enqueue_dma source(%dma_start3A_34 : memref<632x64xf32, #tpu.memory_space<hbm>>) target(%dma_start3A_32 : memref<632x64xf32, #tpu.memory_space<vmem_shared>>) target_semaphore(%run_scoped3A : memref<!tpu.dma_semaphore, #tpu.memory_space<semaphore_mem>>)
      %dma_wait3A = arith.constant 0 : i32
      %dma_wait3A_35 = tpu.memref_slice %arg12[%mul3A_4, %dma_wait3A] : memref<10112x64xf32, #tpu.memory_space<vmem_shared>> -> memref<632x64xf32, #tpu.memory_space<vmem_shared>>
      %dma_wait3A_36 = arith.constant 0 : i32
      %dma_wait3A_37 = tpu.memref_slice %arg2[%mul3A_2, %dma_wait3A_36] : memref<10112x64xf32, #tpu.memory_space<hbm>> -> memref<632x64xf32, #tpu.memory_space<hbm>>
      tpu.wait_dma2 semaphore(%run_scoped3A : memref<!tpu.dma_semaphore, #tpu.memory_space<semaphore_mem>>) src(%dma_wait3A_37 : memref<632x64xf32, #tpu.memory_space<hbm>>) dst(%dma_wait3A_35 : memref<632x64xf32, #tpu.memory_space<vmem_shared>>)
      tpu.yield
    }) : () -> ()
    %mul3A_5 = arith.constant 632 : i32
    %mul3A_6 = arith.muli %arg1, %mul3A_5 : i32
    "tpu.region"() ({
      %run_scoped3A = tpu.sem_alloc : memref<!tpu.dma_semaphore, #tpu.memory_space<semaphore_mem>>
      %dma_start3A_31 = arith.constant 0 : i32
      %dma_start3A_32 = tpu.memref_slice %arg7[%mul3A_6, %dma_start3A_31] : memref<10112x64xf32, #tpu.memory_space<vmem_shared>> -> memref<632x64xf32, #tpu.memory_space<vmem_shared>>
      tpu.enqueue_dma source(%arg5 : memref<632x64xf32, #tpu.memory_space<hbm>>) target(%dma_start3A_32 : memref<632x64xf32, #tpu.memory_space<vmem_shared>>) target_semaphore(%run_scoped3A : memref<!tpu.dma_semaphore, #tpu.memory_space<semaphore_mem>>)
      %dma_wait3A = arith.constant 0 : i32
      %dma_wait3A_33 = tpu.memref_slice %arg7[%mul3A_6, %dma_wait3A] : memref<10112x64xf32, #tpu.memory_space<vmem_shared>> -> memref<632x64xf32, #tpu.memory_space<vmem_shared>>
      tpu.wait_dma2 semaphore(%run_scoped3A : memref<!tpu.dma_semaphore, #tpu.memory_space<semaphore_mem>>) src(%arg5 : memref<632x64xf32, #tpu.memory_space<hbm>>) dst(%dma_wait3A_33 : memref<632x64xf32, #tpu.memory_space<vmem_shared>>)
      tpu.yield
    }) : () -> ()
    %barrier3A = arith.constant 0 : index
    tpu.barrier barrier_id(%barrier3A)
    %dma_start3A = arith.constant 0 : i32
    %dma_start3A_7 = arith.constant 0 : i32
    %dma_start3A_8 = arith.constant 0 : i32
    %dma_start3A_9 = arith.constant 0 : i32
    %dma_start3A_10 = tpu.memref_slice %arg8[%dma_start3A_7, %dma_start3A_8, %dma_start3A_9] : memref<2x128x64xf32, #tpu.memory_space<vmem>> -> memref<1x128x64xf32, #tpu.memory_space<vmem>>
    %dma_start3A_11 = tpu.memref_squeeze %dma_start3A_10 : memref<1x128x64xf32, #tpu.memory_space<vmem>> -> memref<128x64xf32, #tpu.memory_space<vmem>>
    %dma_start3A_12 = arith.constant 0 : i32
    %dma_start3A_13 = tpu.memref_slice %arg11[%dma_start3A, %dma_start3A_12] : memref<79x128xi32, #tpu.memory_space<vmem>> -> memref<1x128xi32, #tpu.memory_space<vmem>>
    %dma_start3A_14 = tpu.memref_squeeze %dma_start3A_13 : memref<1x128xi32, #tpu.memory_space<vmem>> -> memref<128xi32, #tpu.memory_space<vmem>>
    %dma_start3A_15 = arith.constant 0 : i32
    %dma_start3A_16 = arith.constant 0 : i32
    %dma_start3A_17 = tpu.memref_slice %arg12[%dma_start3A_15, %dma_start3A_16] : memref<10112x64xf32, #tpu.memory_space<vmem_shared>> -> memref<10112x64xf32, #tpu.memory_space<vmem_shared>>
    tpu.enqueue_indirect_dma source(%dma_start3A_17 : memref<10112x64xf32, #tpu.memory_space<vmem_shared>>) target(%dma_start3A_11 : memref<128x64xf32, #tpu.memory_space<vmem>>) offsets(%dma_start3A_14 : memref<128xi32, #tpu.memory_space<vmem>>) semaphore(%arg10 : memref<!tpu.dma_semaphore, #tpu.memory_space<semaphore_mem>>)
    %scan3A = arith.constant 0 : i32
    %scan3A_18 = arith.constant 0 : i32
    %scan3A_19 = arith.constant 79 : i32
    %scan3A_20 = arith.addi %scan3A_18, %scan3A_19 : i32
    %scan3A_21 = arith.constant 1 : i32
    scf.for %scan3A_31 = %scan3A_18 to %scan3A_20 step %scan3A_21  : i32 {
      %rem3A = arith.constant 2 : i32
      %rem3A_32 = arith.remsi %scan3A_31, %rem3A : i32
      %add3A_33 = arith.constant 1 : i32
      %add3A_34 = arith.addi %scan3A_31, %add3A_33 : i32
      %lt3A = arith.constant 79 : i32
      %lt3A_35 = arith.cmpi slt, %add3A_34, %lt3A : i32
      %convert_element_type3A = arith.extui %lt3A_35 : i1 to i32
      %cond3A = arith.constant 0 : i32
      %cond3A_36 = arith.cmpi ne, %convert_element_type3A, %cond3A : i32
      scf.if %cond3A_36 {
        %add3A_46 = arith.constant 1 : i32
        %add3A_47 = arith.addi %scan3A_31, %add3A_46 : i32
        %sub3A = arith.constant 1 : i32
        %sub3A_48 = arith.subi %sub3A, %rem3A_32 : i32
        %dma_start3A_49 = arith.constant 0 : i32
        %dma_start3A_50 = arith.constant 0 : i32
        %dma_start3A_51 = tpu.memref_slice %arg8[%sub3A_48, %dma_start3A_49, %dma_start3A_50] : memref<2x128x64xf32, #tpu.memory_space<vmem>> -> memref<1x128x64xf32, #tpu.memory_space<vmem>>
        %dma_start3A_52 = tpu.memref_squeeze %dma_start3A_51 : memref<1x128x64xf32, #tpu.memory_space<vmem>> -> memref<128x64xf32, #tpu.memory_space<vmem>>
        %dma_start3A_53 = arith.constant 0 : i32
        %dma_start3A_54 = tpu.memref_slice %arg11[%add3A_47, %dma_start3A_53] : memref<79x128xi32, #tpu.memory_space<vmem>> -> memref<1x128xi32, #tpu.memory_space<vmem>>
        %dma_start3A_55 = tpu.memref_squeeze %dma_start3A_54 : memref<1x128xi32, #tpu.memory_space<vmem>> -> memref<128xi32, #tpu.memory_space<vmem>>
        %dma_start3A_56 = arith.constant 0 : i32
        %dma_start3A_57 = arith.constant 0 : i32
        %dma_start3A_58 = tpu.memref_slice %arg12[%dma_start3A_56, %dma_start3A_57] : memref<10112x64xf32, #tpu.memory_space<vmem_shared>> -> memref<10112x64xf32, #tpu.memory_space<vmem_shared>>
        tpu.enqueue_indirect_dma source(%dma_start3A_58 : memref<10112x64xf32, #tpu.memory_space<vmem_shared>>) target(%dma_start3A_52 : memref<128x64xf32, #tpu.memory_space<vmem>>) offsets(%dma_start3A_55 : memref<128xi32, #tpu.memory_space<vmem>>) semaphore(%arg10 : memref<!tpu.dma_semaphore, #tpu.memory_space<semaphore_mem>>)
      } else {
      }
      %dma_wait3A = arith.constant 0 : i32
      %dma_wait3A_37 = arith.constant 0 : i32
      %dma_wait3A_38 = tpu.memref_slice %arg8[%rem3A_32, %dma_wait3A, %dma_wait3A_37] : memref<2x128x64xf32, #tpu.memory_space<vmem>> -> memref<1x128x64xf32, #tpu.memory_space<vmem>>
      %dma_wait3A_39 = tpu.memref_squeeze %dma_wait3A_38 : memref<1x128x64xf32, #tpu.memory_space<vmem>> -> memref<128x64xf32, #tpu.memory_space<vmem>>
      %dma_wait3A_40 = arith.constant 0 : i32
      %dma_wait3A_41 = tpu.memref_slice %arg11[%scan3A_31, %dma_wait3A_40] : memref<79x128xi32, #tpu.memory_space<vmem>> -> memref<1x128xi32, #tpu.memory_space<vmem>>
      %dma_wait3A_42 = tpu.memref_squeeze %dma_wait3A_41 : memref<1x128xi32, #tpu.memory_space<vmem>> -> memref<128xi32, #tpu.memory_space<vmem>>
      %dma_wait3A_43 = arith.constant 0 : i32
      %dma_wait3A_44 = arith.constant 0 : i32
      %dma_wait3A_45 = tpu.memref_slice %arg12[%dma_wait3A_43, %dma_wait3A_44] : memref<10112x64xf32, #tpu.memory_space<vmem_shared>> -> memref<10112x64xf32, #tpu.memory_space<vmem_shared>>
      tpu.wait_indirect_dma semaphore(%arg10 : memref<!tpu.dma_semaphore, #tpu.memory_space<semaphore_mem>>) src(%dma_wait3A_45 : memref<10112x64xf32, #tpu.memory_space<vmem_shared>>) dst(%dma_wait3A_39 : memref<128x64xf32, #tpu.memory_space<vmem>>)
      "tpu.region"() ({
        %run_scoped3A = tpu.sem_alloc : memref<!tpu.dma_semaphore, #tpu.memory_space<semaphore_mem>>
        %dma_start3A_46 = arith.constant 0 : i32
        %dma_start3A_47 = arith.constant 0 : i32
        %dma_start3A_48 = tpu.memref_slice %arg8[%rem3A_32, %dma_start3A_46, %dma_start3A_47] : memref<2x128x64xf32, #tpu.memory_space<vmem>> -> memref<1x128x64xf32, #tpu.memory_space<vmem>>
        %dma_start3A_49 = tpu.memref_squeeze %dma_start3A_48 : memref<1x128x64xf32, #tpu.memory_space<vmem>> -> memref<128x64xf32, #tpu.memory_space<vmem>>
        %dma_start3A_50 = arith.constant 0 : i32
        %dma_start3A_51 = tpu.memref_slice %arg9[%scan3A_31, %dma_start3A_50] : memref<79x128xi32, #tpu.memory_space<vmem>> -> memref<1x128xi32, #tpu.memory_space<vmem>>
        %dma_start3A_52 = tpu.memref_squeeze %dma_start3A_51 : memref<1x128xi32, #tpu.memory_space<vmem>> -> memref<128xi32, #tpu.memory_space<vmem>>
        %dma_start3A_53 = arith.constant 0 : i32
        %dma_start3A_54 = arith.constant 0 : i32
        %dma_start3A_55 = tpu.memref_slice %arg7[%dma_start3A_53, %dma_start3A_54] : memref<10112x64xf32, #tpu.memory_space<vmem_shared>> -> memref<10112x64xf32, #tpu.memory_space<vmem_shared>>
        tpu.enqueue_indirect_dma source(%dma_start3A_49 : memref<128x64xf32, #tpu.memory_space<vmem>>) target(%dma_start3A_55 : memref<10112x64xf32, #tpu.memory_space<vmem_shared>>) offsets(%dma_start3A_52 : memref<128xi32, #tpu.memory_space<vmem>>) semaphore(%run_scoped3A : memref<!tpu.dma_semaphore, #tpu.memory_space<semaphore_mem>>) {add = true}
        %dma_wait3A_56 = arith.constant 0 : i32
        %dma_wait3A_57 = arith.constant 0 : i32
        %dma_wait3A_58 = tpu.memref_slice %arg8[%rem3A_32, %dma_wait3A_56, %dma_wait3A_57] : memref<2x128x64xf32, #tpu.memory_space<vmem>> -> memref<1x128x64xf32, #tpu.memory_space<vmem>>
        %dma_wait3A_59 = tpu.memref_squeeze %dma_wait3A_58 : memref<1x128x64xf32, #tpu.memory_space<vmem>> -> memref<128x64xf32, #tpu.memory_space<vmem>>
        %dma_wait3A_60 = arith.constant 0 : i32
        %dma_wait3A_61 = tpu.memref_slice %arg9[%scan3A_31, %dma_wait3A_60] : memref<79x128xi32, #tpu.memory_space<vmem>> -> memref<1x128xi32, #tpu.memory_space<vmem>>
        %dma_wait3A_62 = tpu.memref_squeeze %dma_wait3A_61 : memref<1x128xi32, #tpu.memory_space<vmem>> -> memref<128xi32, #tpu.memory_space<vmem>>
        %dma_wait3A_63 = arith.constant 0 : i32
        %dma_wait3A_64 = arith.constant 0 : i32
        %dma_wait3A_65 = tpu.memref_slice %arg7[%dma_wait3A_63, %dma_wait3A_64] : memref<10112x64xf32, #tpu.memory_space<vmem_shared>> -> memref<10112x64xf32, #tpu.memory_space<vmem_shared>>
        tpu.wait_indirect_dma semaphore(%run_scoped3A : memref<!tpu.dma_semaphore, #tpu.memory_space<semaphore_mem>>) src(%dma_wait3A_59 : memref<128x64xf32, #tpu.memory_space<vmem>>) dst(%dma_wait3A_65 : memref<10112x64xf32, #tpu.memory_space<vmem_shared>>)
        tpu.yield
      }) : () -> ()
    }
    %scan3A_22 = arith.constant 79 : i32
    %barrier3A_23 = arith.constant 0 : index
    tpu.barrier barrier_id(%barrier3A_23)
    %mul3A_24 = arith.constant 10112 : i32
    %mul3A_25 = arith.muli %arg0, %mul3A_24 : i32
    %mul3A_26 = arith.constant 632 : i32
    %mul3A_27 = arith.muli %arg1, %mul3A_26 : i32
    %add3A_28 = arith.addi %mul3A_25, %mul3A_27 : i32
    %mul3A_29 = arith.constant 632 : i32
    %mul3A_30 = arith.muli %arg1, %mul3A_29 : i32
    "tpu.region"() ({
      %run_scoped3A = tpu.sem_alloc : memref<!tpu.dma_semaphore, #tpu.memory_space<semaphore_mem>>
      %dma_start3A_31 = arith.constant 0 : i32
      %dma_start3A_32 = tpu.memref_slice %arg6[%add3A_28, %dma_start3A_31] : memref<20224x64xf32, #tpu.memory_space<hbm>> -> memref<632x64xf32, #tpu.memory_space<hbm>>
      %dma_start3A_33 = arith.constant 0 : i32
      %dma_start3A_34 = tpu.memref_slice %arg7[%mul3A_30, %dma_start3A_33] : memref<10112x64xf32, #tpu.memory_space<vmem_shared>> -> memref<632x64xf32, #tpu.memory_space<vmem_shared>>
      tpu.enqueue_dma source(%dma_start3A_34 : memref<632x64xf32, #tpu.memory_space<vmem_shared>>) target(%dma_start3A_32 : memref<632x64xf32, #tpu.memory_space<hbm>>) target_semaphore(%run_scoped3A : memref<!tpu.dma_semaphore, #tpu.memory_space<semaphore_mem>>)
      %dma_wait3A = arith.constant 0 : i32
      %dma_wait3A_35 = tpu.memref_slice %arg6[%add3A_28, %dma_wait3A] : memref<20224x64xf32, #tpu.memory_space<hbm>> -> memref<632x64xf32, #tpu.memory_space<hbm>>
      %dma_wait3A_36 = arith.constant 0 : i32
      %dma_wait3A_37 = tpu.memref_slice %arg7[%mul3A_30, %dma_wait3A_36] : memref<10112x64xf32, #tpu.memory_space<vmem_shared>> -> memref<632x64xf32, #tpu.memory_space<vmem_shared>>
      tpu.wait_dma2 semaphore(%run_scoped3A : memref<!tpu.dma_semaphore, #tpu.memory_space<semaphore_mem>>) src(%dma_wait3A_37 : memref<632x64xf32, #tpu.memory_space<vmem_shared>>) dst(%dma_wait3A_35 : memref<632x64xf32, #tpu.memory_space<hbm>>)
      tpu.yield
    }) : () -> ()
    return
  }
}

#map = affine_map<(d0, d1) -> (0, 0, 0)>
#map1 = affine_map<(d0, d1) -> (0, 0, 0, 0)>
#map2 = affine_map<(d0, d1) -> (0, 0)>
module attributes {stable_mosaic.version = 14 : i64} {
  func.func @body(%arg0: i32, %arg1: i32, %arg2: memref<2x10112x64xf32, #tpu.memory_space<hbm>>, %arg3: memref<16x4x40x128xi32, #tpu.memory_space<hbm>>, %arg4: memref<16x4x40x128xi32, #tpu.memory_space<hbm>>, %arg5: memref<632x64xf32, #tpu.memory_space<hbm>>, %arg6: memref<632x16xf32, #tpu.memory_space<hbm>>, %arg7: memref<128x16xf32, #tpu.memory_space<hbm>>, %arg8: memref<20224x64xf32, #tpu.memory_space<hbm>>, %arg9: memref<10112x16xf32, #tpu.memory_space<hbm>>, %arg10: memref<10112x64xf32, #tpu.memory_space<vmem_shared>>, %arg11: memref<2x128x64xf32, #tpu.memory_space<vmem>>, %arg12: memref<10112x16xf32, #tpu.memory_space<vmem_shared>>, %arg13: memref<40x128xi32, #tpu.memory_space<vmem>>, %arg14: memref<128x16xf32, #tpu.memory_space<vmem>>, %arg15: memref<!tpu.dma_semaphore, #tpu.memory_space<semaphore_mem>>, %arg16: memref<40x128xi32, #tpu.memory_space<vmem>>, %arg17: memref<10112x64xf32, #tpu.memory_space<vmem_shared>>) attributes {dimension_semantics = [#tpu.dimension_semantics<core_parallel>, #tpu.dimension_semantics<subcore_parallel>], iteration_bounds = array<i64: 2, 16>, scalar_prefetch = 0 : i64, scratch_operands = 8 : i64, tpu.core_type = #tpu.core_type<sc_vector_subcore>, window_params = [{transform_indices = #map}, {transform_indices = #map1}, {transform_indices = #map1}, {transform_indices = #map2}, {transform_indices = #map2}, {transform_indices = #map2}, {transform_indices = #map2}, {transform_indices = #map2}]} {
    %mul3A = arith.constant 632 : i32
    %mul3A_0 = arith.muli %arg1, %mul3A : i32
    %mul3A_1 = arith.constant 632 : i32
    %mul3A_2 = arith.muli %arg1, %mul3A_1 : i32
    "tpu.region"() ({
      %run_scoped3A_96 = tpu.sem_alloc : memref<!tpu.dma_semaphore, #tpu.memory_space<semaphore_mem>>
      %dma_start3A_97 = arith.constant 0 : i32
      %dma_start3A_98 = tpu.memref_slice %arg17[%mul3A_2, %dma_start3A_97] : memref<10112x64xf32, #tpu.memory_space<vmem_shared>> -> memref<632x64xf32, #tpu.memory_space<vmem_shared>>
      %dma_start3A_99 = arith.constant 0 : i32
      %dma_start3A_100 = tpu.memref_slice %arg2[%arg0, %mul3A_0, %dma_start3A_99] : memref<2x10112x64xf32, #tpu.memory_space<hbm>> -> memref<1x632x64xf32, #tpu.memory_space<hbm>>
      %dma_start3A_101 = tpu.memref_squeeze %dma_start3A_100 : memref<1x632x64xf32, #tpu.memory_space<hbm>> -> memref<632x64xf32, #tpu.memory_space<hbm>>
      tpu.enqueue_dma source(%dma_start3A_101 : memref<632x64xf32, #tpu.memory_space<hbm>>) target(%dma_start3A_98 : memref<632x64xf32, #tpu.memory_space<vmem_shared>>) target_semaphore(%run_scoped3A_96 : memref<!tpu.dma_semaphore, #tpu.memory_space<semaphore_mem>>)
      %dma_wait3A = arith.constant 0 : i32
      %dma_wait3A_102 = tpu.memref_slice %arg17[%mul3A_2, %dma_wait3A] : memref<10112x64xf32, #tpu.memory_space<vmem_shared>> -> memref<632x64xf32, #tpu.memory_space<vmem_shared>>
      %dma_wait3A_103 = arith.constant 0 : i32
      %dma_wait3A_104 = tpu.memref_slice %arg2[%arg0, %mul3A_0, %dma_wait3A_103] : memref<2x10112x64xf32, #tpu.memory_space<hbm>> -> memref<1x632x64xf32, #tpu.memory_space<hbm>>
      %dma_wait3A_105 = tpu.memref_squeeze %dma_wait3A_104 : memref<1x632x64xf32, #tpu.memory_space<hbm>> -> memref<632x64xf32, #tpu.memory_space<hbm>>
      tpu.wait_dma2 semaphore(%run_scoped3A_96 : memref<!tpu.dma_semaphore, #tpu.memory_space<semaphore_mem>>) src(%dma_wait3A_105 : memref<632x64xf32, #tpu.memory_space<hbm>>) dst(%dma_wait3A_102 : memref<632x64xf32, #tpu.memory_space<vmem_shared>>)
      tpu.yield
    }) : () -> ()
    %mul3A_3 = arith.constant 632 : i32
    %mul3A_4 = arith.muli %arg1, %mul3A_3 : i32
    "tpu.region"() ({
      %run_scoped3A_96 = tpu.sem_alloc : memref<!tpu.dma_semaphore, #tpu.memory_space<semaphore_mem>>
      %dma_start3A_97 = arith.constant 0 : i32
      %dma_start3A_98 = tpu.memref_slice %arg10[%mul3A_4, %dma_start3A_97] : memref<10112x64xf32, #tpu.memory_space<vmem_shared>> -> memref<632x64xf32, #tpu.memory_space<vmem_shared>>
      tpu.enqueue_dma source(%arg5 : memref<632x64xf32, #tpu.memory_space<hbm>>) target(%dma_start3A_98 : memref<632x64xf32, #tpu.memory_space<vmem_shared>>) target_semaphore(%run_scoped3A_96 : memref<!tpu.dma_semaphore, #tpu.memory_space<semaphore_mem>>)
      %dma_wait3A = arith.constant 0 : i32
      %dma_wait3A_99 = tpu.memref_slice %arg10[%mul3A_4, %dma_wait3A] : memref<10112x64xf32, #tpu.memory_space<vmem_shared>> -> memref<632x64xf32, #tpu.memory_space<vmem_shared>>
      tpu.wait_dma2 semaphore(%run_scoped3A_96 : memref<!tpu.dma_semaphore, #tpu.memory_space<semaphore_mem>>) src(%arg5 : memref<632x64xf32, #tpu.memory_space<hbm>>) dst(%dma_wait3A_99 : memref<632x64xf32, #tpu.memory_space<vmem_shared>>)
      tpu.yield
    }) : () -> ()
    "tpu.region"() ({
      %run_scoped3A_96 = tpu.sem_alloc : memref<!tpu.dma_semaphore, #tpu.memory_space<semaphore_mem>>
      tpu.enqueue_dma source(%arg7 : memref<128x16xf32, #tpu.memory_space<hbm>>) target(%arg14 : memref<128x16xf32, #tpu.memory_space<vmem>>) target_semaphore(%run_scoped3A_96 : memref<!tpu.dma_semaphore, #tpu.memory_space<semaphore_mem>>)
      tpu.wait_dma2 semaphore(%run_scoped3A_96 : memref<!tpu.dma_semaphore, #tpu.memory_space<semaphore_mem>>) src(%arg7 : memref<128x16xf32, #tpu.memory_space<hbm>>) dst(%arg14 : memref<128x16xf32, #tpu.memory_space<vmem>>)
      tpu.yield
    }) : () -> ()
    %eq3A = arith.constant 0 : i32
    %eq3A_5 = arith.cmpi eq, %arg0, %eq3A : i32
    %convert_element_type3A = arith.extui %eq3A_5 : i1 to i32
    %cond3A = arith.constant 0 : i32
    %cond3A_6 = arith.cmpi ne, %convert_element_type3A, %cond3A : i32
    scf.if %cond3A_6 {
      %mul3A_96 = arith.constant 632 : i32
      %mul3A_97 = arith.muli %arg1, %mul3A_96 : i32
      "tpu.region"() ({
        %run_scoped3A_98 = tpu.sem_alloc : memref<!tpu.dma_semaphore, #tpu.memory_space<semaphore_mem>>
        %dma_start3A_99 = arith.constant 0 : i32
        %dma_start3A_100 = tpu.memref_slice %arg12[%mul3A_97, %dma_start3A_99] : memref<10112x16xf32, #tpu.memory_space<vmem_shared>> -> memref<632x16xf32, #tpu.memory_space<vmem_shared>>
        tpu.enqueue_dma source(%arg6 : memref<632x16xf32, #tpu.memory_space<hbm>>) target(%dma_start3A_100 : memref<632x16xf32, #tpu.memory_space<vmem_shared>>) target_semaphore(%run_scoped3A_98 : memref<!tpu.dma_semaphore, #tpu.memory_space<semaphore_mem>>)
        %dma_wait3A = arith.constant 0 : i32
        %dma_wait3A_101 = tpu.memref_slice %arg12[%mul3A_97, %dma_wait3A] : memref<10112x16xf32, #tpu.memory_space<vmem_shared>> -> memref<632x16xf32, #tpu.memory_space<vmem_shared>>
        tpu.wait_dma2 semaphore(%run_scoped3A_98 : memref<!tpu.dma_semaphore, #tpu.memory_space<semaphore_mem>>) src(%arg6 : memref<632x16xf32, #tpu.memory_space<hbm>>) dst(%dma_wait3A_101 : memref<632x16xf32, #tpu.memory_space<vmem_shared>>)
        tpu.yield
      }) : () -> ()
    } else {
    }
    %barrier3A = arith.constant 0 : index
    tpu.barrier barrier_id(%barrier3A)
    %run_scoped3A = arith.constant 0 : i32
    "tpu.region"() ({
      %run_scoped3A_96 = tpu.sem_alloc : memref<!tpu.dma_semaphore, #tpu.memory_space<semaphore_mem>>
      %dma_start3A_97 = arith.constant 0 : i32
      %dma_start3A_98 = arith.constant 0 : i32
      %dma_start3A_99 = tpu.memref_slice %arg3[%arg1, %run_scoped3A, %dma_start3A_97, %dma_start3A_98] : memref<16x4x40x128xi32, #tpu.memory_space<hbm>> -> memref<1x1x40x128xi32, #tpu.memory_space<hbm>>
      %dma_start3A_100 = tpu.memref_squeeze %dma_start3A_99 : memref<1x1x40x128xi32, #tpu.memory_space<hbm>> -> memref<40x128xi32, #tpu.memory_space<hbm>>
      %dma_start3A_101 = arith.constant 0 : i32
      %dma_start3A_102 = arith.constant 0 : i32
      %dma_start3A_103 = tpu.memref_slice %arg3[%arg1, %run_scoped3A, %dma_start3A_101, %dma_start3A_102] : memref<16x4x40x128xi32, #tpu.memory_space<hbm>> -> memref<1x1x40x128xi32, #tpu.memory_space<hbm>>
      %dma_start3A_104 = tpu.memref_squeeze %dma_start3A_103 : memref<1x1x40x128xi32, #tpu.memory_space<hbm>> -> memref<40x128xi32, #tpu.memory_space<hbm>>
      tpu.enqueue_dma source(%dma_start3A_104 : memref<40x128xi32, #tpu.memory_space<hbm>>) target(%arg16 : memref<40x128xi32, #tpu.memory_space<vmem>>) target_semaphore(%run_scoped3A_96 : memref<!tpu.dma_semaphore, #tpu.memory_space<semaphore_mem>>)
      %dma_wait3A = arith.constant 0 : i32
      %dma_wait3A_105 = arith.constant 0 : i32
      %dma_wait3A_106 = tpu.memref_slice %arg3[%arg1, %run_scoped3A, %dma_wait3A, %dma_wait3A_105] : memref<16x4x40x128xi32, #tpu.memory_space<hbm>> -> memref<1x1x40x128xi32, #tpu.memory_space<hbm>>
      %dma_wait3A_107 = tpu.memref_squeeze %dma_wait3A_106 : memref<1x1x40x128xi32, #tpu.memory_space<hbm>> -> memref<40x128xi32, #tpu.memory_space<hbm>>
      %dma_wait3A_108 = arith.constant 0 : i32
      %dma_wait3A_109 = arith.constant 0 : i32
      %dma_wait3A_110 = tpu.memref_slice %arg3[%arg1, %run_scoped3A, %dma_wait3A_108, %dma_wait3A_109] : memref<16x4x40x128xi32, #tpu.memory_space<hbm>> -> memref<1x1x40x128xi32, #tpu.memory_space<hbm>>
      %dma_wait3A_111 = tpu.memref_squeeze %dma_wait3A_110 : memref<1x1x40x128xi32, #tpu.memory_space<hbm>> -> memref<40x128xi32, #tpu.memory_space<hbm>>
      tpu.wait_dma2 semaphore(%run_scoped3A_96 : memref<!tpu.dma_semaphore, #tpu.memory_space<semaphore_mem>>) src(%dma_wait3A_111 : memref<40x128xi32, #tpu.memory_space<hbm>>) dst(%arg16 : memref<40x128xi32, #tpu.memory_space<vmem>>)
      tpu.yield
    }) : () -> ()
    %run_scoped3A_7 = arith.constant 0 : i32
    "tpu.region"() ({
      %run_scoped3A_96 = tpu.sem_alloc : memref<!tpu.dma_semaphore, #tpu.memory_space<semaphore_mem>>
      %dma_start3A_97 = arith.constant 0 : i32
      %dma_start3A_98 = arith.constant 0 : i32
      %dma_start3A_99 = tpu.memref_slice %arg4[%arg1, %run_scoped3A_7, %dma_start3A_97, %dma_start3A_98] : memref<16x4x40x128xi32, #tpu.memory_space<hbm>> -> memref<1x1x40x128xi32, #tpu.memory_space<hbm>>
      %dma_start3A_100 = tpu.memref_squeeze %dma_start3A_99 : memref<1x1x40x128xi32, #tpu.memory_space<hbm>> -> memref<40x128xi32, #tpu.memory_space<hbm>>
      %dma_start3A_101 = arith.constant 0 : i32
      %dma_start3A_102 = arith.constant 0 : i32
      %dma_start3A_103 = tpu.memref_slice %arg4[%arg1, %run_scoped3A_7, %dma_start3A_101, %dma_start3A_102] : memref<16x4x40x128xi32, #tpu.memory_space<hbm>> -> memref<1x1x40x128xi32, #tpu.memory_space<hbm>>
      %dma_start3A_104 = tpu.memref_squeeze %dma_start3A_103 : memref<1x1x40x128xi32, #tpu.memory_space<hbm>> -> memref<40x128xi32, #tpu.memory_space<hbm>>
      tpu.enqueue_dma source(%dma_start3A_104 : memref<40x128xi32, #tpu.memory_space<hbm>>) target(%arg13 : memref<40x128xi32, #tpu.memory_space<vmem>>) target_semaphore(%run_scoped3A_96 : memref<!tpu.dma_semaphore, #tpu.memory_space<semaphore_mem>>)
      %dma_wait3A = arith.constant 0 : i32
      %dma_wait3A_105 = arith.constant 0 : i32
      %dma_wait3A_106 = tpu.memref_slice %arg4[%arg1, %run_scoped3A_7, %dma_wait3A, %dma_wait3A_105] : memref<16x4x40x128xi32, #tpu.memory_space<hbm>> -> memref<1x1x40x128xi32, #tpu.memory_space<hbm>>
      %dma_wait3A_107 = tpu.memref_squeeze %dma_wait3A_106 : memref<1x1x40x128xi32, #tpu.memory_space<hbm>> -> memref<40x128xi32, #tpu.memory_space<hbm>>
      %dma_wait3A_108 = arith.constant 0 : i32
      %dma_wait3A_109 = arith.constant 0 : i32
      %dma_wait3A_110 = tpu.memref_slice %arg4[%arg1, %run_scoped3A_7, %dma_wait3A_108, %dma_wait3A_109] : memref<16x4x40x128xi32, #tpu.memory_space<hbm>> -> memref<1x1x40x128xi32, #tpu.memory_space<hbm>>
      %dma_wait3A_111 = tpu.memref_squeeze %dma_wait3A_110 : memref<1x1x40x128xi32, #tpu.memory_space<hbm>> -> memref<40x128xi32, #tpu.memory_space<hbm>>
      tpu.wait_dma2 semaphore(%run_scoped3A_96 : memref<!tpu.dma_semaphore, #tpu.memory_space<semaphore_mem>>) src(%dma_wait3A_111 : memref<40x128xi32, #tpu.memory_space<hbm>>) dst(%arg13 : memref<40x128xi32, #tpu.memory_space<vmem>>)
      tpu.yield
    }) : () -> ()
    %dma_start3A = arith.constant 0 : i32
    %dma_start3A_8 = arith.constant 0 : i32
    %dma_start3A_9 = arith.constant 0 : i32
    %dma_start3A_10 = arith.constant 0 : i32
    %dma_start3A_11 = tpu.memref_slice %arg11[%dma_start3A_8, %dma_start3A_9, %dma_start3A_10] : memref<2x128x64xf32, #tpu.memory_space<vmem>> -> memref<1x128x64xf32, #tpu.memory_space<vmem>>
    %dma_start3A_12 = tpu.memref_squeeze %dma_start3A_11 : memref<1x128x64xf32, #tpu.memory_space<vmem>> -> memref<128x64xf32, #tpu.memory_space<vmem>>
    %dma_start3A_13 = arith.constant 0 : i32
    %dma_start3A_14 = tpu.memref_slice %arg16[%dma_start3A, %dma_start3A_13] : memref<40x128xi32, #tpu.memory_space<vmem>> -> memref<1x128xi32, #tpu.memory_space<vmem>>
    %dma_start3A_15 = tpu.memref_squeeze %dma_start3A_14 : memref<1x128xi32, #tpu.memory_space<vmem>> -> memref<128xi32, #tpu.memory_space<vmem>>
    %dma_start3A_16 = arith.constant 0 : i32
    %dma_start3A_17 = arith.constant 0 : i32
    %dma_start3A_18 = tpu.memref_slice %arg17[%dma_start3A_16, %dma_start3A_17] : memref<10112x64xf32, #tpu.memory_space<vmem_shared>> -> memref<10112x64xf32, #tpu.memory_space<vmem_shared>>
    tpu.enqueue_indirect_dma source(%dma_start3A_18 : memref<10112x64xf32, #tpu.memory_space<vmem_shared>>) target(%dma_start3A_12 : memref<128x64xf32, #tpu.memory_space<vmem>>) offsets(%dma_start3A_15 : memref<128xi32, #tpu.memory_space<vmem>>) semaphore(%arg15 : memref<!tpu.dma_semaphore, #tpu.memory_space<semaphore_mem>>)
    %scan3A = arith.constant 0 : i32
    %scan3A_19 = arith.constant 0 : i32
    %scan3A_20 = arith.constant 40 : i32
    %scan3A_21 = arith.addi %scan3A_19, %scan3A_20 : i32
    %scan3A_22 = arith.constant 1 : i32
    scf.for %scan3A_96 = %scan3A_19 to %scan3A_21 step %scan3A_22  : i32 {
      %rem3A = arith.constant 2 : i32
      %rem3A_97 = arith.remsi %scan3A_96, %rem3A : i32
      %add3A_98 = arith.constant 1 : i32
      %add3A_99 = arith.addi %scan3A_96, %add3A_98 : i32
      %lt3A = arith.constant 40 : i32
      %lt3A_100 = arith.cmpi slt, %add3A_99, %lt3A : i32
      %convert_element_type3A_101 = arith.extui %lt3A_100 : i1 to i32
      %cond3A_102 = arith.constant 0 : i32
      %cond3A_103 = arith.cmpi ne, %convert_element_type3A_101, %cond3A_102 : i32
      scf.if %cond3A_103 {
        %add3A_118 = arith.constant 1 : i32
        %add3A_119 = arith.addi %scan3A_96, %add3A_118 : i32
        %sub3A = arith.constant 1 : i32
        %sub3A_120 = arith.subi %sub3A, %rem3A_97 : i32
        %dma_start3A_121 = arith.constant 0 : i32
        %dma_start3A_122 = arith.constant 0 : i32
        %dma_start3A_123 = tpu.memref_slice %arg11[%sub3A_120, %dma_start3A_121, %dma_start3A_122] : memref<2x128x64xf32, #tpu.memory_space<vmem>> -> memref<1x128x64xf32, #tpu.memory_space<vmem>>
        %dma_start3A_124 = tpu.memref_squeeze %dma_start3A_123 : memref<1x128x64xf32, #tpu.memory_space<vmem>> -> memref<128x64xf32, #tpu.memory_space<vmem>>
        %dma_start3A_125 = arith.constant 0 : i32
        %dma_start3A_126 = tpu.memref_slice %arg16[%add3A_119, %dma_start3A_125] : memref<40x128xi32, #tpu.memory_space<vmem>> -> memref<1x128xi32, #tpu.memory_space<vmem>>
        %dma_start3A_127 = tpu.memref_squeeze %dma_start3A_126 : memref<1x128xi32, #tpu.memory_space<vmem>> -> memref<128xi32, #tpu.memory_space<vmem>>
        %dma_start3A_128 = arith.constant 0 : i32
        %dma_start3A_129 = arith.constant 0 : i32
        %dma_start3A_130 = tpu.memref_slice %arg17[%dma_start3A_128, %dma_start3A_129] : memref<10112x64xf32, #tpu.memory_space<vmem_shared>> -> memref<10112x64xf32, #tpu.memory_space<vmem_shared>>
        tpu.enqueue_indirect_dma source(%dma_start3A_130 : memref<10112x64xf32, #tpu.memory_space<vmem_shared>>) target(%dma_start3A_124 : memref<128x64xf32, #tpu.memory_space<vmem>>) offsets(%dma_start3A_127 : memref<128xi32, #tpu.memory_space<vmem>>) semaphore(%arg15 : memref<!tpu.dma_semaphore, #tpu.memory_space<semaphore_mem>>)
      } else {
      }
      %dma_wait3A = arith.constant 0 : i32
      %dma_wait3A_104 = arith.constant 0 : i32
      %dma_wait3A_105 = tpu.memref_slice %arg11[%rem3A_97, %dma_wait3A, %dma_wait3A_104] : memref<2x128x64xf32, #tpu.memory_space<vmem>> -> memref<1x128x64xf32, #tpu.memory_space<vmem>>
      %dma_wait3A_106 = tpu.memref_squeeze %dma_wait3A_105 : memref<1x128x64xf32, #tpu.memory_space<vmem>> -> memref<128x64xf32, #tpu.memory_space<vmem>>
      %dma_wait3A_107 = arith.constant 0 : i32
      %dma_wait3A_108 = tpu.memref_slice %arg16[%scan3A_96, %dma_wait3A_107] : memref<40x128xi32, #tpu.memory_space<vmem>> -> memref<1x128xi32, #tpu.memory_space<vmem>>
      %dma_wait3A_109 = tpu.memref_squeeze %dma_wait3A_108 : memref<1x128xi32, #tpu.memory_space<vmem>> -> memref<128xi32, #tpu.memory_space<vmem>>
      %dma_wait3A_110 = arith.constant 0 : i32
      %dma_wait3A_111 = arith.constant 0 : i32
      %dma_wait3A_112 = tpu.memref_slice %arg17[%dma_wait3A_110, %dma_wait3A_111] : memref<10112x64xf32, #tpu.memory_space<vmem_shared>> -> memref<10112x64xf32, #tpu.memory_space<vmem_shared>>
      tpu.wait_indirect_dma semaphore(%arg15 : memref<!tpu.dma_semaphore, #tpu.memory_space<semaphore_mem>>) src(%dma_wait3A_112 : memref<10112x64xf32, #tpu.memory_space<vmem_shared>>) dst(%dma_wait3A_106 : memref<128x64xf32, #tpu.memory_space<vmem>>)
      "tpu.region"() ({
        %run_scoped3A_118 = tpu.sem_alloc : memref<!tpu.dma_semaphore, #tpu.memory_space<semaphore_mem>>
        %dma_start3A_119 = arith.constant 0 : i32
        %dma_start3A_120 = arith.constant 0 : i32
        %dma_start3A_121 = tpu.memref_slice %arg11[%rem3A_97, %dma_start3A_119, %dma_start3A_120] : memref<2x128x64xf32, #tpu.memory_space<vmem>> -> memref<1x128x64xf32, #tpu.memory_space<vmem>>
        %dma_start3A_122 = tpu.memref_squeeze %dma_start3A_121 : memref<1x128x64xf32, #tpu.memory_space<vmem>> -> memref<128x64xf32, #tpu.memory_space<vmem>>
        %dma_start3A_123 = arith.constant 0 : i32
        %dma_start3A_124 = tpu.memref_slice %arg13[%scan3A_96, %dma_start3A_123] : memref<40x128xi32, #tpu.memory_space<vmem>> -> memref<1x128xi32, #tpu.memory_space<vmem>>
        %dma_start3A_125 = tpu.memref_squeeze %dma_start3A_124 : memref<1x128xi32, #tpu.memory_space<vmem>> -> memref<128xi32, #tpu.memory_space<vmem>>
        %dma_start3A_126 = arith.constant 0 : i32
        %dma_start3A_127 = arith.constant 0 : i32
        %dma_start3A_128 = tpu.memref_slice %arg10[%dma_start3A_126, %dma_start3A_127] : memref<10112x64xf32, #tpu.memory_space<vmem_shared>> -> memref<10112x64xf32, #tpu.memory_space<vmem_shared>>
        tpu.enqueue_indirect_dma source(%dma_start3A_122 : memref<128x64xf32, #tpu.memory_space<vmem>>) target(%dma_start3A_128 : memref<10112x64xf32, #tpu.memory_space<vmem_shared>>) offsets(%dma_start3A_125 : memref<128xi32, #tpu.memory_space<vmem>>) semaphore(%run_scoped3A_118 : memref<!tpu.dma_semaphore, #tpu.memory_space<semaphore_mem>>) {add = true}
        %dma_wait3A_129 = arith.constant 0 : i32
        %dma_wait3A_130 = arith.constant 0 : i32
        %dma_wait3A_131 = tpu.memref_slice %arg11[%rem3A_97, %dma_wait3A_129, %dma_wait3A_130] : memref<2x128x64xf32, #tpu.memory_space<vmem>> -> memref<1x128x64xf32, #tpu.memory_space<vmem>>
        %dma_wait3A_132 = tpu.memref_squeeze %dma_wait3A_131 : memref<1x128x64xf32, #tpu.memory_space<vmem>> -> memref<128x64xf32, #tpu.memory_space<vmem>>
        %dma_wait3A_133 = arith.constant 0 : i32
        %dma_wait3A_134 = tpu.memref_slice %arg13[%scan3A_96, %dma_wait3A_133] : memref<40x128xi32, #tpu.memory_space<vmem>> -> memref<1x128xi32, #tpu.memory_space<vmem>>
        %dma_wait3A_135 = tpu.memref_squeeze %dma_wait3A_134 : memref<1x128xi32, #tpu.memory_space<vmem>> -> memref<128xi32, #tpu.memory_space<vmem>>
        %dma_wait3A_136 = arith.constant 0 : i32
        %dma_wait3A_137 = arith.constant 0 : i32
        %dma_wait3A_138 = tpu.memref_slice %arg10[%dma_wait3A_136, %dma_wait3A_137] : memref<10112x64xf32, #tpu.memory_space<vmem_shared>> -> memref<10112x64xf32, #tpu.memory_space<vmem_shared>>
        tpu.wait_indirect_dma semaphore(%run_scoped3A_118 : memref<!tpu.dma_semaphore, #tpu.memory_space<semaphore_mem>>) src(%dma_wait3A_132 : memref<128x64xf32, #tpu.memory_space<vmem>>) dst(%dma_wait3A_138 : memref<10112x64xf32, #tpu.memory_space<vmem_shared>>)
        tpu.yield
      }) : () -> ()
      %eq3A_113 = arith.constant 0 : i32
      %eq3A_114 = arith.cmpi eq, %arg0, %eq3A_113 : i32
      %convert_element_type3A_115 = arith.extui %eq3A_114 : i1 to i32
      %cond3A_116 = arith.constant 0 : i32
      %cond3A_117 = arith.cmpi ne, %convert_element_type3A_115, %cond3A_116 : i32
      scf.if %cond3A_117 {
        "tpu.region"() ({
          %run_scoped3A_118 = tpu.sem_alloc : memref<!tpu.dma_semaphore, #tpu.memory_space<semaphore_mem>>
          %dma_start3A_119 = arith.constant 0 : i32
          %dma_start3A_120 = tpu.memref_slice %arg13[%scan3A_96, %dma_start3A_119] : memref<40x128xi32, #tpu.memory_space<vmem>> -> memref<1x128xi32, #tpu.memory_space<vmem>>
          %dma_start3A_121 = tpu.memref_squeeze %dma_start3A_120 : memref<1x128xi32, #tpu.memory_space<vmem>> -> memref<128xi32, #tpu.memory_space<vmem>>
          %dma_start3A_122 = arith.constant 0 : i32
          %dma_start3A_123 = arith.constant 0 : i32
          %dma_start3A_124 = tpu.memref_slice %arg12[%dma_start3A_122, %dma_start3A_123] : memref<10112x16xf32, #tpu.memory_space<vmem_shared>> -> memref<10112x16xf32, #tpu.memory_space<vmem_shared>>
          tpu.enqueue_indirect_dma source(%arg14 : memref<128x16xf32, #tpu.memory_space<vmem>>) target(%dma_start3A_124 : memref<10112x16xf32, #tpu.memory_space<vmem_shared>>) offsets(%dma_start3A_121 : memref<128xi32, #tpu.memory_space<vmem>>) semaphore(%run_scoped3A_118 : memref<!tpu.dma_semaphore, #tpu.memory_space<semaphore_mem>>) {add = true}
          %dma_wait3A_125 = arith.constant 0 : i32
          %dma_wait3A_126 = tpu.memref_slice %arg13[%scan3A_96, %dma_wait3A_125] : memref<40x128xi32, #tpu.memory_space<vmem>> -> memref<1x128xi32, #tpu.memory_space<vmem>>
          %dma_wait3A_127 = tpu.memref_squeeze %dma_wait3A_126 : memref<1x128xi32, #tpu.memory_space<vmem>> -> memref<128xi32, #tpu.memory_space<vmem>>
          %dma_wait3A_128 = arith.constant 0 : i32
          %dma_wait3A_129 = arith.constant 0 : i32
          %dma_wait3A_130 = tpu.memref_slice %arg12[%dma_wait3A_128, %dma_wait3A_129] : memref<10112x16xf32, #tpu.memory_space<vmem_shared>> -> memref<10112x16xf32, #tpu.memory_space<vmem_shared>>
          tpu.wait_indirect_dma semaphore(%run_scoped3A_118 : memref<!tpu.dma_semaphore, #tpu.memory_space<semaphore_mem>>) src(%arg14 : memref<128x16xf32, #tpu.memory_space<vmem>>) dst(%dma_wait3A_130 : memref<10112x16xf32, #tpu.memory_space<vmem_shared>>)
          tpu.yield
        }) : () -> ()
      } else {
      }
    }
    %scan3A_23 = arith.constant 40 : i32
    %run_scoped3A_24 = arith.constant 1 : i32
    "tpu.region"() ({
      %run_scoped3A_96 = tpu.sem_alloc : memref<!tpu.dma_semaphore, #tpu.memory_space<semaphore_mem>>
      %dma_start3A_97 = arith.constant 0 : i32
      %dma_start3A_98 = arith.constant 0 : i32
      %dma_start3A_99 = tpu.memref_slice %arg3[%arg1, %run_scoped3A_24, %dma_start3A_97, %dma_start3A_98] : memref<16x4x40x128xi32, #tpu.memory_space<hbm>> -> memref<1x1x40x128xi32, #tpu.memory_space<hbm>>
      %dma_start3A_100 = tpu.memref_squeeze %dma_start3A_99 : memref<1x1x40x128xi32, #tpu.memory_space<hbm>> -> memref<40x128xi32, #tpu.memory_space<hbm>>
      %dma_start3A_101 = arith.constant 0 : i32
      %dma_start3A_102 = arith.constant 0 : i32
      %dma_start3A_103 = tpu.memref_slice %arg3[%arg1, %run_scoped3A_24, %dma_start3A_101, %dma_start3A_102] : memref<16x4x40x128xi32, #tpu.memory_space<hbm>> -> memref<1x1x40x128xi32, #tpu.memory_space<hbm>>
      %dma_start3A_104 = tpu.memref_squeeze %dma_start3A_103 : memref<1x1x40x128xi32, #tpu.memory_space<hbm>> -> memref<40x128xi32, #tpu.memory_space<hbm>>
      tpu.enqueue_dma source(%dma_start3A_104 : memref<40x128xi32, #tpu.memory_space<hbm>>) target(%arg16 : memref<40x128xi32, #tpu.memory_space<vmem>>) target_semaphore(%run_scoped3A_96 : memref<!tpu.dma_semaphore, #tpu.memory_space<semaphore_mem>>)
      %dma_wait3A = arith.constant 0 : i32
      %dma_wait3A_105 = arith.constant 0 : i32
      %dma_wait3A_106 = tpu.memref_slice %arg3[%arg1, %run_scoped3A_24, %dma_wait3A, %dma_wait3A_105] : memref<16x4x40x128xi32, #tpu.memory_space<hbm>> -> memref<1x1x40x128xi32, #tpu.memory_space<hbm>>
      %dma_wait3A_107 = tpu.memref_squeeze %dma_wait3A_106 : memref<1x1x40x128xi32, #tpu.memory_space<hbm>> -> memref<40x128xi32, #tpu.memory_space<hbm>>
      %dma_wait3A_108 = arith.constant 0 : i32
      %dma_wait3A_109 = arith.constant 0 : i32
      %dma_wait3A_110 = tpu.memref_slice %arg3[%arg1, %run_scoped3A_24, %dma_wait3A_108, %dma_wait3A_109] : memref<16x4x40x128xi32, #tpu.memory_space<hbm>> -> memref<1x1x40x128xi32, #tpu.memory_space<hbm>>
      %dma_wait3A_111 = tpu.memref_squeeze %dma_wait3A_110 : memref<1x1x40x128xi32, #tpu.memory_space<hbm>> -> memref<40x128xi32, #tpu.memory_space<hbm>>
      tpu.wait_dma2 semaphore(%run_scoped3A_96 : memref<!tpu.dma_semaphore, #tpu.memory_space<semaphore_mem>>) src(%dma_wait3A_111 : memref<40x128xi32, #tpu.memory_space<hbm>>) dst(%arg16 : memref<40x128xi32, #tpu.memory_space<vmem>>)
      tpu.yield
    }) : () -> ()
    %run_scoped3A_25 = arith.constant 1 : i32
    "tpu.region"() ({
      %run_scoped3A_96 = tpu.sem_alloc : memref<!tpu.dma_semaphore, #tpu.memory_space<semaphore_mem>>
      %dma_start3A_97 = arith.constant 0 : i32
      %dma_start3A_98 = arith.constant 0 : i32
      %dma_start3A_99 = tpu.memref_slice %arg4[%arg1, %run_scoped3A_25, %dma_start3A_97, %dma_start3A_98] : memref<16x4x40x128xi32, #tpu.memory_space<hbm>> -> memref<1x1x40x128xi32, #tpu.memory_space<hbm>>
      %dma_start3A_100 = tpu.memref_squeeze %dma_start3A_99 : memref<1x1x40x128xi32, #tpu.memory_space<hbm>> -> memref<40x128xi32, #tpu.memory_space<hbm>>
      %dma_start3A_101 = arith.constant 0 : i32
      %dma_start3A_102 = arith.constant 0 : i32
      %dma_start3A_103 = tpu.memref_slice %arg4[%arg1, %run_scoped3A_25, %dma_start3A_101, %dma_start3A_102] : memref<16x4x40x128xi32, #tpu.memory_space<hbm>> -> memref<1x1x40x128xi32, #tpu.memory_space<hbm>>
      %dma_start3A_104 = tpu.memref_squeeze %dma_start3A_103 : memref<1x1x40x128xi32, #tpu.memory_space<hbm>> -> memref<40x128xi32, #tpu.memory_space<hbm>>
      tpu.enqueue_dma source(%dma_start3A_104 : memref<40x128xi32, #tpu.memory_space<hbm>>) target(%arg13 : memref<40x128xi32, #tpu.memory_space<vmem>>) target_semaphore(%run_scoped3A_96 : memref<!tpu.dma_semaphore, #tpu.memory_space<semaphore_mem>>)
      %dma_wait3A = arith.constant 0 : i32
      %dma_wait3A_105 = arith.constant 0 : i32
      %dma_wait3A_106 = tpu.memref_slice %arg4[%arg1, %run_scoped3A_25, %dma_wait3A, %dma_wait3A_105] : memref<16x4x40x128xi32, #tpu.memory_space<hbm>> -> memref<1x1x40x128xi32, #tpu.memory_space<hbm>>
      %dma_wait3A_107 = tpu.memref_squeeze %dma_wait3A_106 : memref<1x1x40x128xi32, #tpu.memory_space<hbm>> -> memref<40x128xi32, #tpu.memory_space<hbm>>
      %dma_wait3A_108 = arith.constant 0 : i32
      %dma_wait3A_109 = arith.constant 0 : i32
      %dma_wait3A_110 = tpu.memref_slice %arg4[%arg1, %run_scoped3A_25, %dma_wait3A_108, %dma_wait3A_109] : memref<16x4x40x128xi32, #tpu.memory_space<hbm>> -> memref<1x1x40x128xi32, #tpu.memory_space<hbm>>
      %dma_wait3A_111 = tpu.memref_squeeze %dma_wait3A_110 : memref<1x1x40x128xi32, #tpu.memory_space<hbm>> -> memref<40x128xi32, #tpu.memory_space<hbm>>
      tpu.wait_dma2 semaphore(%run_scoped3A_96 : memref<!tpu.dma_semaphore, #tpu.memory_space<semaphore_mem>>) src(%dma_wait3A_111 : memref<40x128xi32, #tpu.memory_space<hbm>>) dst(%arg13 : memref<40x128xi32, #tpu.memory_space<vmem>>)
      tpu.yield
    }) : () -> ()
    %dma_start3A_26 = arith.constant 0 : i32
    %dma_start3A_27 = arith.constant 0 : i32
    %dma_start3A_28 = arith.constant 0 : i32
    %dma_start3A_29 = arith.constant 0 : i32
    %dma_start3A_30 = tpu.memref_slice %arg11[%dma_start3A_27, %dma_start3A_28, %dma_start3A_29] : memref<2x128x64xf32, #tpu.memory_space<vmem>> -> memref<1x128x64xf32, #tpu.memory_space<vmem>>
    %dma_start3A_31 = tpu.memref_squeeze %dma_start3A_30 : memref<1x128x64xf32, #tpu.memory_space<vmem>> -> memref<128x64xf32, #tpu.memory_space<vmem>>
    %dma_start3A_32 = arith.constant 0 : i32
    %dma_start3A_33 = tpu.memref_slice %arg16[%dma_start3A_26, %dma_start3A_32] : memref<40x128xi32, #tpu.memory_space<vmem>> -> memref<1x128xi32, #tpu.memory_space<vmem>>
    %dma_start3A_34 = tpu.memref_squeeze %dma_start3A_33 : memref<1x128xi32, #tpu.memory_space<vmem>> -> memref<128xi32, #tpu.memory_space<vmem>>
    %dma_start3A_35 = arith.constant 0 : i32
    %dma_start3A_36 = arith.constant 0 : i32
    %dma_start3A_37 = tpu.memref_slice %arg17[%dma_start3A_35, %dma_start3A_36] : memref<10112x64xf32, #tpu.memory_space<vmem_shared>> -> memref<10112x64xf32, #tpu.memory_space<vmem_shared>>
    tpu.enqueue_indirect_dma source(%dma_start3A_37 : memref<10112x64xf32, #tpu.memory_space<vmem_shared>>) target(%dma_start3A_31 : memref<128x64xf32, #tpu.memory_space<vmem>>) offsets(%dma_start3A_34 : memref<128xi32, #tpu.memory_space<vmem>>) semaphore(%arg15 : memref<!tpu.dma_semaphore, #tpu.memory_space<semaphore_mem>>)
    %scan3A_38 = arith.constant 0 : i32
    %scan3A_39 = arith.constant 0 : i32
    %scan3A_40 = arith.constant 40 : i32
    %scan3A_41 = arith.addi %scan3A_39, %scan3A_40 : i32
    %scan3A_42 = arith.constant 1 : i32
    scf.for %scan3A_96 = %scan3A_39 to %scan3A_41 step %scan3A_42  : i32 {
      %rem3A = arith.constant 2 : i32
      %rem3A_97 = arith.remsi %scan3A_96, %rem3A : i32
      %add3A_98 = arith.constant 1 : i32
      %add3A_99 = arith.addi %scan3A_96, %add3A_98 : i32
      %lt3A = arith.constant 40 : i32
      %lt3A_100 = arith.cmpi slt, %add3A_99, %lt3A : i32
      %convert_element_type3A_101 = arith.extui %lt3A_100 : i1 to i32
      %cond3A_102 = arith.constant 0 : i32
      %cond3A_103 = arith.cmpi ne, %convert_element_type3A_101, %cond3A_102 : i32
      scf.if %cond3A_103 {
        %add3A_118 = arith.constant 1 : i32
        %add3A_119 = arith.addi %scan3A_96, %add3A_118 : i32
        %sub3A = arith.constant 1 : i32
        %sub3A_120 = arith.subi %sub3A, %rem3A_97 : i32
        %dma_start3A_121 = arith.constant 0 : i32
        %dma_start3A_122 = arith.constant 0 : i32
        %dma_start3A_123 = tpu.memref_slice %arg11[%sub3A_120, %dma_start3A_121, %dma_start3A_122] : memref<2x128x64xf32, #tpu.memory_space<vmem>> -> memref<1x128x64xf32, #tpu.memory_space<vmem>>
        %dma_start3A_124 = tpu.memref_squeeze %dma_start3A_123 : memref<1x128x64xf32, #tpu.memory_space<vmem>> -> memref<128x64xf32, #tpu.memory_space<vmem>>
        %dma_start3A_125 = arith.constant 0 : i32
        %dma_start3A_126 = tpu.memref_slice %arg16[%add3A_119, %dma_start3A_125] : memref<40x128xi32, #tpu.memory_space<vmem>> -> memref<1x128xi32, #tpu.memory_space<vmem>>
        %dma_start3A_127 = tpu.memref_squeeze %dma_start3A_126 : memref<1x128xi32, #tpu.memory_space<vmem>> -> memref<128xi32, #tpu.memory_space<vmem>>
        %dma_start3A_128 = arith.constant 0 : i32
        %dma_start3A_129 = arith.constant 0 : i32
        %dma_start3A_130 = tpu.memref_slice %arg17[%dma_start3A_128, %dma_start3A_129] : memref<10112x64xf32, #tpu.memory_space<vmem_shared>> -> memref<10112x64xf32, #tpu.memory_space<vmem_shared>>
        tpu.enqueue_indirect_dma source(%dma_start3A_130 : memref<10112x64xf32, #tpu.memory_space<vmem_shared>>) target(%dma_start3A_124 : memref<128x64xf32, #tpu.memory_space<vmem>>) offsets(%dma_start3A_127 : memref<128xi32, #tpu.memory_space<vmem>>) semaphore(%arg15 : memref<!tpu.dma_semaphore, #tpu.memory_space<semaphore_mem>>)
      } else {
      }
      %dma_wait3A = arith.constant 0 : i32
      %dma_wait3A_104 = arith.constant 0 : i32
      %dma_wait3A_105 = tpu.memref_slice %arg11[%rem3A_97, %dma_wait3A, %dma_wait3A_104] : memref<2x128x64xf32, #tpu.memory_space<vmem>> -> memref<1x128x64xf32, #tpu.memory_space<vmem>>
      %dma_wait3A_106 = tpu.memref_squeeze %dma_wait3A_105 : memref<1x128x64xf32, #tpu.memory_space<vmem>> -> memref<128x64xf32, #tpu.memory_space<vmem>>
      %dma_wait3A_107 = arith.constant 0 : i32
      %dma_wait3A_108 = tpu.memref_slice %arg16[%scan3A_96, %dma_wait3A_107] : memref<40x128xi32, #tpu.memory_space<vmem>> -> memref<1x128xi32, #tpu.memory_space<vmem>>
      %dma_wait3A_109 = tpu.memref_squeeze %dma_wait3A_108 : memref<1x128xi32, #tpu.memory_space<vmem>> -> memref<128xi32, #tpu.memory_space<vmem>>
      %dma_wait3A_110 = arith.constant 0 : i32
      %dma_wait3A_111 = arith.constant 0 : i32
      %dma_wait3A_112 = tpu.memref_slice %arg17[%dma_wait3A_110, %dma_wait3A_111] : memref<10112x64xf32, #tpu.memory_space<vmem_shared>> -> memref<10112x64xf32, #tpu.memory_space<vmem_shared>>
      tpu.wait_indirect_dma semaphore(%arg15 : memref<!tpu.dma_semaphore, #tpu.memory_space<semaphore_mem>>) src(%dma_wait3A_112 : memref<10112x64xf32, #tpu.memory_space<vmem_shared>>) dst(%dma_wait3A_106 : memref<128x64xf32, #tpu.memory_space<vmem>>)
      "tpu.region"() ({
        %run_scoped3A_118 = tpu.sem_alloc : memref<!tpu.dma_semaphore, #tpu.memory_space<semaphore_mem>>
        %dma_start3A_119 = arith.constant 0 : i32
        %dma_start3A_120 = arith.constant 0 : i32
        %dma_start3A_121 = tpu.memref_slice %arg11[%rem3A_97, %dma_start3A_119, %dma_start3A_120] : memref<2x128x64xf32, #tpu.memory_space<vmem>> -> memref<1x128x64xf32, #tpu.memory_space<vmem>>
        %dma_start3A_122 = tpu.memref_squeeze %dma_start3A_121 : memref<1x128x64xf32, #tpu.memory_space<vmem>> -> memref<128x64xf32, #tpu.memory_space<vmem>>
        %dma_start3A_123 = arith.constant 0 : i32
        %dma_start3A_124 = tpu.memref_slice %arg13[%scan3A_96, %dma_start3A_123] : memref<40x128xi32, #tpu.memory_space<vmem>> -> memref<1x128xi32, #tpu.memory_space<vmem>>
        %dma_start3A_125 = tpu.memref_squeeze %dma_start3A_124 : memref<1x128xi32, #tpu.memory_space<vmem>> -> memref<128xi32, #tpu.memory_space<vmem>>
        %dma_start3A_126 = arith.constant 0 : i32
        %dma_start3A_127 = arith.constant 0 : i32
        %dma_start3A_128 = tpu.memref_slice %arg10[%dma_start3A_126, %dma_start3A_127] : memref<10112x64xf32, #tpu.memory_space<vmem_shared>> -> memref<10112x64xf32, #tpu.memory_space<vmem_shared>>
        tpu.enqueue_indirect_dma source(%dma_start3A_122 : memref<128x64xf32, #tpu.memory_space<vmem>>) target(%dma_start3A_128 : memref<10112x64xf32, #tpu.memory_space<vmem_shared>>) offsets(%dma_start3A_125 : memref<128xi32, #tpu.memory_space<vmem>>) semaphore(%run_scoped3A_118 : memref<!tpu.dma_semaphore, #tpu.memory_space<semaphore_mem>>) {add = true}
        %dma_wait3A_129 = arith.constant 0 : i32
        %dma_wait3A_130 = arith.constant 0 : i32
        %dma_wait3A_131 = tpu.memref_slice %arg11[%rem3A_97, %dma_wait3A_129, %dma_wait3A_130] : memref<2x128x64xf32, #tpu.memory_space<vmem>> -> memref<1x128x64xf32, #tpu.memory_space<vmem>>
        %dma_wait3A_132 = tpu.memref_squeeze %dma_wait3A_131 : memref<1x128x64xf32, #tpu.memory_space<vmem>> -> memref<128x64xf32, #tpu.memory_space<vmem>>
        %dma_wait3A_133 = arith.constant 0 : i32
        %dma_wait3A_134 = tpu.memref_slice %arg13[%scan3A_96, %dma_wait3A_133] : memref<40x128xi32, #tpu.memory_space<vmem>> -> memref<1x128xi32, #tpu.memory_space<vmem>>
        %dma_wait3A_135 = tpu.memref_squeeze %dma_wait3A_134 : memref<1x128xi32, #tpu.memory_space<vmem>> -> memref<128xi32, #tpu.memory_space<vmem>>
        %dma_wait3A_136 = arith.constant 0 : i32
        %dma_wait3A_137 = arith.constant 0 : i32
        %dma_wait3A_138 = tpu.memref_slice %arg10[%dma_wait3A_136, %dma_wait3A_137] : memref<10112x64xf32, #tpu.memory_space<vmem_shared>> -> memref<10112x64xf32, #tpu.memory_space<vmem_shared>>
        tpu.wait_indirect_dma semaphore(%run_scoped3A_118 : memref<!tpu.dma_semaphore, #tpu.memory_space<semaphore_mem>>) src(%dma_wait3A_132 : memref<128x64xf32, #tpu.memory_space<vmem>>) dst(%dma_wait3A_138 : memref<10112x64xf32, #tpu.memory_space<vmem_shared>>)
        tpu.yield
      }) : () -> ()
      %eq3A_113 = arith.constant 0 : i32
      %eq3A_114 = arith.cmpi eq, %arg0, %eq3A_113 : i32
      %convert_element_type3A_115 = arith.extui %eq3A_114 : i1 to i32
      %cond3A_116 = arith.constant 0 : i32
      %cond3A_117 = arith.cmpi ne, %convert_element_type3A_115, %cond3A_116 : i32
      scf.if %cond3A_117 {
        "tpu.region"() ({
          %run_scoped3A_118 = tpu.sem_alloc : memref<!tpu.dma_semaphore, #tpu.memory_space<semaphore_mem>>
          %dma_start3A_119 = arith.constant 0 : i32
          %dma_start3A_120 = tpu.memref_slice %arg13[%scan3A_96, %dma_start3A_119] : memref<40x128xi32, #tpu.memory_space<vmem>> -> memref<1x128xi32, #tpu.memory_space<vmem>>
          %dma_start3A_121 = tpu.memref_squeeze %dma_start3A_120 : memref<1x128xi32, #tpu.memory_space<vmem>> -> memref<128xi32, #tpu.memory_space<vmem>>
          %dma_start3A_122 = arith.constant 0 : i32
          %dma_start3A_123 = arith.constant 0 : i32
          %dma_start3A_124 = tpu.memref_slice %arg12[%dma_start3A_122, %dma_start3A_123] : memref<10112x16xf32, #tpu.memory_space<vmem_shared>> -> memref<10112x16xf32, #tpu.memory_space<vmem_shared>>
          tpu.enqueue_indirect_dma source(%arg14 : memref<128x16xf32, #tpu.memory_space<vmem>>) target(%dma_start3A_124 : memref<10112x16xf32, #tpu.memory_space<vmem_shared>>) offsets(%dma_start3A_121 : memref<128xi32, #tpu.memory_space<vmem>>) semaphore(%run_scoped3A_118 : memref<!tpu.dma_semaphore, #tpu.memory_space<semaphore_mem>>) {add = true}
          %dma_wait3A_125 = arith.constant 0 : i32
          %dma_wait3A_126 = tpu.memref_slice %arg13[%scan3A_96, %dma_wait3A_125] : memref<40x128xi32, #tpu.memory_space<vmem>> -> memref<1x128xi32, #tpu.memory_space<vmem>>
          %dma_wait3A_127 = tpu.memref_squeeze %dma_wait3A_126 : memref<1x128xi32, #tpu.memory_space<vmem>> -> memref<128xi32, #tpu.memory_space<vmem>>
          %dma_wait3A_128 = arith.constant 0 : i32
          %dma_wait3A_129 = arith.constant 0 : i32
          %dma_wait3A_130 = tpu.memref_slice %arg12[%dma_wait3A_128, %dma_wait3A_129] : memref<10112x16xf32, #tpu.memory_space<vmem_shared>> -> memref<10112x16xf32, #tpu.memory_space<vmem_shared>>
          tpu.wait_indirect_dma semaphore(%run_scoped3A_118 : memref<!tpu.dma_semaphore, #tpu.memory_space<semaphore_mem>>) src(%arg14 : memref<128x16xf32, #tpu.memory_space<vmem>>) dst(%dma_wait3A_130 : memref<10112x16xf32, #tpu.memory_space<vmem_shared>>)
          tpu.yield
        }) : () -> ()
      } else {
      }
    }
    %scan3A_43 = arith.constant 40 : i32
    %run_scoped3A_44 = arith.constant 2 : i32
    "tpu.region"() ({
      %run_scoped3A_96 = tpu.sem_alloc : memref<!tpu.dma_semaphore, #tpu.memory_space<semaphore_mem>>
      %dma_start3A_97 = arith.constant 0 : i32
      %dma_start3A_98 = arith.constant 0 : i32
      %dma_start3A_99 = tpu.memref_slice %arg3[%arg1, %run_scoped3A_44, %dma_start3A_97, %dma_start3A_98] : memref<16x4x40x128xi32, #tpu.memory_space<hbm>> -> memref<1x1x40x128xi32, #tpu.memory_space<hbm>>
      %dma_start3A_100 = tpu.memref_squeeze %dma_start3A_99 : memref<1x1x40x128xi32, #tpu.memory_space<hbm>> -> memref<40x128xi32, #tpu.memory_space<hbm>>
      %dma_start3A_101 = arith.constant 0 : i32
      %dma_start3A_102 = arith.constant 0 : i32
      %dma_start3A_103 = tpu.memref_slice %arg3[%arg1, %run_scoped3A_44, %dma_start3A_101, %dma_start3A_102] : memref<16x4x40x128xi32, #tpu.memory_space<hbm>> -> memref<1x1x40x128xi32, #tpu.memory_space<hbm>>
      %dma_start3A_104 = tpu.memref_squeeze %dma_start3A_103 : memref<1x1x40x128xi32, #tpu.memory_space<hbm>> -> memref<40x128xi32, #tpu.memory_space<hbm>>
      tpu.enqueue_dma source(%dma_start3A_104 : memref<40x128xi32, #tpu.memory_space<hbm>>) target(%arg16 : memref<40x128xi32, #tpu.memory_space<vmem>>) target_semaphore(%run_scoped3A_96 : memref<!tpu.dma_semaphore, #tpu.memory_space<semaphore_mem>>)
      %dma_wait3A = arith.constant 0 : i32
      %dma_wait3A_105 = arith.constant 0 : i32
      %dma_wait3A_106 = tpu.memref_slice %arg3[%arg1, %run_scoped3A_44, %dma_wait3A, %dma_wait3A_105] : memref<16x4x40x128xi32, #tpu.memory_space<hbm>> -> memref<1x1x40x128xi32, #tpu.memory_space<hbm>>
      %dma_wait3A_107 = tpu.memref_squeeze %dma_wait3A_106 : memref<1x1x40x128xi32, #tpu.memory_space<hbm>> -> memref<40x128xi32, #tpu.memory_space<hbm>>
      %dma_wait3A_108 = arith.constant 0 : i32
      %dma_wait3A_109 = arith.constant 0 : i32
      %dma_wait3A_110 = tpu.memref_slice %arg3[%arg1, %run_scoped3A_44, %dma_wait3A_108, %dma_wait3A_109] : memref<16x4x40x128xi32, #tpu.memory_space<hbm>> -> memref<1x1x40x128xi32, #tpu.memory_space<hbm>>
      %dma_wait3A_111 = tpu.memref_squeeze %dma_wait3A_110 : memref<1x1x40x128xi32, #tpu.memory_space<hbm>> -> memref<40x128xi32, #tpu.memory_space<hbm>>
      tpu.wait_dma2 semaphore(%run_scoped3A_96 : memref<!tpu.dma_semaphore, #tpu.memory_space<semaphore_mem>>) src(%dma_wait3A_111 : memref<40x128xi32, #tpu.memory_space<hbm>>) dst(%arg16 : memref<40x128xi32, #tpu.memory_space<vmem>>)
      tpu.yield
    }) : () -> ()
    %run_scoped3A_45 = arith.constant 2 : i32
    "tpu.region"() ({
      %run_scoped3A_96 = tpu.sem_alloc : memref<!tpu.dma_semaphore, #tpu.memory_space<semaphore_mem>>
      %dma_start3A_97 = arith.constant 0 : i32
      %dma_start3A_98 = arith.constant 0 : i32
      %dma_start3A_99 = tpu.memref_slice %arg4[%arg1, %run_scoped3A_45, %dma_start3A_97, %dma_start3A_98] : memref<16x4x40x128xi32, #tpu.memory_space<hbm>> -> memref<1x1x40x128xi32, #tpu.memory_space<hbm>>
      %dma_start3A_100 = tpu.memref_squeeze %dma_start3A_99 : memref<1x1x40x128xi32, #tpu.memory_space<hbm>> -> memref<40x128xi32, #tpu.memory_space<hbm>>
      %dma_start3A_101 = arith.constant 0 : i32
      %dma_start3A_102 = arith.constant 0 : i32
      %dma_start3A_103 = tpu.memref_slice %arg4[%arg1, %run_scoped3A_45, %dma_start3A_101, %dma_start3A_102] : memref<16x4x40x128xi32, #tpu.memory_space<hbm>> -> memref<1x1x40x128xi32, #tpu.memory_space<hbm>>
      %dma_start3A_104 = tpu.memref_squeeze %dma_start3A_103 : memref<1x1x40x128xi32, #tpu.memory_space<hbm>> -> memref<40x128xi32, #tpu.memory_space<hbm>>
      tpu.enqueue_dma source(%dma_start3A_104 : memref<40x128xi32, #tpu.memory_space<hbm>>) target(%arg13 : memref<40x128xi32, #tpu.memory_space<vmem>>) target_semaphore(%run_scoped3A_96 : memref<!tpu.dma_semaphore, #tpu.memory_space<semaphore_mem>>)
      %dma_wait3A = arith.constant 0 : i32
      %dma_wait3A_105 = arith.constant 0 : i32
      %dma_wait3A_106 = tpu.memref_slice %arg4[%arg1, %run_scoped3A_45, %dma_wait3A, %dma_wait3A_105] : memref<16x4x40x128xi32, #tpu.memory_space<hbm>> -> memref<1x1x40x128xi32, #tpu.memory_space<hbm>>
      %dma_wait3A_107 = tpu.memref_squeeze %dma_wait3A_106 : memref<1x1x40x128xi32, #tpu.memory_space<hbm>> -> memref<40x128xi32, #tpu.memory_space<hbm>>
      %dma_wait3A_108 = arith.constant 0 : i32
      %dma_wait3A_109 = arith.constant 0 : i32
      %dma_wait3A_110 = tpu.memref_slice %arg4[%arg1, %run_scoped3A_45, %dma_wait3A_108, %dma_wait3A_109] : memref<16x4x40x128xi32, #tpu.memory_space<hbm>> -> memref<1x1x40x128xi32, #tpu.memory_space<hbm>>
      %dma_wait3A_111 = tpu.memref_squeeze %dma_wait3A_110 : memref<1x1x40x128xi32, #tpu.memory_space<hbm>> -> memref<40x128xi32, #tpu.memory_space<hbm>>
      tpu.wait_dma2 semaphore(%run_scoped3A_96 : memref<!tpu.dma_semaphore, #tpu.memory_space<semaphore_mem>>) src(%dma_wait3A_111 : memref<40x128xi32, #tpu.memory_space<hbm>>) dst(%arg13 : memref<40x128xi32, #tpu.memory_space<vmem>>)
      tpu.yield
    }) : () -> ()
    %dma_start3A_46 = arith.constant 0 : i32
    %dma_start3A_47 = arith.constant 0 : i32
    %dma_start3A_48 = arith.constant 0 : i32
    %dma_start3A_49 = arith.constant 0 : i32
    %dma_start3A_50 = tpu.memref_slice %arg11[%dma_start3A_47, %dma_start3A_48, %dma_start3A_49] : memref<2x128x64xf32, #tpu.memory_space<vmem>> -> memref<1x128x64xf32, #tpu.memory_space<vmem>>
    %dma_start3A_51 = tpu.memref_squeeze %dma_start3A_50 : memref<1x128x64xf32, #tpu.memory_space<vmem>> -> memref<128x64xf32, #tpu.memory_space<vmem>>
    %dma_start3A_52 = arith.constant 0 : i32
    %dma_start3A_53 = tpu.memref_slice %arg16[%dma_start3A_46, %dma_start3A_52] : memref<40x128xi32, #tpu.memory_space<vmem>> -> memref<1x128xi32, #tpu.memory_space<vmem>>
    %dma_start3A_54 = tpu.memref_squeeze %dma_start3A_53 : memref<1x128xi32, #tpu.memory_space<vmem>> -> memref<128xi32, #tpu.memory_space<vmem>>
    %dma_start3A_55 = arith.constant 0 : i32
    %dma_start3A_56 = arith.constant 0 : i32
    %dma_start3A_57 = tpu.memref_slice %arg17[%dma_start3A_55, %dma_start3A_56] : memref<10112x64xf32, #tpu.memory_space<vmem_shared>> -> memref<10112x64xf32, #tpu.memory_space<vmem_shared>>
    tpu.enqueue_indirect_dma source(%dma_start3A_57 : memref<10112x64xf32, #tpu.memory_space<vmem_shared>>) target(%dma_start3A_51 : memref<128x64xf32, #tpu.memory_space<vmem>>) offsets(%dma_start3A_54 : memref<128xi32, #tpu.memory_space<vmem>>) semaphore(%arg15 : memref<!tpu.dma_semaphore, #tpu.memory_space<semaphore_mem>>)
    %scan3A_58 = arith.constant 0 : i32
    %scan3A_59 = arith.constant 0 : i32
    %scan3A_60 = arith.constant 40 : i32
    %scan3A_61 = arith.addi %scan3A_59, %scan3A_60 : i32
    %scan3A_62 = arith.constant 1 : i32
    scf.for %scan3A_96 = %scan3A_59 to %scan3A_61 step %scan3A_62  : i32 {
      %rem3A = arith.constant 2 : i32
      %rem3A_97 = arith.remsi %scan3A_96, %rem3A : i32
      %add3A_98 = arith.constant 1 : i32
      %add3A_99 = arith.addi %scan3A_96, %add3A_98 : i32
      %lt3A = arith.constant 40 : i32
      %lt3A_100 = arith.cmpi slt, %add3A_99, %lt3A : i32
      %convert_element_type3A_101 = arith.extui %lt3A_100 : i1 to i32
      %cond3A_102 = arith.constant 0 : i32
      %cond3A_103 = arith.cmpi ne, %convert_element_type3A_101, %cond3A_102 : i32
      scf.if %cond3A_103 {
        %add3A_118 = arith.constant 1 : i32
        %add3A_119 = arith.addi %scan3A_96, %add3A_118 : i32
        %sub3A = arith.constant 1 : i32
        %sub3A_120 = arith.subi %sub3A, %rem3A_97 : i32
        %dma_start3A_121 = arith.constant 0 : i32
        %dma_start3A_122 = arith.constant 0 : i32
        %dma_start3A_123 = tpu.memref_slice %arg11[%sub3A_120, %dma_start3A_121, %dma_start3A_122] : memref<2x128x64xf32, #tpu.memory_space<vmem>> -> memref<1x128x64xf32, #tpu.memory_space<vmem>>
        %dma_start3A_124 = tpu.memref_squeeze %dma_start3A_123 : memref<1x128x64xf32, #tpu.memory_space<vmem>> -> memref<128x64xf32, #tpu.memory_space<vmem>>
        %dma_start3A_125 = arith.constant 0 : i32
        %dma_start3A_126 = tpu.memref_slice %arg16[%add3A_119, %dma_start3A_125] : memref<40x128xi32, #tpu.memory_space<vmem>> -> memref<1x128xi32, #tpu.memory_space<vmem>>
        %dma_start3A_127 = tpu.memref_squeeze %dma_start3A_126 : memref<1x128xi32, #tpu.memory_space<vmem>> -> memref<128xi32, #tpu.memory_space<vmem>>
        %dma_start3A_128 = arith.constant 0 : i32
        %dma_start3A_129 = arith.constant 0 : i32
        %dma_start3A_130 = tpu.memref_slice %arg17[%dma_start3A_128, %dma_start3A_129] : memref<10112x64xf32, #tpu.memory_space<vmem_shared>> -> memref<10112x64xf32, #tpu.memory_space<vmem_shared>>
        tpu.enqueue_indirect_dma source(%dma_start3A_130 : memref<10112x64xf32, #tpu.memory_space<vmem_shared>>) target(%dma_start3A_124 : memref<128x64xf32, #tpu.memory_space<vmem>>) offsets(%dma_start3A_127 : memref<128xi32, #tpu.memory_space<vmem>>) semaphore(%arg15 : memref<!tpu.dma_semaphore, #tpu.memory_space<semaphore_mem>>)
      } else {
      }
      %dma_wait3A = arith.constant 0 : i32
      %dma_wait3A_104 = arith.constant 0 : i32
      %dma_wait3A_105 = tpu.memref_slice %arg11[%rem3A_97, %dma_wait3A, %dma_wait3A_104] : memref<2x128x64xf32, #tpu.memory_space<vmem>> -> memref<1x128x64xf32, #tpu.memory_space<vmem>>
      %dma_wait3A_106 = tpu.memref_squeeze %dma_wait3A_105 : memref<1x128x64xf32, #tpu.memory_space<vmem>> -> memref<128x64xf32, #tpu.memory_space<vmem>>
      %dma_wait3A_107 = arith.constant 0 : i32
      %dma_wait3A_108 = tpu.memref_slice %arg16[%scan3A_96, %dma_wait3A_107] : memref<40x128xi32, #tpu.memory_space<vmem>> -> memref<1x128xi32, #tpu.memory_space<vmem>>
      %dma_wait3A_109 = tpu.memref_squeeze %dma_wait3A_108 : memref<1x128xi32, #tpu.memory_space<vmem>> -> memref<128xi32, #tpu.memory_space<vmem>>
      %dma_wait3A_110 = arith.constant 0 : i32
      %dma_wait3A_111 = arith.constant 0 : i32
      %dma_wait3A_112 = tpu.memref_slice %arg17[%dma_wait3A_110, %dma_wait3A_111] : memref<10112x64xf32, #tpu.memory_space<vmem_shared>> -> memref<10112x64xf32, #tpu.memory_space<vmem_shared>>
      tpu.wait_indirect_dma semaphore(%arg15 : memref<!tpu.dma_semaphore, #tpu.memory_space<semaphore_mem>>) src(%dma_wait3A_112 : memref<10112x64xf32, #tpu.memory_space<vmem_shared>>) dst(%dma_wait3A_106 : memref<128x64xf32, #tpu.memory_space<vmem>>)
      "tpu.region"() ({
        %run_scoped3A_118 = tpu.sem_alloc : memref<!tpu.dma_semaphore, #tpu.memory_space<semaphore_mem>>
        %dma_start3A_119 = arith.constant 0 : i32
        %dma_start3A_120 = arith.constant 0 : i32
        %dma_start3A_121 = tpu.memref_slice %arg11[%rem3A_97, %dma_start3A_119, %dma_start3A_120] : memref<2x128x64xf32, #tpu.memory_space<vmem>> -> memref<1x128x64xf32, #tpu.memory_space<vmem>>
        %dma_start3A_122 = tpu.memref_squeeze %dma_start3A_121 : memref<1x128x64xf32, #tpu.memory_space<vmem>> -> memref<128x64xf32, #tpu.memory_space<vmem>>
        %dma_start3A_123 = arith.constant 0 : i32
        %dma_start3A_124 = tpu.memref_slice %arg13[%scan3A_96, %dma_start3A_123] : memref<40x128xi32, #tpu.memory_space<vmem>> -> memref<1x128xi32, #tpu.memory_space<vmem>>
        %dma_start3A_125 = tpu.memref_squeeze %dma_start3A_124 : memref<1x128xi32, #tpu.memory_space<vmem>> -> memref<128xi32, #tpu.memory_space<vmem>>
        %dma_start3A_126 = arith.constant 0 : i32
        %dma_start3A_127 = arith.constant 0 : i32
        %dma_start3A_128 = tpu.memref_slice %arg10[%dma_start3A_126, %dma_start3A_127] : memref<10112x64xf32, #tpu.memory_space<vmem_shared>> -> memref<10112x64xf32, #tpu.memory_space<vmem_shared>>
        tpu.enqueue_indirect_dma source(%dma_start3A_122 : memref<128x64xf32, #tpu.memory_space<vmem>>) target(%dma_start3A_128 : memref<10112x64xf32, #tpu.memory_space<vmem_shared>>) offsets(%dma_start3A_125 : memref<128xi32, #tpu.memory_space<vmem>>) semaphore(%run_scoped3A_118 : memref<!tpu.dma_semaphore, #tpu.memory_space<semaphore_mem>>) {add = true}
        %dma_wait3A_129 = arith.constant 0 : i32
        %dma_wait3A_130 = arith.constant 0 : i32
        %dma_wait3A_131 = tpu.memref_slice %arg11[%rem3A_97, %dma_wait3A_129, %dma_wait3A_130] : memref<2x128x64xf32, #tpu.memory_space<vmem>> -> memref<1x128x64xf32, #tpu.memory_space<vmem>>
        %dma_wait3A_132 = tpu.memref_squeeze %dma_wait3A_131 : memref<1x128x64xf32, #tpu.memory_space<vmem>> -> memref<128x64xf32, #tpu.memory_space<vmem>>
        %dma_wait3A_133 = arith.constant 0 : i32
        %dma_wait3A_134 = tpu.memref_slice %arg13[%scan3A_96, %dma_wait3A_133] : memref<40x128xi32, #tpu.memory_space<vmem>> -> memref<1x128xi32, #tpu.memory_space<vmem>>
        %dma_wait3A_135 = tpu.memref_squeeze %dma_wait3A_134 : memref<1x128xi32, #tpu.memory_space<vmem>> -> memref<128xi32, #tpu.memory_space<vmem>>
        %dma_wait3A_136 = arith.constant 0 : i32
        %dma_wait3A_137 = arith.constant 0 : i32
        %dma_wait3A_138 = tpu.memref_slice %arg10[%dma_wait3A_136, %dma_wait3A_137] : memref<10112x64xf32, #tpu.memory_space<vmem_shared>> -> memref<10112x64xf32, #tpu.memory_space<vmem_shared>>
        tpu.wait_indirect_dma semaphore(%run_scoped3A_118 : memref<!tpu.dma_semaphore, #tpu.memory_space<semaphore_mem>>) src(%dma_wait3A_132 : memref<128x64xf32, #tpu.memory_space<vmem>>) dst(%dma_wait3A_138 : memref<10112x64xf32, #tpu.memory_space<vmem_shared>>)
        tpu.yield
      }) : () -> ()
      %eq3A_113 = arith.constant 0 : i32
      %eq3A_114 = arith.cmpi eq, %arg0, %eq3A_113 : i32
      %convert_element_type3A_115 = arith.extui %eq3A_114 : i1 to i32
      %cond3A_116 = arith.constant 0 : i32
      %cond3A_117 = arith.cmpi ne, %convert_element_type3A_115, %cond3A_116 : i32
      scf.if %cond3A_117 {
        "tpu.region"() ({
          %run_scoped3A_118 = tpu.sem_alloc : memref<!tpu.dma_semaphore, #tpu.memory_space<semaphore_mem>>
          %dma_start3A_119 = arith.constant 0 : i32
          %dma_start3A_120 = tpu.memref_slice %arg13[%scan3A_96, %dma_start3A_119] : memref<40x128xi32, #tpu.memory_space<vmem>> -> memref<1x128xi32, #tpu.memory_space<vmem>>
          %dma_start3A_121 = tpu.memref_squeeze %dma_start3A_120 : memref<1x128xi32, #tpu.memory_space<vmem>> -> memref<128xi32, #tpu.memory_space<vmem>>
          %dma_start3A_122 = arith.constant 0 : i32
          %dma_start3A_123 = arith.constant 0 : i32
          %dma_start3A_124 = tpu.memref_slice %arg12[%dma_start3A_122, %dma_start3A_123] : memref<10112x16xf32, #tpu.memory_space<vmem_shared>> -> memref<10112x16xf32, #tpu.memory_space<vmem_shared>>
          tpu.enqueue_indirect_dma source(%arg14 : memref<128x16xf32, #tpu.memory_space<vmem>>) target(%dma_start3A_124 : memref<10112x16xf32, #tpu.memory_space<vmem_shared>>) offsets(%dma_start3A_121 : memref<128xi32, #tpu.memory_space<vmem>>) semaphore(%run_scoped3A_118 : memref<!tpu.dma_semaphore, #tpu.memory_space<semaphore_mem>>) {add = true}
          %dma_wait3A_125 = arith.constant 0 : i32
          %dma_wait3A_126 = tpu.memref_slice %arg13[%scan3A_96, %dma_wait3A_125] : memref<40x128xi32, #tpu.memory_space<vmem>> -> memref<1x128xi32, #tpu.memory_space<vmem>>
          %dma_wait3A_127 = tpu.memref_squeeze %dma_wait3A_126 : memref<1x128xi32, #tpu.memory_space<vmem>> -> memref<128xi32, #tpu.memory_space<vmem>>
          %dma_wait3A_128 = arith.constant 0 : i32
          %dma_wait3A_129 = arith.constant 0 : i32
          %dma_wait3A_130 = tpu.memref_slice %arg12[%dma_wait3A_128, %dma_wait3A_129] : memref<10112x16xf32, #tpu.memory_space<vmem_shared>> -> memref<10112x16xf32, #tpu.memory_space<vmem_shared>>
          tpu.wait_indirect_dma semaphore(%run_scoped3A_118 : memref<!tpu.dma_semaphore, #tpu.memory_space<semaphore_mem>>) src(%arg14 : memref<128x16xf32, #tpu.memory_space<vmem>>) dst(%dma_wait3A_130 : memref<10112x16xf32, #tpu.memory_space<vmem_shared>>)
          tpu.yield
        }) : () -> ()
      } else {
      }
    }
    %scan3A_63 = arith.constant 40 : i32
    %run_scoped3A_64 = arith.constant 3 : i32
    "tpu.region"() ({
      %run_scoped3A_96 = tpu.sem_alloc : memref<!tpu.dma_semaphore, #tpu.memory_space<semaphore_mem>>
      %dma_start3A_97 = arith.constant 0 : i32
      %dma_start3A_98 = arith.constant 0 : i32
      %dma_start3A_99 = tpu.memref_slice %arg3[%arg1, %run_scoped3A_64, %dma_start3A_97, %dma_start3A_98] : memref<16x4x40x128xi32, #tpu.memory_space<hbm>> -> memref<1x1x40x128xi32, #tpu.memory_space<hbm>>
      %dma_start3A_100 = tpu.memref_squeeze %dma_start3A_99 : memref<1x1x40x128xi32, #tpu.memory_space<hbm>> -> memref<40x128xi32, #tpu.memory_space<hbm>>
      %dma_start3A_101 = arith.constant 0 : i32
      %dma_start3A_102 = arith.constant 0 : i32
      %dma_start3A_103 = tpu.memref_slice %arg3[%arg1, %run_scoped3A_64, %dma_start3A_101, %dma_start3A_102] : memref<16x4x40x128xi32, #tpu.memory_space<hbm>> -> memref<1x1x40x128xi32, #tpu.memory_space<hbm>>
      %dma_start3A_104 = tpu.memref_squeeze %dma_start3A_103 : memref<1x1x40x128xi32, #tpu.memory_space<hbm>> -> memref<40x128xi32, #tpu.memory_space<hbm>>
      tpu.enqueue_dma source(%dma_start3A_104 : memref<40x128xi32, #tpu.memory_space<hbm>>) target(%arg16 : memref<40x128xi32, #tpu.memory_space<vmem>>) target_semaphore(%run_scoped3A_96 : memref<!tpu.dma_semaphore, #tpu.memory_space<semaphore_mem>>)
      %dma_wait3A = arith.constant 0 : i32
      %dma_wait3A_105 = arith.constant 0 : i32
      %dma_wait3A_106 = tpu.memref_slice %arg3[%arg1, %run_scoped3A_64, %dma_wait3A, %dma_wait3A_105] : memref<16x4x40x128xi32, #tpu.memory_space<hbm>> -> memref<1x1x40x128xi32, #tpu.memory_space<hbm>>
      %dma_wait3A_107 = tpu.memref_squeeze %dma_wait3A_106 : memref<1x1x40x128xi32, #tpu.memory_space<hbm>> -> memref<40x128xi32, #tpu.memory_space<hbm>>
      %dma_wait3A_108 = arith.constant 0 : i32
      %dma_wait3A_109 = arith.constant 0 : i32
      %dma_wait3A_110 = tpu.memref_slice %arg3[%arg1, %run_scoped3A_64, %dma_wait3A_108, %dma_wait3A_109] : memref<16x4x40x128xi32, #tpu.memory_space<hbm>> -> memref<1x1x40x128xi32, #tpu.memory_space<hbm>>
      %dma_wait3A_111 = tpu.memref_squeeze %dma_wait3A_110 : memref<1x1x40x128xi32, #tpu.memory_space<hbm>> -> memref<40x128xi32, #tpu.memory_space<hbm>>
      tpu.wait_dma2 semaphore(%run_scoped3A_96 : memref<!tpu.dma_semaphore, #tpu.memory_space<semaphore_mem>>) src(%dma_wait3A_111 : memref<40x128xi32, #tpu.memory_space<hbm>>) dst(%arg16 : memref<40x128xi32, #tpu.memory_space<vmem>>)
      tpu.yield
    }) : () -> ()
    %run_scoped3A_65 = arith.constant 3 : i32
    "tpu.region"() ({
      %run_scoped3A_96 = tpu.sem_alloc : memref<!tpu.dma_semaphore, #tpu.memory_space<semaphore_mem>>
      %dma_start3A_97 = arith.constant 0 : i32
      %dma_start3A_98 = arith.constant 0 : i32
      %dma_start3A_99 = tpu.memref_slice %arg4[%arg1, %run_scoped3A_65, %dma_start3A_97, %dma_start3A_98] : memref<16x4x40x128xi32, #tpu.memory_space<hbm>> -> memref<1x1x40x128xi32, #tpu.memory_space<hbm>>
      %dma_start3A_100 = tpu.memref_squeeze %dma_start3A_99 : memref<1x1x40x128xi32, #tpu.memory_space<hbm>> -> memref<40x128xi32, #tpu.memory_space<hbm>>
      %dma_start3A_101 = arith.constant 0 : i32
      %dma_start3A_102 = arith.constant 0 : i32
      %dma_start3A_103 = tpu.memref_slice %arg4[%arg1, %run_scoped3A_65, %dma_start3A_101, %dma_start3A_102] : memref<16x4x40x128xi32, #tpu.memory_space<hbm>> -> memref<1x1x40x128xi32, #tpu.memory_space<hbm>>
      %dma_start3A_104 = tpu.memref_squeeze %dma_start3A_103 : memref<1x1x40x128xi32, #tpu.memory_space<hbm>> -> memref<40x128xi32, #tpu.memory_space<hbm>>
      tpu.enqueue_dma source(%dma_start3A_104 : memref<40x128xi32, #tpu.memory_space<hbm>>) target(%arg13 : memref<40x128xi32, #tpu.memory_space<vmem>>) target_semaphore(%run_scoped3A_96 : memref<!tpu.dma_semaphore, #tpu.memory_space<semaphore_mem>>)
      %dma_wait3A = arith.constant 0 : i32
      %dma_wait3A_105 = arith.constant 0 : i32
      %dma_wait3A_106 = tpu.memref_slice %arg4[%arg1, %run_scoped3A_65, %dma_wait3A, %dma_wait3A_105] : memref<16x4x40x128xi32, #tpu.memory_space<hbm>> -> memref<1x1x40x128xi32, #tpu.memory_space<hbm>>
      %dma_wait3A_107 = tpu.memref_squeeze %dma_wait3A_106 : memref<1x1x40x128xi32, #tpu.memory_space<hbm>> -> memref<40x128xi32, #tpu.memory_space<hbm>>
      %dma_wait3A_108 = arith.constant 0 : i32
      %dma_wait3A_109 = arith.constant 0 : i32
      %dma_wait3A_110 = tpu.memref_slice %arg4[%arg1, %run_scoped3A_65, %dma_wait3A_108, %dma_wait3A_109] : memref<16x4x40x128xi32, #tpu.memory_space<hbm>> -> memref<1x1x40x128xi32, #tpu.memory_space<hbm>>
      %dma_wait3A_111 = tpu.memref_squeeze %dma_wait3A_110 : memref<1x1x40x128xi32, #tpu.memory_space<hbm>> -> memref<40x128xi32, #tpu.memory_space<hbm>>
      tpu.wait_dma2 semaphore(%run_scoped3A_96 : memref<!tpu.dma_semaphore, #tpu.memory_space<semaphore_mem>>) src(%dma_wait3A_111 : memref<40x128xi32, #tpu.memory_space<hbm>>) dst(%arg13 : memref<40x128xi32, #tpu.memory_space<vmem>>)
      tpu.yield
    }) : () -> ()
    %dma_start3A_66 = arith.constant 0 : i32
    %dma_start3A_67 = arith.constant 0 : i32
    %dma_start3A_68 = arith.constant 0 : i32
    %dma_start3A_69 = arith.constant 0 : i32
    %dma_start3A_70 = tpu.memref_slice %arg11[%dma_start3A_67, %dma_start3A_68, %dma_start3A_69] : memref<2x128x64xf32, #tpu.memory_space<vmem>> -> memref<1x128x64xf32, #tpu.memory_space<vmem>>
    %dma_start3A_71 = tpu.memref_squeeze %dma_start3A_70 : memref<1x128x64xf32, #tpu.memory_space<vmem>> -> memref<128x64xf32, #tpu.memory_space<vmem>>
    %dma_start3A_72 = arith.constant 0 : i32
    %dma_start3A_73 = tpu.memref_slice %arg16[%dma_start3A_66, %dma_start3A_72] : memref<40x128xi32, #tpu.memory_space<vmem>> -> memref<1x128xi32, #tpu.memory_space<vmem>>
    %dma_start3A_74 = tpu.memref_squeeze %dma_start3A_73 : memref<1x128xi32, #tpu.memory_space<vmem>> -> memref<128xi32, #tpu.memory_space<vmem>>
    %dma_start3A_75 = arith.constant 0 : i32
    %dma_start3A_76 = arith.constant 0 : i32
    %dma_start3A_77 = tpu.memref_slice %arg17[%dma_start3A_75, %dma_start3A_76] : memref<10112x64xf32, #tpu.memory_space<vmem_shared>> -> memref<10112x64xf32, #tpu.memory_space<vmem_shared>>
    tpu.enqueue_indirect_dma source(%dma_start3A_77 : memref<10112x64xf32, #tpu.memory_space<vmem_shared>>) target(%dma_start3A_71 : memref<128x64xf32, #tpu.memory_space<vmem>>) offsets(%dma_start3A_74 : memref<128xi32, #tpu.memory_space<vmem>>) semaphore(%arg15 : memref<!tpu.dma_semaphore, #tpu.memory_space<semaphore_mem>>)
    %scan3A_78 = arith.constant 0 : i32
    %scan3A_79 = arith.constant 0 : i32
    %scan3A_80 = arith.constant 40 : i32
    %scan3A_81 = arith.addi %scan3A_79, %scan3A_80 : i32
    %scan3A_82 = arith.constant 1 : i32
    scf.for %scan3A_96 = %scan3A_79 to %scan3A_81 step %scan3A_82  : i32 {
      %rem3A = arith.constant 2 : i32
      %rem3A_97 = arith.remsi %scan3A_96, %rem3A : i32
      %add3A_98 = arith.constant 1 : i32
      %add3A_99 = arith.addi %scan3A_96, %add3A_98 : i32
      %lt3A = arith.constant 40 : i32
      %lt3A_100 = arith.cmpi slt, %add3A_99, %lt3A : i32
      %convert_element_type3A_101 = arith.extui %lt3A_100 : i1 to i32
      %cond3A_102 = arith.constant 0 : i32
      %cond3A_103 = arith.cmpi ne, %convert_element_type3A_101, %cond3A_102 : i32
      scf.if %cond3A_103 {
        %add3A_118 = arith.constant 1 : i32
        %add3A_119 = arith.addi %scan3A_96, %add3A_118 : i32
        %sub3A = arith.constant 1 : i32
        %sub3A_120 = arith.subi %sub3A, %rem3A_97 : i32
        %dma_start3A_121 = arith.constant 0 : i32
        %dma_start3A_122 = arith.constant 0 : i32
        %dma_start3A_123 = tpu.memref_slice %arg11[%sub3A_120, %dma_start3A_121, %dma_start3A_122] : memref<2x128x64xf32, #tpu.memory_space<vmem>> -> memref<1x128x64xf32, #tpu.memory_space<vmem>>
        %dma_start3A_124 = tpu.memref_squeeze %dma_start3A_123 : memref<1x128x64xf32, #tpu.memory_space<vmem>> -> memref<128x64xf32, #tpu.memory_space<vmem>>
        %dma_start3A_125 = arith.constant 0 : i32
        %dma_start3A_126 = tpu.memref_slice %arg16[%add3A_119, %dma_start3A_125] : memref<40x128xi32, #tpu.memory_space<vmem>> -> memref<1x128xi32, #tpu.memory_space<vmem>>
        %dma_start3A_127 = tpu.memref_squeeze %dma_start3A_126 : memref<1x128xi32, #tpu.memory_space<vmem>> -> memref<128xi32, #tpu.memory_space<vmem>>
        %dma_start3A_128 = arith.constant 0 : i32
        %dma_start3A_129 = arith.constant 0 : i32
        %dma_start3A_130 = tpu.memref_slice %arg17[%dma_start3A_128, %dma_start3A_129] : memref<10112x64xf32, #tpu.memory_space<vmem_shared>> -> memref<10112x64xf32, #tpu.memory_space<vmem_shared>>
        tpu.enqueue_indirect_dma source(%dma_start3A_130 : memref<10112x64xf32, #tpu.memory_space<vmem_shared>>) target(%dma_start3A_124 : memref<128x64xf32, #tpu.memory_space<vmem>>) offsets(%dma_start3A_127 : memref<128xi32, #tpu.memory_space<vmem>>) semaphore(%arg15 : memref<!tpu.dma_semaphore, #tpu.memory_space<semaphore_mem>>)
      } else {
      }
      %dma_wait3A = arith.constant 0 : i32
      %dma_wait3A_104 = arith.constant 0 : i32
      %dma_wait3A_105 = tpu.memref_slice %arg11[%rem3A_97, %dma_wait3A, %dma_wait3A_104] : memref<2x128x64xf32, #tpu.memory_space<vmem>> -> memref<1x128x64xf32, #tpu.memory_space<vmem>>
      %dma_wait3A_106 = tpu.memref_squeeze %dma_wait3A_105 : memref<1x128x64xf32, #tpu.memory_space<vmem>> -> memref<128x64xf32, #tpu.memory_space<vmem>>
      %dma_wait3A_107 = arith.constant 0 : i32
      %dma_wait3A_108 = tpu.memref_slice %arg16[%scan3A_96, %dma_wait3A_107] : memref<40x128xi32, #tpu.memory_space<vmem>> -> memref<1x128xi32, #tpu.memory_space<vmem>>
      %dma_wait3A_109 = tpu.memref_squeeze %dma_wait3A_108 : memref<1x128xi32, #tpu.memory_space<vmem>> -> memref<128xi32, #tpu.memory_space<vmem>>
      %dma_wait3A_110 = arith.constant 0 : i32
      %dma_wait3A_111 = arith.constant 0 : i32
      %dma_wait3A_112 = tpu.memref_slice %arg17[%dma_wait3A_110, %dma_wait3A_111] : memref<10112x64xf32, #tpu.memory_space<vmem_shared>> -> memref<10112x64xf32, #tpu.memory_space<vmem_shared>>
      tpu.wait_indirect_dma semaphore(%arg15 : memref<!tpu.dma_semaphore, #tpu.memory_space<semaphore_mem>>) src(%dma_wait3A_112 : memref<10112x64xf32, #tpu.memory_space<vmem_shared>>) dst(%dma_wait3A_106 : memref<128x64xf32, #tpu.memory_space<vmem>>)
      "tpu.region"() ({
        %run_scoped3A_118 = tpu.sem_alloc : memref<!tpu.dma_semaphore, #tpu.memory_space<semaphore_mem>>
        %dma_start3A_119 = arith.constant 0 : i32
        %dma_start3A_120 = arith.constant 0 : i32
        %dma_start3A_121 = tpu.memref_slice %arg11[%rem3A_97, %dma_start3A_119, %dma_start3A_120] : memref<2x128x64xf32, #tpu.memory_space<vmem>> -> memref<1x128x64xf32, #tpu.memory_space<vmem>>
        %dma_start3A_122 = tpu.memref_squeeze %dma_start3A_121 : memref<1x128x64xf32, #tpu.memory_space<vmem>> -> memref<128x64xf32, #tpu.memory_space<vmem>>
        %dma_start3A_123 = arith.constant 0 : i32
        %dma_start3A_124 = tpu.memref_slice %arg13[%scan3A_96, %dma_start3A_123] : memref<40x128xi32, #tpu.memory_space<vmem>> -> memref<1x128xi32, #tpu.memory_space<vmem>>
        %dma_start3A_125 = tpu.memref_squeeze %dma_start3A_124 : memref<1x128xi32, #tpu.memory_space<vmem>> -> memref<128xi32, #tpu.memory_space<vmem>>
        %dma_start3A_126 = arith.constant 0 : i32
        %dma_start3A_127 = arith.constant 0 : i32
        %dma_start3A_128 = tpu.memref_slice %arg10[%dma_start3A_126, %dma_start3A_127] : memref<10112x64xf32, #tpu.memory_space<vmem_shared>> -> memref<10112x64xf32, #tpu.memory_space<vmem_shared>>
        tpu.enqueue_indirect_dma source(%dma_start3A_122 : memref<128x64xf32, #tpu.memory_space<vmem>>) target(%dma_start3A_128 : memref<10112x64xf32, #tpu.memory_space<vmem_shared>>) offsets(%dma_start3A_125 : memref<128xi32, #tpu.memory_space<vmem>>) semaphore(%run_scoped3A_118 : memref<!tpu.dma_semaphore, #tpu.memory_space<semaphore_mem>>) {add = true}
        %dma_wait3A_129 = arith.constant 0 : i32
        %dma_wait3A_130 = arith.constant 0 : i32
        %dma_wait3A_131 = tpu.memref_slice %arg11[%rem3A_97, %dma_wait3A_129, %dma_wait3A_130] : memref<2x128x64xf32, #tpu.memory_space<vmem>> -> memref<1x128x64xf32, #tpu.memory_space<vmem>>
        %dma_wait3A_132 = tpu.memref_squeeze %dma_wait3A_131 : memref<1x128x64xf32, #tpu.memory_space<vmem>> -> memref<128x64xf32, #tpu.memory_space<vmem>>
        %dma_wait3A_133 = arith.constant 0 : i32
        %dma_wait3A_134 = tpu.memref_slice %arg13[%scan3A_96, %dma_wait3A_133] : memref<40x128xi32, #tpu.memory_space<vmem>> -> memref<1x128xi32, #tpu.memory_space<vmem>>
        %dma_wait3A_135 = tpu.memref_squeeze %dma_wait3A_134 : memref<1x128xi32, #tpu.memory_space<vmem>> -> memref<128xi32, #tpu.memory_space<vmem>>
        %dma_wait3A_136 = arith.constant 0 : i32
        %dma_wait3A_137 = arith.constant 0 : i32
        %dma_wait3A_138 = tpu.memref_slice %arg10[%dma_wait3A_136, %dma_wait3A_137] : memref<10112x64xf32, #tpu.memory_space<vmem_shared>> -> memref<10112x64xf32, #tpu.memory_space<vmem_shared>>
        tpu.wait_indirect_dma semaphore(%run_scoped3A_118 : memref<!tpu.dma_semaphore, #tpu.memory_space<semaphore_mem>>) src(%dma_wait3A_132 : memref<128x64xf32, #tpu.memory_space<vmem>>) dst(%dma_wait3A_138 : memref<10112x64xf32, #tpu.memory_space<vmem_shared>>)
        tpu.yield
      }) : () -> ()
      %eq3A_113 = arith.constant 0 : i32
      %eq3A_114 = arith.cmpi eq, %arg0, %eq3A_113 : i32
      %convert_element_type3A_115 = arith.extui %eq3A_114 : i1 to i32
      %cond3A_116 = arith.constant 0 : i32
      %cond3A_117 = arith.cmpi ne, %convert_element_type3A_115, %cond3A_116 : i32
      scf.if %cond3A_117 {
        "tpu.region"() ({
          %run_scoped3A_118 = tpu.sem_alloc : memref<!tpu.dma_semaphore, #tpu.memory_space<semaphore_mem>>
          %dma_start3A_119 = arith.constant 0 : i32
          %dma_start3A_120 = tpu.memref_slice %arg13[%scan3A_96, %dma_start3A_119] : memref<40x128xi32, #tpu.memory_space<vmem>> -> memref<1x128xi32, #tpu.memory_space<vmem>>
          %dma_start3A_121 = tpu.memref_squeeze %dma_start3A_120 : memref<1x128xi32, #tpu.memory_space<vmem>> -> memref<128xi32, #tpu.memory_space<vmem>>
          %dma_start3A_122 = arith.constant 0 : i32
          %dma_start3A_123 = arith.constant 0 : i32
          %dma_start3A_124 = tpu.memref_slice %arg12[%dma_start3A_122, %dma_start3A_123] : memref<10112x16xf32, #tpu.memory_space<vmem_shared>> -> memref<10112x16xf32, #tpu.memory_space<vmem_shared>>
          tpu.enqueue_indirect_dma source(%arg14 : memref<128x16xf32, #tpu.memory_space<vmem>>) target(%dma_start3A_124 : memref<10112x16xf32, #tpu.memory_space<vmem_shared>>) offsets(%dma_start3A_121 : memref<128xi32, #tpu.memory_space<vmem>>) semaphore(%run_scoped3A_118 : memref<!tpu.dma_semaphore, #tpu.memory_space<semaphore_mem>>) {add = true}
          %dma_wait3A_125 = arith.constant 0 : i32
          %dma_wait3A_126 = tpu.memref_slice %arg13[%scan3A_96, %dma_wait3A_125] : memref<40x128xi32, #tpu.memory_space<vmem>> -> memref<1x128xi32, #tpu.memory_space<vmem>>
          %dma_wait3A_127 = tpu.memref_squeeze %dma_wait3A_126 : memref<1x128xi32, #tpu.memory_space<vmem>> -> memref<128xi32, #tpu.memory_space<vmem>>
          %dma_wait3A_128 = arith.constant 0 : i32
          %dma_wait3A_129 = arith.constant 0 : i32
          %dma_wait3A_130 = tpu.memref_slice %arg12[%dma_wait3A_128, %dma_wait3A_129] : memref<10112x16xf32, #tpu.memory_space<vmem_shared>> -> memref<10112x16xf32, #tpu.memory_space<vmem_shared>>
          tpu.wait_indirect_dma semaphore(%run_scoped3A_118 : memref<!tpu.dma_semaphore, #tpu.memory_space<semaphore_mem>>) src(%arg14 : memref<128x16xf32, #tpu.memory_space<vmem>>) dst(%dma_wait3A_130 : memref<10112x16xf32, #tpu.memory_space<vmem_shared>>)
          tpu.yield
        }) : () -> ()
      } else {
      }
    }
    %scan3A_83 = arith.constant 40 : i32
    %barrier3A_84 = arith.constant 0 : index
    tpu.barrier barrier_id(%barrier3A_84)
    %mul3A_85 = arith.constant 10112 : i32
    %mul3A_86 = arith.muli %arg0, %mul3A_85 : i32
    %mul3A_87 = arith.constant 632 : i32
    %mul3A_88 = arith.muli %arg1, %mul3A_87 : i32
    %add3A = arith.addi %mul3A_86, %mul3A_88 : i32
    %mul3A_89 = arith.constant 632 : i32
    %mul3A_90 = arith.muli %arg1, %mul3A_89 : i32
    "tpu.region"() ({
      %run_scoped3A_96 = tpu.sem_alloc : memref<!tpu.dma_semaphore, #tpu.memory_space<semaphore_mem>>
      %dma_start3A_97 = arith.constant 0 : i32
      %dma_start3A_98 = tpu.memref_slice %arg8[%add3A, %dma_start3A_97] : memref<20224x64xf32, #tpu.memory_space<hbm>> -> memref<632x64xf32, #tpu.memory_space<hbm>>
      %dma_start3A_99 = arith.constant 0 : i32
      %dma_start3A_100 = tpu.memref_slice %arg10[%mul3A_90, %dma_start3A_99] : memref<10112x64xf32, #tpu.memory_space<vmem_shared>> -> memref<632x64xf32, #tpu.memory_space<vmem_shared>>
      tpu.enqueue_dma source(%dma_start3A_100 : memref<632x64xf32, #tpu.memory_space<vmem_shared>>) target(%dma_start3A_98 : memref<632x64xf32, #tpu.memory_space<hbm>>) target_semaphore(%run_scoped3A_96 : memref<!tpu.dma_semaphore, #tpu.memory_space<semaphore_mem>>)
      %dma_wait3A = arith.constant 0 : i32
      %dma_wait3A_101 = tpu.memref_slice %arg8[%add3A, %dma_wait3A] : memref<20224x64xf32, #tpu.memory_space<hbm>> -> memref<632x64xf32, #tpu.memory_space<hbm>>
      %dma_wait3A_102 = arith.constant 0 : i32
      %dma_wait3A_103 = tpu.memref_slice %arg10[%mul3A_90, %dma_wait3A_102] : memref<10112x64xf32, #tpu.memory_space<vmem_shared>> -> memref<632x64xf32, #tpu.memory_space<vmem_shared>>
      tpu.wait_dma2 semaphore(%run_scoped3A_96 : memref<!tpu.dma_semaphore, #tpu.memory_space<semaphore_mem>>) src(%dma_wait3A_103 : memref<632x64xf32, #tpu.memory_space<vmem_shared>>) dst(%dma_wait3A_101 : memref<632x64xf32, #tpu.memory_space<hbm>>)
      tpu.yield
    }) : () -> ()
    %eq3A_91 = arith.constant 0 : i32
    %eq3A_92 = arith.cmpi eq, %arg0, %eq3A_91 : i32
    %convert_element_type3A_93 = arith.extui %eq3A_92 : i1 to i32
    %cond3A_94 = arith.constant 0 : i32
    %cond3A_95 = arith.cmpi ne, %convert_element_type3A_93, %cond3A_94 : i32
    scf.if %cond3A_95 {
      %mul3A_96 = arith.constant 632 : i32
      %mul3A_97 = arith.muli %arg1, %mul3A_96 : i32
      %mul3A_98 = arith.constant 632 : i32
      %mul3A_99 = arith.muli %arg1, %mul3A_98 : i32
      "tpu.region"() ({
        %run_scoped3A_100 = tpu.sem_alloc : memref<!tpu.dma_semaphore, #tpu.memory_space<semaphore_mem>>
        %dma_start3A_101 = arith.constant 0 : i32
        %dma_start3A_102 = tpu.memref_slice %arg9[%mul3A_99, %dma_start3A_101] : memref<10112x16xf32, #tpu.memory_space<hbm>> -> memref<632x16xf32, #tpu.memory_space<hbm>>
        %dma_start3A_103 = arith.constant 0 : i32
        %dma_start3A_104 = tpu.memref_slice %arg12[%mul3A_97, %dma_start3A_103] : memref<10112x16xf32, #tpu.memory_space<vmem_shared>> -> memref<632x16xf32, #tpu.memory_space<vmem_shared>>
        tpu.enqueue_dma source(%dma_start3A_104 : memref<632x16xf32, #tpu.memory_space<vmem_shared>>) target(%dma_start3A_102 : memref<632x16xf32, #tpu.memory_space<hbm>>) target_semaphore(%run_scoped3A_100 : memref<!tpu.dma_semaphore, #tpu.memory_space<semaphore_mem>>)
        %dma_wait3A = arith.constant 0 : i32
        %dma_wait3A_105 = tpu.memref_slice %arg9[%mul3A_99, %dma_wait3A] : memref<10112x16xf32, #tpu.memory_space<hbm>> -> memref<632x16xf32, #tpu.memory_space<hbm>>
        %dma_wait3A_106 = arith.constant 0 : i32
        %dma_wait3A_107 = tpu.memref_slice %arg12[%mul3A_97, %dma_wait3A_106] : memref<10112x16xf32, #tpu.memory_space<vmem_shared>> -> memref<632x16xf32, #tpu.memory_space<vmem_shared>>
        tpu.wait_dma2 semaphore(%run_scoped3A_100 : memref<!tpu.dma_semaphore, #tpu.memory_space<semaphore_mem>>) src(%dma_wait3A_107 : memref<632x16xf32, #tpu.memory_space<vmem_shared>>) dst(%dma_wait3A_105 : memref<632x16xf32, #tpu.memory_space<hbm>>)
        tpu.yield
      }) : () -> ()
    } else {
    }
    return
  }
}

module attributes {stable_mosaic.version = 14 : i64} {
  func.func @body(%arg0: i32, %arg1: memref<2x2000x64xf32, #tpu.memory_space<vmem>>, %arg2: memref<2000x16xf32, #tpu.memory_space<vmem>>, %arg3: memref<2000x128xf32, #tpu.memory_space<vmem>>, %arg4: memref<128x64xf32, #tpu.memory_space<vmem>>, %arg5: memref<128x64xf32, #tpu.memory_space<vmem>>, %arg6: memref<64xf32, #tpu.memory_space<vmem>>, %arg7: memref<2000x64xf32, #tpu.memory_space<vmem>>) attributes {dimension_semantics = [#tpu.dimension_semantics<arbitrary>], iteration_bounds = array<i64: 5>, scalar_prefetch = 0 : i64, scratch_operands = 0 : i64, tpu.core_type = #tpu.core_type<tc>, window_params = [{transform_indices = @transform_0, window_bounds = array<i64: 2, 2000, 64>}, {transform_indices = @transform_1, window_bounds = array<i64: 2000, 16>}, {transform_indices = @transform_2, window_bounds = array<i64: 2000, 128>}, {pipeline_mode = #tpu.pipeline_mode<synchronous>, transform_indices = @transform_3, window_bounds = array<i64: 128, 64>}, {pipeline_mode = #tpu.pipeline_mode<synchronous>, transform_indices = @transform_4, window_bounds = array<i64: 128, 64>}, {pipeline_mode = #tpu.pipeline_mode<synchronous>, transform_indices = @transform_5, window_bounds = array<i64: 64>}, {transform_indices = @transform_6, window_bounds = array<i64: 2000, 64>}]} {
    %get3A = arith.constant 0 : index
    %get3A_0 = arith.constant 0 : index
    %get3A_1 = vector.load %arg2[%get3A, %get3A_0] : memref<2000x16xf32, #tpu.memory_space<vmem>>, vector<2000x16xf32>
    %reduce_max3A = arith.constant dense<0xFF800000> : vector<2000xf32>
    %reduce_max3A_2 = vector.multi_reduction <maximumf>, %get3A_1, %reduce_max3A [1] : vector<2000x16xf32> to vector<2000xf32>
    %broadcast_in_dim3A = vector.shape_cast %reduce_max3A_2 : vector<2000xf32> to vector<2000x1xf32>
    %max3A = arith.constant 1.000000e+00 : f32
    %max3A_3 = vector.broadcast %max3A : f32 to vector<2000x1xf32>
    %max3A_4 = arith.maximumf %broadcast_in_dim3A, %max3A_3 : vector<2000x1xf32>
    %get3A_5 = arith.constant 0 : index
    %get3A_6 = arith.constant 0 : index
    %get3A_7 = arith.constant 0 : index
    %get3A_8 = vector.load %arg1[%get3A_5, %get3A_6, %get3A_7] : memref<2x2000x64xf32, #tpu.memory_space<vmem>>, vector<1x2000x64xf32>
    %get3A_9 = vector.shape_cast %get3A_8 : vector<1x2000x64xf32> to vector<2000x64xf32>
    %div3A = vector.broadcast %max3A_4 : vector<2000x1xf32> to vector<2000x64xf32>
    %div3A_10 = arith.divf %get3A_9, %div3A : vector<2000x64xf32>
    %get3A_11 = arith.constant 1 : index
    %get3A_12 = arith.constant 0 : index
    %get3A_13 = arith.constant 0 : index
    %get3A_14 = vector.load %arg1[%get3A_11, %get3A_12, %get3A_13] : memref<2x2000x64xf32, #tpu.memory_space<vmem>>, vector<1x2000x64xf32>
    %get3A_15 = vector.shape_cast %get3A_14 : vector<1x2000x64xf32> to vector<2000x64xf32>
    %div3A_16 = vector.broadcast %max3A_4 : vector<2000x1xf32> to vector<2000x64xf32>
    %div3A_17 = arith.divf %get3A_15, %div3A_16 : vector<2000x64xf32>
    %concatenate3A = tpu.concatenate %div3A_10, %div3A_17 in 1 : vector<2000x64xf32>, vector<2000x64xf32> -> vector<2000x128xf32>
    %get3A_18 = arith.constant 0 : index
    %get3A_19 = arith.constant 0 : index
    %get3A_20 = vector.load %arg4[%get3A_18, %get3A_19] : memref<128x64xf32, #tpu.memory_space<vmem>>, vector<128x64xf32>
    %dot_general3A = arith.constant dense<0.000000e+00> : vector<2000x64xf32>
    %dot_general3A_21 = tpu.matmul %concatenate3A, %get3A_20, %dot_general3A {dimension_numbers = #tpu.dot_dimension_numbers<[1], [0], [0], [1], [0, 0, 1, 1], [], []>, transpose_lhs_hint = false} : vector<2000x128xf32>, vector<128x64xf32>, vector<2000x64xf32> -> vector<2000x64xf32>
    %get3A_22 = arith.constant 0 : index
    %get3A_23 = arith.constant 0 : index
    %get3A_24 = vector.load %arg3[%get3A_22, %get3A_23] : memref<2000x128xf32, #tpu.memory_space<vmem>>, vector<2000x128xf32>
    %get3A_25 = arith.constant 0 : index
    %get3A_26 = arith.constant 0 : index
    %get3A_27 = vector.load %arg5[%get3A_25, %get3A_26] : memref<128x64xf32, #tpu.memory_space<vmem>>, vector<128x64xf32>
    %dot_general3A_28 = arith.constant dense<0.000000e+00> : vector<2000x64xf32>
    %dot_general3A_29 = tpu.matmul %get3A_24, %get3A_27, %dot_general3A_28 {dimension_numbers = #tpu.dot_dimension_numbers<[1], [0], [0], [1], [0, 0, 1, 1], [], []>, transpose_lhs_hint = false} : vector<2000x128xf32>, vector<128x64xf32>, vector<2000x64xf32> -> vector<2000x64xf32>
    %add3A = arith.addf %dot_general3A_21, %dot_general3A_29 : vector<2000x64xf32>
    %get3A_30 = arith.constant 0 : index
    %get3A_31 = vector.load %arg6[%get3A_30] : memref<64xf32, #tpu.memory_space<vmem>>, vector<64xf32>
    %broadcast_in_dim3A_32 = vector.shape_cast %get3A_31 : vector<64xf32> to vector<1x64xf32>
    %add3A_33 = vector.broadcast %broadcast_in_dim3A_32 : vector<1x64xf32> to vector<2000x64xf32>
    %add3A_34 = arith.addf %add3A, %add3A_33 : vector<2000x64xf32>
    %max3A_35 = arith.constant 0.000000e+00 : f32
    %max3A_36 = vector.broadcast %max3A_35 : f32 to vector<2000x64xf32>
    %max3A_37 = arith.maximumf %add3A_34, %max3A_36 : vector<2000x64xf32>
    %swap3A = arith.constant 0 : index
    %swap3A_38 = arith.constant 0 : index
    %swap3A_39 = vector.load %arg7[%swap3A, %swap3A_38] : memref<2000x64xf32, #tpu.memory_space<vmem>>, vector<2000x64xf32>
    tpu.vector_store %arg7[%swap3A, %swap3A_38], %max3A_37 {strides = array<i32>} : memref<2000x64xf32, #tpu.memory_space<vmem>>, vector<2000x64xf32>,
    return
  }
  func.func @transform_0(%arg0: i32) -> (i32, i32, i32) {
    %c0_i32 = arith.constant 0 : i32
    %c0_i32_0 = arith.constant 0 : i32
    %c0_i32_1 = arith.constant 0 : i32
    return %c0_i32, %arg0, %c0_i32_0 : i32, i32, i32
  }
  func.func @transform_1(%arg0: i32) -> (i32, i32) {
    %c0_i32 = arith.constant 0 : i32
    %c0_i32_0 = arith.constant 0 : i32
    return %arg0, %c0_i32 : i32, i32
  }
  func.func @transform_2(%arg0: i32) -> (i32, i32) {
    %c0_i32 = arith.constant 0 : i32
    %c0_i32_0 = arith.constant 0 : i32
    return %arg0, %c0_i32 : i32, i32
  }
  func.func @transform_3(%arg0: i32) -> (i32, i32) {
    %c0_i32 = arith.constant 0 : i32
    %c0_i32_0 = arith.constant 0 : i32
    %c0_i32_1 = arith.constant 0 : i32
    return %c0_i32, %c0_i32_0 : i32, i32
  }
  func.func @transform_4(%arg0: i32) -> (i32, i32) {
    %c0_i32 = arith.constant 0 : i32
    %c0_i32_0 = arith.constant 0 : i32
    %c0_i32_1 = arith.constant 0 : i32
    return %c0_i32, %c0_i32_0 : i32, i32
  }
  func.func @transform_5(%arg0: i32) -> i32 {
    %c0_i32 = arith.constant 0 : i32
    %c0_i32_0 = arith.constant 0 : i32
    return %c0_i32 : i32
  }
  func.func @transform_6(%arg0: i32) -> (i32, i32) {
    %c0_i32 = arith.constant 0 : i32
    %c0_i32_0 = arith.constant 0 : i32
    return %arg0, %c0_i32 : i32, i32
  }
}

module attributes {stable_mosaic.version = 14 : i64} {
  func.func @body(%arg0: i32, %arg1: memref<2x2000x64xf32, #tpu.memory_space<vmem>>, %arg2: memref<2000x16xf32, #tpu.memory_space<vmem>>, %arg3: memref<2000x64xf32, #tpu.memory_space<vmem>>, %arg4: memref<64x64xf32, #tpu.memory_space<vmem>>, %arg5: memref<64x64xf32, #tpu.memory_space<vmem>>, %arg6: memref<64xf32, #tpu.memory_space<vmem>>, %arg7: memref<2000x64xf32, #tpu.memory_space<vmem>>) attributes {dimension_semantics = [#tpu.dimension_semantics<arbitrary>], iteration_bounds = array<i64: 5>, scalar_prefetch = 0 : i64, scratch_operands = 0 : i64, tpu.core_type = #tpu.core_type<tc>, window_params = [{transform_indices = @transform_0, window_bounds = array<i64: 2, 2000, 64>}, {transform_indices = @transform_1, window_bounds = array<i64: 2000, 16>}, {transform_indices = @transform_2, window_bounds = array<i64: 2000, 64>}, {pipeline_mode = #tpu.pipeline_mode<synchronous>, transform_indices = @transform_3, window_bounds = array<i64: 64, 64>}, {pipeline_mode = #tpu.pipeline_mode<synchronous>, transform_indices = @transform_4, window_bounds = array<i64: 64, 64>}, {pipeline_mode = #tpu.pipeline_mode<synchronous>, transform_indices = @transform_5, window_bounds = array<i64: 64>}, {transform_indices = @transform_6, window_bounds = array<i64: 2000, 64>}]} {
    %get3A = arith.constant 0 : index
    %get3A_0 = arith.constant 0 : index
    %get3A_1 = vector.load %arg2[%get3A, %get3A_0] : memref<2000x16xf32, #tpu.memory_space<vmem>>, vector<2000x16xf32>
    %reduce_max3A = arith.constant dense<0xFF800000> : vector<2000xf32>
    %reduce_max3A_2 = vector.multi_reduction <maximumf>, %get3A_1, %reduce_max3A [1] : vector<2000x16xf32> to vector<2000xf32>
    %broadcast_in_dim3A = vector.shape_cast %reduce_max3A_2 : vector<2000xf32> to vector<2000x1xf32>
    %max3A = arith.constant 1.000000e+00 : f32
    %max3A_3 = vector.broadcast %max3A : f32 to vector<2000x1xf32>
    %max3A_4 = arith.maximumf %broadcast_in_dim3A, %max3A_3 : vector<2000x1xf32>
    %get3A_5 = arith.constant 0 : index
    %get3A_6 = arith.constant 0 : index
    %get3A_7 = arith.constant 0 : index
    %get3A_8 = vector.load %arg1[%get3A_5, %get3A_6, %get3A_7] : memref<2x2000x64xf32, #tpu.memory_space<vmem>>, vector<1x2000x64xf32>
    %get3A_9 = vector.shape_cast %get3A_8 : vector<1x2000x64xf32> to vector<2000x64xf32>
    %get3A_10 = arith.constant 1 : index
    %get3A_11 = arith.constant 0 : index
    %get3A_12 = arith.constant 0 : index
    %get3A_13 = vector.load %arg1[%get3A_10, %get3A_11, %get3A_12] : memref<2x2000x64xf32, #tpu.memory_space<vmem>>, vector<1x2000x64xf32>
    %get3A_14 = vector.shape_cast %get3A_13 : vector<1x2000x64xf32> to vector<2000x64xf32>
    %add3A = arith.addf %get3A_9, %get3A_14 : vector<2000x64xf32>
    %div3A = vector.broadcast %max3A_4 : vector<2000x1xf32> to vector<2000x64xf32>
    %div3A_15 = arith.divf %add3A, %div3A : vector<2000x64xf32>
    %get3A_16 = arith.constant 0 : index
    %get3A_17 = arith.constant 0 : index
    %get3A_18 = vector.load %arg4[%get3A_16, %get3A_17] : memref<64x64xf32, #tpu.memory_space<vmem>>, vector<64x64xf32>
    %dot_general3A = arith.constant dense<0.000000e+00> : vector<2000x64xf32>
    %dot_general3A_19 = tpu.matmul %div3A_15, %get3A_18, %dot_general3A {dimension_numbers = #tpu.dot_dimension_numbers<[1], [0], [0], [1], [0, 0, 1, 1], [], []>, transpose_lhs_hint = false} : vector<2000x64xf32>, vector<64x64xf32>, vector<2000x64xf32> -> vector<2000x64xf32>
    %get3A_20 = arith.constant 0 : index
    %get3A_21 = arith.constant 0 : index
    %get3A_22 = vector.load %arg3[%get3A_20, %get3A_21] : memref<2000x64xf32, #tpu.memory_space<vmem>>, vector<2000x64xf32>
    %get3A_23 = arith.constant 0 : index
    %get3A_24 = arith.constant 0 : index
    %get3A_25 = vector.load %arg5[%get3A_23, %get3A_24] : memref<64x64xf32, #tpu.memory_space<vmem>>, vector<64x64xf32>
    %dot_general3A_26 = arith.constant dense<0.000000e+00> : vector<2000x64xf32>
    %dot_general3A_27 = tpu.matmul %get3A_22, %get3A_25, %dot_general3A_26 {dimension_numbers = #tpu.dot_dimension_numbers<[1], [0], [0], [1], [0, 0, 1, 1], [], []>, transpose_lhs_hint = false} : vector<2000x64xf32>, vector<64x64xf32>, vector<2000x64xf32> -> vector<2000x64xf32>
    %add3A_28 = arith.addf %dot_general3A_19, %dot_general3A_27 : vector<2000x64xf32>
    %get3A_29 = arith.constant 0 : index
    %get3A_30 = vector.load %arg6[%get3A_29] : memref<64xf32, #tpu.memory_space<vmem>>, vector<64xf32>
    %broadcast_in_dim3A_31 = vector.shape_cast %get3A_30 : vector<64xf32> to vector<1x64xf32>
    %add3A_32 = vector.broadcast %broadcast_in_dim3A_31 : vector<1x64xf32> to vector<2000x64xf32>
    %add3A_33 = arith.addf %add3A_28, %add3A_32 : vector<2000x64xf32>
    %max3A_34 = arith.constant 0.000000e+00 : f32
    %max3A_35 = vector.broadcast %max3A_34 : f32 to vector<2000x64xf32>
    %max3A_36 = arith.maximumf %add3A_33, %max3A_35 : vector<2000x64xf32>
    %swap3A = arith.constant 0 : index
    %swap3A_37 = arith.constant 0 : index
    %swap3A_38 = vector.load %arg7[%swap3A, %swap3A_37] : memref<2000x64xf32, #tpu.memory_space<vmem>>, vector<2000x64xf32>
    tpu.vector_store %arg7[%swap3A, %swap3A_37], %max3A_36 {strides = array<i32>} : memref<2000x64xf32, #tpu.memory_space<vmem>>, vector<2000x64xf32>,
    return
  }
  func.func @transform_0(%arg0: i32) -> (i32, i32, i32) {
    %c0_i32 = arith.constant 0 : i32
    %c0_i32_0 = arith.constant 0 : i32
    %c0_i32_1 = arith.constant 0 : i32
    return %c0_i32, %arg0, %c0_i32_0 : i32, i32, i32
  }
  func.func @transform_1(%arg0: i32) -> (i32, i32) {
    %c0_i32 = arith.constant 0 : i32
    %c0_i32_0 = arith.constant 0 : i32
    return %arg0, %c0_i32 : i32, i32
  }
  func.func @transform_2(%arg0: i32) -> (i32, i32) {
    %c0_i32 = arith.constant 0 : i32
    %c0_i32_0 = arith.constant 0 : i32
    return %arg0, %c0_i32 : i32, i32
  }
  func.func @transform_3(%arg0: i32) -> (i32, i32) {
    %c0_i32 = arith.constant 0 : i32
    %c0_i32_0 = arith.constant 0 : i32
    %c0_i32_1 = arith.constant 0 : i32
    return %c0_i32, %c0_i32_0 : i32, i32
  }
  func.func @transform_4(%arg0: i32) -> (i32, i32) {
    %c0_i32 = arith.constant 0 : i32
    %c0_i32_0 = arith.constant 0 : i32
    %c0_i32_1 = arith.constant 0 : i32
    return %c0_i32, %c0_i32_0 : i32, i32
  }
  func.func @transform_5(%arg0: i32) -> i32 {
    %c0_i32 = arith.constant 0 : i32
    %c0_i32_0 = arith.constant 0 : i32
    return %c0_i32 : i32
  }
  func.func @transform_6(%arg0: i32) -> (i32, i32) {
    %c0_i32 = arith.constant 0 : i32
    %c0_i32_0 = arith.constant 0 : i32
    return %arg0, %c0_i32 : i32, i32
  }
}

module attributes {stable_mosaic.version = 14 : i64} {
  func.func @body(%arg0: memref<20224x64xf32, #tpu.memory_space<vmem>>, %arg1: memref<10112x16xf32, #tpu.memory_space<vmem>>, %arg2: memref<10000x64xf32, #tpu.memory_space<vmem>>, %arg3: memref<10000x1xi32, #tpu.memory_space<vmem>>, %arg4: memref<64x64xf32, #tpu.memory_space<vmem>>, %arg5: memref<64x64xf32, #tpu.memory_space<vmem>>, %arg6: memref<64xf32, #tpu.memory_space<vmem>>, %arg7: memref<64x32xf32, #tpu.memory_space<vmem>>, %arg8: memref<32xf32, #tpu.memory_space<vmem>>, %arg9: memref<32x1xf32, #tpu.memory_space<vmem>>, %arg10: memref<1xf32, #tpu.memory_space<vmem>>, %arg11: memref<64x1xf32, #tpu.memory_space<vmem>>) attributes {dimension_semantics = [], scalar_prefetch = 0 : i64, scratch_operands = 0 : i64, tpu.core_type = #tpu.core_type<tc>} {
    %get3A = arith.constant 0 : index
    %get3A_0 = arith.constant 0 : index
    %get3A_1 = vector.load %arg1[%get3A, %get3A_0] : memref<10112x16xf32, #tpu.memory_space<vmem>>, vector<10000x16xf32>
    %reduce_max3A = arith.constant dense<0xFF800000> : vector<10000xf32>
    %reduce_max3A_2 = vector.multi_reduction <maximumf>, %get3A_1, %reduce_max3A [1] : vector<10000x16xf32> to vector<10000xf32>
    %broadcast_in_dim3A = vector.shape_cast %reduce_max3A_2 : vector<10000xf32> to vector<10000x1xf32>
    %max3A = arith.constant 1.000000e+00 : f32
    %max3A_3 = vector.broadcast %max3A : f32 to vector<10000x1xf32>
    %max3A_4 = arith.maximumf %broadcast_in_dim3A, %max3A_3 : vector<10000x1xf32>
    %get3A_5 = arith.constant 0 : index
    %get3A_6 = arith.constant 0 : index
    %get3A_7 = vector.load %arg0[%get3A_5, %get3A_6] : memref<20224x64xf32, #tpu.memory_space<vmem>>, vector<10000x64xf32>
    %get3A_8 = arith.constant 10112 : index
    %get3A_9 = arith.constant 0 : index
    %get3A_10 = vector.load %arg0[%get3A_8, %get3A_9] : memref<20224x64xf32, #tpu.memory_space<vmem>>, vector<10000x64xf32>
    %add3A = arith.addf %get3A_7, %get3A_10 : vector<10000x64xf32>
    %div3A = vector.broadcast %max3A_4 : vector<10000x1xf32> to vector<10000x64xf32>
    %div3A_11 = arith.divf %add3A, %div3A : vector<10000x64xf32>
    %get3A_12 = arith.constant 0 : index
    %get3A_13 = arith.constant 0 : index
    %get3A_14 = vector.load %arg4[%get3A_12, %get3A_13] : memref<64x64xf32, #tpu.memory_space<vmem>>, vector<64x64xf32>
    %dot_general3A = arith.constant dense<0.000000e+00> : vector<10000x64xf32>
    %dot_general3A_15 = tpu.matmul %div3A_11, %get3A_14, %dot_general3A {dimension_numbers = #tpu.dot_dimension_numbers<[1], [0], [0], [1], [0, 0, 1, 1], [], []>, transpose_lhs_hint = false} : vector<10000x64xf32>, vector<64x64xf32>, vector<10000x64xf32> -> vector<10000x64xf32>
    %get3A_16 = arith.constant 0 : index
    %get3A_17 = arith.constant 0 : index
    %get3A_18 = vector.load %arg2[%get3A_16, %get3A_17] : memref<10000x64xf32, #tpu.memory_space<vmem>>, vector<10000x64xf32>
    %get3A_19 = arith.constant 0 : index
    %get3A_20 = arith.constant 0 : index
    %get3A_21 = vector.load %arg5[%get3A_19, %get3A_20] : memref<64x64xf32, #tpu.memory_space<vmem>>, vector<64x64xf32>
    %dot_general3A_22 = arith.constant dense<0.000000e+00> : vector<10000x64xf32>
    %dot_general3A_23 = tpu.matmul %get3A_18, %get3A_21, %dot_general3A_22 {dimension_numbers = #tpu.dot_dimension_numbers<[1], [0], [0], [1], [0, 0, 1, 1], [], []>, transpose_lhs_hint = false} : vector<10000x64xf32>, vector<64x64xf32>, vector<10000x64xf32> -> vector<10000x64xf32>
    %add3A_24 = arith.addf %dot_general3A_15, %dot_general3A_23 : vector<10000x64xf32>
    %get3A_25 = arith.constant 0 : index
    %get3A_26 = vector.load %arg6[%get3A_25] : memref<64xf32, #tpu.memory_space<vmem>>, vector<64xf32>
    %broadcast_in_dim3A_27 = vector.shape_cast %get3A_26 : vector<64xf32> to vector<1x64xf32>
    %add3A_28 = vector.broadcast %broadcast_in_dim3A_27 : vector<1x64xf32> to vector<10000x64xf32>
    %add3A_29 = arith.addf %add3A_24, %add3A_28 : vector<10000x64xf32>
    %get3A_30 = arith.constant 0 : index
    %get3A_31 = arith.constant 0 : index
    %get3A_32 = vector.load %arg3[%get3A_30, %get3A_31] : memref<10000x1xi32, #tpu.memory_space<vmem>>, vector<10000x1xi32>
    %iota3A = tpu.iota {dimensions = array<i32: 1>} : vector<1x64xi32>
    %eq3A = vector.broadcast %get3A_32 : vector<10000x1xi32> to vector<10000x64xi32>
    %eq3A_33 = vector.broadcast %iota3A : vector<1x64xi32> to vector<10000x64xi32>
    %eq3A_34 = arith.cmpi eq, %eq3A, %eq3A_33 : vector<10000x64xi32>
    %convert_element_type3A = arith.extui %eq3A_34 : vector<10000x64xi1> to vector<10000x64xi32>
    %convert_element_type3A_35 = arith.sitofp %convert_element_type3A : vector<10000x64xi32> to vector<10000x64xf32>
    %dot_general3A_36 = arith.constant dense<0.000000e+00> : vector<64x64xf32>
    %dot_general3A_37 = tpu.matmul %convert_element_type3A_35, %add3A_29, %dot_general3A_36 {dimension_numbers = #tpu.dot_dimension_numbers<[0], [0], [1], [1], [0, 1, 1, 1], [], []>, precision = #tpu.contract_precision<fp32>, transpose_lhs_hint = false} : vector<10000x64xf32>, vector<10000x64xf32>, vector<64x64xf32> -> vector<64x64xf32>
    %get3A_38 = arith.constant 0 : index
    %get3A_39 = arith.constant 0 : index
    %get3A_40 = vector.load %arg7[%get3A_38, %get3A_39] : memref<64x32xf32, #tpu.memory_space<vmem>>, vector<64x32xf32>
    %dot_general3A_41 = arith.constant dense<0.000000e+00> : vector<64x32xf32>
    %dot_general3A_42 = tpu.matmul %dot_general3A_37, %get3A_40, %dot_general3A_41 {dimension_numbers = #tpu.dot_dimension_numbers<[1], [0], [0], [1], [0, 0, 1, 1], [], []>, transpose_lhs_hint = false} : vector<64x64xf32>, vector<64x32xf32>, vector<64x32xf32> -> vector<64x32xf32>
    %get3A_43 = arith.constant 0 : index
    %get3A_44 = vector.load %arg8[%get3A_43] : memref<32xf32, #tpu.memory_space<vmem>>, vector<32xf32>
    %broadcast_in_dim3A_45 = vector.shape_cast %get3A_44 : vector<32xf32> to vector<1x32xf32>
    %add3A_46 = vector.broadcast %broadcast_in_dim3A_45 : vector<1x32xf32> to vector<64x32xf32>
    %add3A_47 = arith.addf %dot_general3A_42, %add3A_46 : vector<64x32xf32>
    %max3A_48 = arith.constant 0.000000e+00 : f32
    %max3A_49 = vector.broadcast %max3A_48 : f32 to vector<64x32xf32>
    %max3A_50 = arith.maximumf %add3A_47, %max3A_49 : vector<64x32xf32>
    %get3A_51 = arith.constant 0 : index
    %get3A_52 = arith.constant 0 : index
    %get3A_53 = vector.load %arg9[%get3A_51, %get3A_52] : memref<32x1xf32, #tpu.memory_space<vmem>>, vector<32x1xf32>
    %dot_general3A_54 = arith.constant dense<0.000000e+00> : vector<64x1xf32>
    %dot_general3A_55 = tpu.matmul %max3A_50, %get3A_53, %dot_general3A_54 {dimension_numbers = #tpu.dot_dimension_numbers<[1], [0], [0], [1], [0, 0, 1, 1], [], []>, transpose_lhs_hint = false} : vector<64x32xf32>, vector<32x1xf32>, vector<64x1xf32> -> vector<64x1xf32>
    %get3A_56 = arith.constant 0 : index
    %get3A_57 = vector.load %arg10[%get3A_56] : memref<1xf32, #tpu.memory_space<vmem>>, vector<1xf32>
    %broadcast_in_dim3A_58 = vector.shape_cast %get3A_57 : vector<1xf32> to vector<1x1xf32>
    %add3A_59 = vector.broadcast %broadcast_in_dim3A_58 : vector<1x1xf32> to vector<64x1xf32>
    %add3A_60 = arith.addf %dot_general3A_55, %add3A_59 : vector<64x1xf32>
    %swap3A = arith.constant 0 : index
    %swap3A_61 = arith.constant 0 : index
    %swap3A_62 = vector.load %arg11[%swap3A, %swap3A_61] : memref<64x1xf32, #tpu.memory_space<vmem>>, vector<64x1xf32>
    tpu.vector_store %arg11[%swap3A, %swap3A_61], %add3A_60 {strides = array<i32>} : memref<64x1xf32, #tpu.memory_space<vmem>>, vector<64x1xf32>,
    return
  }
}

</mosaic_0001>

<sc_bundles>
// kernel: kernel.11.cloned.1.call-start
scs
__scs_entry_jumppad:
0x0: {  	(pc) =	sbr.rel $0x88, $3  }
0x1: {  	(tag) =	ssettag $0x0;
	lr =	simm.s32 $0x1  }
0x2: {  	[smem:$0x3F91] =	sst lr;
	_ =	strace $0xD0000000  }
0x3: {  	_ = 	snop  }
0x4: {  	_ = 	snop  }
0x5: {  	_ = 	snop  }
0x6: {  	_ = 	snop  }
0x7: {  	_ = 	snop  }
__scs_overlays_trampoline_lowered:
0x8: {  	[smem:$0x3FA0] =	sst s0  }
0x9: {  	[smem:$0x3FA1] =	sst s1  }
0xa: {  	[smem:$0x3FA2] =	sst s2  }
0xb: {  	[smem:$0x3FA3] =	sst s3  }
0xc: {  	[smem:$0x3FA4] =	sst s4  }
0xd: {  	[smem:$0x3FA5] =	sst s5  }
0xe: {  	[smem:$0x3FA6] =	sst s6  }
0xf: {  	[smem:$0x3FA7] =	sst s7  }
0x10: {  	[smem:$0x3FA8] =	sst s8  }
0x11: {  	[smem:$0x3FA9] =	sst s9;
	s0 =	simm.s32 @!p0 $0x0  }
0x12: {  	s1 =	sld [smem:$0x3F8F];
	s0 =	simm.s32 @p0 $0x1  }
0x13: {  	[smem:$0x3FAA] =	sst s0;
	s0 =	simm.s32 @!p1 $0x0  }
0x14: {  	s2 =	sld [smem:$0x3F8E];
	s0 =	simm.s32 @p1 $0x1  }
0x15: {  	[smem:$0x3FAB] =	sst s0;
	s0 =	simm.s32 @!p2 $0x0  }
0x16: {  	s3 =	sld [smem:$0x3FDB];
	s0 =	simm.s32 @p2 $0x1  }
0x17: {  	s4 =	simm.s32 $0x1BF5;
	[smem:$0x3FAD] =	sst s0  }
0x18: {  	s0 =	sld [smem:$0x3F90];
	_ =	swait.ge [sflag:s4], $0x0  }
0x19: {  	s7 =	sld [smem:$0x3F91]  }
0x1a: {  	s8 =	sadd.s32 $0xFFFFE003, lr  }
0x1b: {  	s9 =	sadd.s32 $0xFFFFFEF7, lr;
	s5 =	simm.s32 $0xFFFFFFFF;
	p2 =	slt.u32 s8, $0xFFFFF086  }
0x1c: {  	p1 =	slt.u32 s9, $0xF7A;
	s5 =	simm.s32 @!p2 $0x0  }
0x1d: {  	s5 =	simm.s32 @p1 $0x1;
	p0 =	seq.s32 s7, s2  }
0x1e: {  	s7 =	smul.u32 @!p0 $0xF7A, s2;
	p2 =	seq.s32 @!p0 s5, $0x0  }
0x1f: {  	s9 =	smul.u32 $0xF7A, s1;
	s8 =	simm.s32 @!p0 $0x1BF5;
	p2 =	por !p2, p0  }
0x20: {  	[sflag:s8] =	ssyncset.s32 @!p0 $0xFFFFF086;
	s6 =	sadd.s32 @!p0 s3, s7;
	s7 =	simm.s32 @!p0 $0x108  }
0x21: {  	s3 =	sadd.s32 s3, s9;
	s6 =	sadd.s32 @!p0 $0x88, s6;
	s7 =	simm.s32 @p2 $0x1082  }
0x22: {  	[simem:s7], [sflag:s8] =	dma.local @!p0 [hbm:s6], $0xF7A  }
0x23: {  	s9 =	sor.u32 $0xD0000000, s2;
	s6 =	simm.s32 $0x108;
	_ =	swait.ge @!p0 [sflag:s8], $0x0  }
0x24: {  	s3 =	sadd.s32 $0x88, s3;
	s6 =	simm.s32 @!p1 $0x1082;
	[sflag:s4] =	ssyncset.s32 $0xFFFFF086  }
0x25: {  	[simem:s6], [sflag:s4] =	dma.local [hbm:s3], $0xF7A  }
0x26: {  	[smem:$0x3F91] =	sst s1;
	(tag) =	ssettag s2;
	_ =	strace s9  }
0x27: {  	s1 =	sld [smem:$0x3FA1]  }
0x28: {  	s2 =	sld [smem:$0x3FA2]  }
0x29: {  	s4 =	sld [smem:$0x3FA4]  }
0x2a: {  	p0 =	seq.s32 s5, $0x0;
	s5 =	sld [smem:$0x3FA5]  }
0x2b: {  	s6 =	sld [smem:$0x3FA6]  }
0x2c: {  	s7 =	sld [smem:$0x3FA7]  }
0x2d: {  	s3 =	simm.s32 $0x108;
	s8 =	sld [smem:$0x3FA8]  }
0x2e: {  	s3 =	simm.s32 @!p0 $0x1082;
	s9 =	sld [smem:$0x3FA9]  }
0x2f: {  	lr =	sadd.s32 s0, s3;
	s0 =	sld [smem:$0x3FA0]  }
0x30: {  	s3 =	sld [smem:$0x3FA3]  }
0x31: {  	[smem:$0x3FAC] =	sst s10  }
0x32: {  	s10 =	sld [smem:$0x3FAA];
	_ =	sdelay $0x3  }
0x33: {  	p0 =	seq.s32 s10, $0x1;
	s10 =	sld [smem:$0x3FAC];
	_ =	sdelay $0x3  }
0x34: {  	[smem:$0x3FAC] =	sst s10  }
0x35: {  	s10 =	sld [smem:$0x3FAB];
	_ =	sdelay $0x3  }
0x36: {  	p1 =	seq.s32 s10, $0x1;
	s10 =	sld [smem:$0x3FAC];
	_ =	sdelay $0x3  }
0x37: {  	[smem:$0x3FAC] =	sst s10  }
0x38: {  	s10 =	sld [smem:$0x3FAD]  }
0x39: {  	_ = 	snop;
	(pc) =	sbr.ind lr, $3  }
0x3a: {  	_ = 	snop  }
0x3b: {  	_ = 	snop  }
0x3c: {  	p2 =	seq.s32 s10, $0x1;
	s10 =	sld [smem:$0x3FAC]  }
0x3d: {  	_ =	shalt  }
0x3e: {  	_ =	shalt  }
0x3f: {  	_ =	shalt  }
0x40: {  	_ =	shalt  }
0x41: {  	_ =	shalt  }
0x42: {  	_ =	shalt  }
0x43: {  	_ =	shalt  }
0x44: {  	_ =	shalt  }
0x45: {  	_ =	shalt  }
0x46: {  	_ =	shalt  }
0x47: {  	_ =	shalt  }
0x48: {  	_ =	shalt  }
0x49: {  	_ =	shalt  }
0x4a: {  	_ =	shalt  }
0x4b: {  	_ =	shalt  }
0x4c: {  	_ =	shalt  }
0x4d: {  	_ =	shalt  }
0x4e: {  	_ =	shalt  }
0x4f: {  	_ =	shalt  }
0x50: {  	_ =	shalt  }
0x51: {  	_ =	shalt  }
0x52: {  	_ =	shalt  }
0x53: {  	_ =	shalt  }
0x54: {  	_ =	shalt  }
0x55: {  	_ =	shalt  }
0x56: {  	_ =	shalt  }
0x57: {  	_ =	shalt  }
0x58: {  	_ =	shalt  }
0x59: {  	_ =	shalt  }
0x5a: {  	_ =	shalt  }
0x5b: {  	_ =	shalt  }
0x5c: {  	_ =	shalt  }
0x5d: {  	_ =	shalt  }
0x5e: {  	_ =	shalt  }
0x5f: {  	_ =	shalt  }
0x60: {  	_ =	shalt  }
0x61: {  	_ =	shalt  }
0x62: {  	_ =	shalt  }
0x63: {  	_ =	shalt  }
0x64: {  	_ =	shalt  }
0x65: {  	_ =	shalt  }
0x66: {  	_ =	shalt  }
0x67: {  	_ =	shalt  }
0x68: {  	_ =	shalt  }
0x69: {  	_ =	shalt  }
0x6a: {  	_ =	shalt  }
0x6b: {  	_ =	shalt  }
0x6c: {  	_ =	shalt  }
0x6d: {  	_ =	shalt  }
0x6e: {  	_ =	shalt  }
0x6f: {  	_ =	shalt  }
0x70: {  	_ =	shalt  }
0x71: {  	_ =	shalt  }
0x72: {  	_ =	shalt  }
0x73: {  	_ =	shalt  }
0x74: {  	_ =	shalt  }
0x75: {  	_ =	shalt  }
0x76: {  	_ =	shalt  }
0x77: {  	_ =	shalt  }
0x78: {  	_ =	shalt  }
0x79: {  	_ =	shalt  }
0x7a: {  	_ =	shalt  }
0x7b: {  	_ =	shalt  }
0x7c: {  	_ =	shalt  }
0x7d: {  	_ =	shalt  }
0x7e: {  	_ =	shalt  }
0x7f: {  	_ =	shalt  }
0x80: {  	_ =	shalt  }
0x81: {  	_ =	shalt  }
0x82: {  	_ =	shalt  }
0x83: {  	_ =	shalt  }
0x84: {  	_ =	shalt  }
0x85: {  	_ =	shalt  }
0x86: {  	_ =	shalt  }
0x87: {  	_ =	shalt  }
.Lfunc_end0:
.L_simem_size_0:
called_computation.1_lowered:
.L_overlay_start_0:
0x88: {  	s2 =	sld [smem:$0x3FD9]  }
0x89: {  	s3 =	sld [smem:$0x3FFE];
	_ =	sdelay $0x1  }
0x8a: {  	s1 =	srdreg.scid  }
0x8b: {  	s0 =	sand.u32 $0x1, s1  }
0x8c: {  	s16 =	sshll.u32 s0, $0xA;
	s2 =	sadd.s32 s3, s2  }
0x8d: {  	s2 =	sadd.s32 s2, s16  }
0x8e: {  	[smem:$0x3FB8] =	sst s2  }
0x8f: {  	_ = 	snop  }
0x90: {  	(tm) =	ssettm $0x1  }
0x91: {  	s17 =	sld [smem:$0x3FFB];
	_ =	sdelay $0x3  }
0x92: {  	_ =	strace s17  }
0x93: {  	s2 =	sld [smem:$0x3FFC];
	_ =	sdelay $0x3  }
0x94: {  	_ =	strace s2  }
0x95: {  	s2 =	sld [smem:$0x3FFD];
	_ =	sdelay $0x3  }
0x96: {  	_ =	strace s2  }
0x97: {  	_ =	strace $0x8FFFFFFF  }
0x98: {  	s18 =	sld [smem:$0x3FDB];
	_ =	sdelay $0x1  }
0x99: {  	s19 =	simm.s32 $_scs_section_size  }
0x9a: {  	s4 =	simm.s32 $_size__tile_overlayer_lowered;
	s5 =	simm.s32 $_tile_overlayer_lowered  }
0x9b: {  	s22 =	simm.s32 $0x1BFF;
	s21 =	sshll.u32 s5, $0x1;
	s2 =	sadd.s32 s19, s18  }
0x9c: {  	s6 =	simm.s32 $0x0;
	s20 =	sshll.u32 s4, $0x1;
	s4 =	sadd.s32 s21, s2  }
0x9d: {  	[timem:s6], [sflag:s22] =	dma.local [hbm:s4], s20  }
0x9e: {  	_ =	swait.ge [sflag:s22], s20  }
0x9f: {  	s3 =	ssub.s32 $0x0, s20;
	[sflag:s22] =	ssyncset.done $0x0  }
0xa0: {  	[sflag:s22] =	ssyncadd.s32 s3;
	_ =	sdelay $0x1  }
0xa1: {  	s23 =	simm.s32 $0x1B8B  }
0xa2: {  	_ =	swait.ge [sflag:s23], $0x1  }
0xa3: {  	[sflag:s23] =	ssyncset.done $0x0  }
0xa4: {  	s25 =	simm.s32 $0x1B8E;
	s24 =	sld [smem:$0x3FFE];
	[sflag:s23] =	ssyncadd.s32 $0xFFFFFFFF  }
0xa5: {  	s26 =	simm.s32 $execute0_lowered;
	[smem:$0x3FD2] =	sst s25  }
0xa6: {  	s4 =	sshll.u32 s26, $0x1;
	_ =	strace $0x80000049;
	[dreg:$0x1] =	wrdreg $0xFFFFFFFF  }
0xa7: {  	s28 =	simm.s32 $_size_execute0_lowered;
	s2 =	sadd.s32 s2, s4;
	[dreg:$0x0] =	wrdreg $0x0  }
0xa8: {  	s4 =	sshll.u32 s28, $0x1;
	[dreg:$0x2] =	wrdreg s2  }
0xa9: {  	[dreg:$0x3] =	wrdreg s4  }
0xaa: {  	[dreg:$0x4] =	wrdreg $0xC0  }
0xab: {  	_ =	task [dreg:s6], $0x5FFFF  }
0xac: {  	[dreg:$0x1] =	wrdreg $0xFFFFFFFF  }
0xad: {  	[dreg:$0x0] =	wrdreg $0x60  }
0xae: {  	[dreg:$0x2] =	wrdreg s24  }
0xaf: {  	[dreg:$0x3] =	wrdreg $0x12D000  }
0xb0: {  	[dreg:$0x4] =	wrdreg $0x0  }
0xb1: {  	[dreg:$0x5] =	wrdreg $0x9  }
0xb2: {  	_ =	task.clear_ibuf [dreg:s6], $0x6FFFF;
	_ =	strace $0x90000049  }
0xb3: {  	s29 =	simm.s32 $0x9;
	_ =	strace $0x8000004B  }
0xb4: {  	_ =	swait.ge [sflag:s29], $0x1  }
0xb5: {  	[sflag:s29] =	ssyncadd.s32 $0xFFFFFFFF  }
0xb6: {  	_ =	strace $0x9000004B  }
0xb7: {  	_ =	sfence  }
0xb8: {  	s30 =	sld [smem:$0x0];
	_ =	sdelay $0x2  }
0xb9: {  	s31 =	sshll.u32 s1, $0xD;
	s1 =	sshrl.u32 s1, $0x2  }
0xba: {  	s3 =	sand.u32 $0x4000, s31;
	s1 =	sadd.s32 s1, s30  }
0xbb: {  	s0 =	sor.u32 s3, s0;
	s1 =	sshll.u32 s1, $0x11  }
0xbc: {  	s0 =	sor.u32 s1, s0  }
0xbd: {  	s0 =	sadd.s32 $0x8F2B, s0  }
0xbe: {  	[sflag:s0] =	ssyncadd.remote.s32 $0x1  }
0xbf: {  	_ =	sfence.sel $0xFFFF  }
0xc0: {  	[dreg:$0x0] =	wrdreg $0xFFFFFFFF;
	(pc) =	sbr.abs _section_cstart, $3  }
0xc1: {  	[dreg:$0x1] =	wrdreg $0xFFFFFFFF  }
0xc2: {  	_ =	task.clear_ibuf [dreg:s6], $0x2FFFF;
	_ =	strace $0x9FFFFFFF  }
0xc3: {  	(tm) =	ssettm $0x7FFFFFFF  }
tec
execute0_lowered:
.L_overlay_start_1:
0x0: {  	(tag) =	ssettag $0x1  }
0x1: {  	s6 =	rddreg [dreg:$0x0]  }
0x2: {  	s2 =	rddreg [dreg:$0x1]  }
0x3: {  	s0 =	srdreg.scid;
	s3 =	rddreg [dreg:$0x2]  }
0x4: {  	s4 =	simm.s32 $0x0;
	s16 =	simm.s32 $0x80;
	s17 =	simm.s32 $0x9E00  }
0x5: {  	s18 =	simm.s32 $0x1;
	s5 =	sand.u32 $0x1, s0;
	s0 =	stileid.u32  }
0x6: {  	s19 =	simm.s32 $0x10500;
	s20 =	simm.s32 $0x0;
	s9 =	smul.u32 $0x9E00, s0  }
0x7: {  	[smem:$0x7FF] =	sst s4;
	s1 =	sshll.u32 s5, $0x4;
	s8 =	smul.u32 $0x13C0, s0  }
0x8: {  	s11 =	smul.u32 $0x13C00, s5;
	s12 =	ssub.s32 $0x2, s5;
	s5 =	sadd.s32 $0x3E800, s6  }
0x9: {  	s31 =	sshll.u32 s0, $0x6;
	s1 =	sor.u32 s0, s1;
	s30 =	sshrl.u32 s12, $0x1  }
0xa: {  	s7 =	smul.u32 $0x4F0, s1;
	s1 =	rddreg [dreg:$0x3];
	s10 =	sshrl.u32 s9, $0x3  }
0xb: {  	_ =	strace $0x8000004A;
	s8 =	sadd.s32 s8, s11;
	s11 =	ssub.s32 s12, s30  }
0xc: {  	s14 =	sadd.s32 s9, s2;
	s15 =	sadd.s32 s9, s3;
	s12 =	simm.s32 $0x2  }
0xd: {  	s10 =	sadd.s32 s10, s6;
	s13 =	sadd.s32 s8, s6;
	s14 =	sshrl.u32 s14, $0x3  }
0xe: {  	s15 =	sshrl.u32 s15, $0x3;
	s7 =	sadd.s32 s7, s6;
	s8 =	sadd.s32 $0x3FC00, s10  }
0xf: {  	s9 =	sadd.s32 $0x3000, s13;
	s10 =	smax.u32 s11, $0x1;
	s11 =	simm.s32 $0x10580  }
0x10: {  	s13 =	sor.u32 $0x1C02, s31;
	s6 =	sadd.s32 $0x76A00, s7;
	s7 =	sadd.s32 $0x6CC00, s7  }
.LBB2_1:
0x11: {  	[tilespmem:s11], [sflag:$0x2] =	stream.linear.gather [hbm4b:s6+s4], $0x2780, $0x38;
	[tilespmem:$0x1CB00] =	vst v63  }
0x12: {  	_ =	swait.ge [sflag:s12], $0x2780  }
0x13: {  	[sflag:s12] =	ssyncset.done $0x0  }
0x14: {  	s21 =	simm.s32 $0xDE00;
	[sflag:s12] =	ssyncadd.s32 $0xFFFFD880  }
0x15: {  	[tilespmem:s21], [sflag:$0x2] =	stream.linear.gather [hbm4b:s7+s4], $0x2780, $0x38;
	[tilespmem:$0x1CB00] =	vst v63  }
0x16: {  	_ =	swait.ge [sflag:s12], $0x2780  }
0x17: {  	[sflag:s12] =	ssyncset.done $0x0  }
0x18: {  	[sflag:s12] =	ssyncadd.s32 $0xFFFFD880  }
0x19: {  	[spmem:s14], [sflag:s13] =	dma.local [hbm:s8], $0x13C0  }
0x1a: {  	_ =	swait.ge [sflag:s12], $0x13C0  }
0x1b: {  	[sflag:s12] =	ssyncset.done $0x0  }
0x1c: {  	[sflag:s12] =	ssyncadd.s32 $0xFFFFEC40  }
0x1d: {  	[spmem:s15], [sflag:s13] =	dma.local [hbm:s5], $0x13C0  }
0x1e: {  	_ =	swait.ge [sflag:s12], $0x13C0  }
0x1f: {  	[sflag:s12] =	ssyncset.done $0x0  }
0x20: {  	s22 =	simm.s32 $0x0;
	[sflag:s12] =	ssyncadd.s32 $0xFFFFEC40  }
0x21: {  	s22 =	sand.u32 $0x2000, s22;
	[bflag:$0x0] =	sbarrier.arrive $0xFFFF  }
0x22: {  	[tilespmem:s17], [sflag:$0x1] =	stream.indirect.gather [spmem:s2], $0x40, s11, s16, $0xb8;
	[tilespmem:$0x1CB00] =	vst v63  }
0x23: {  	s23 =	simm.s32 $0x10600;
	s24 =	sxor.u32 $0xBE00, s22  }
0x24: {  	[tilespmem:s24], [sflag:$0x1] =	stream.indirect.gather [spmem:s2], $0x40, s23, s16, $0xb8;
	[tilespmem:$0x1CB00] =	vst v63  }
0x25: {  	_ =	swait.ge [sflag:s18], $0x2000  }
0x26: {  	[sflag:s18] =	ssyncset.done $0x0  }
0x27: {  	s31 =	simm.s32 $0x2000;
	s22 =	sor.u32 $0x9E00, s22;
	[sflag:s18] =	ssyncadd.s32 $0xFFFFE000  }
0x28: {  	[spmem:s3] =	stream.indirect.scatter.add.f32 [tilespmem:s22], [sflag:$0x2], $0x40, s21, s16, $0xb8;
	[tilespmem:$0x1CB00] =	vst v63  }
0x29: {  	s24 =	simm.s32 $0x2;
	s23 =	sand.u32 $0x2000, s31;
	_ =	swait.ge [sflag:s12], $0x2000  }
0x2a: {  	s22 =	simm.s32 $0x10680;
	s21 =	simm.s32 $0xDE80;
	[sflag:s12] =	ssyncset.done $0x0  }
.LBB2_2:
0x2b: {  	s25 =	sxor.u32 $0xBE00, s23  }
0x2c: {  	[sflag:s12] =	ssyncadd.s32 $0xFFFFE000;
	s26 =	smov.u32 s24;
	s28 =	sadd.s32 $0x1, s24  }
0x2d: {  	[tilespmem:s25], [sflag:$0x1] =	stream.indirect.gather [spmem:s2], $0x40, s22, s16, $0xb8;
	[tilespmem:$0x1CB00] =	vst v63  }
0x2e: {  	p0 =	sne.s32 s24, $0x4D;
	_ =	swait.ge [sflag:s18], $0x2000  }
.Ltmp0:
0x2f: {  	[sflag:s18] =	ssyncset.done $0x0;
	(pc) =	sbr.rel @p0 .LBB2_2-.Ltmp0, $4  }
0x30: {  	s23 =	sor.u32 $0x9E00, s23;
	s22 =	sadd.s32 $0x80, s22;
	[sflag:s18] =	ssyncadd.s32 $0xFFFFE000  }
0x31: {  	[spmem:s3] =	stream.indirect.scatter.add.f32 [tilespmem:s23], [sflag:$0x2], $0x40, s21, s16, $0xb8;
	[tilespmem:$0x1CB00] =	vst v63  }
0x32: {  	s24 =	smov.u32 s28;
	s23 =	sshll.u32 s26, $0xD;
	_ =	swait.ge [sflag:s12], $0x2000  }
0x33: {  	s21 =	sadd.s32 $0x80, s21;
	s23 =	sand.u32 $0x2000, s23;
	[sflag:s12] =	ssyncset.done $0x0  }
0x34: {  	s24 =	sxor.u32 $0xBE00, s23;
	[sflag:s12] =	ssyncadd.s32 $0xFFFFE000  }
0x35: {  	[tilespmem:s24], [sflag:$0x1] =	stream.indirect.gather [spmem:s2], $0x40, s22, s16, $0xb8;
	[tilespmem:$0x1CB00] =	vst v63  }
0x36: {  	_ =	swait.ge [sflag:s18], $0x2000  }
0x37: {  	[sflag:s18] =	ssyncset.done $0x0  }
0x38: {  	s31 =	sor.u32 $0x9E00, s23;
	[sflag:s18] =	ssyncadd.s32 $0xFFFFE000  }
0x39: {  	[spmem:s3] =	stream.indirect.scatter.add.f32 [tilespmem:s31], [sflag:$0x2], $0x40, s21, s16, $0xb8;
	[tilespmem:$0x1CB00] =	vst v63  }
0x3a: {  	_ =	swait.ge [sflag:s12], $0x2000  }
0x3b: {  	[sflag:s12] =	ssyncset.done $0x0  }
0x3c: {  	[sflag:s12] =	ssyncadd.s32 $0xFFFFE000  }
0x3d: {  	_ =	swait.ge [sflag:s18], $0x2000  }
0x3e: {  	[sflag:s18] =	ssyncset.done $0x0  }
0x3f: {  	[sflag:s18] =	ssyncadd.s32 $0xFFFFE000  }
0x40: {  	[spmem:s3] =	stream.indirect.scatter.add.f32 [tilespmem:s17], [sflag:$0x2], $0x40, s19, s16, $0xb8;
	[tilespmem:$0x1CB00] =	vst v63  }
0x41: {  	_ =	swait.ge [sflag:s12], $0x2000  }
0x42: {  	s20 =	sadd.s32 $0x1, s20;
	[sflag:s12] =	ssyncset.done $0x0  }
0x43: {  	p0 =	sne.s32 s20, s10;
	[sflag:s12] =	ssyncadd.s32 $0xFFFFE000  }
.Ltmp1:
0x44: {  	[bflag:$0x0] =	sbarrier.arrive $0xFFFF;
	(pc) =	sbr.rel @p0 .LBB2_1-.Ltmp1, $4  }
0x45: {  	[hbm:s9], [sflag:s13] =	dma.local [spmem:s15], $0x13C0  }
0x46: {  	_ =	swait.ge [sflag:s12], $0x13C0  }
0x47: {  	[sflag:s12] =	ssyncset.done $0x0  }
0x48: {  	[sflag:s12] =	ssyncadd.s32 $0xFFFFEC40  }
0x49: {  	_ =	sfence.sel $0x180000  }
0x4a: {  	[bflag:$0x0] =	sbarrier.arrive $0xFFFF  }
0x4b: {  	p0 =	sne.s32 s0, $0x0;
	_ =	strace $0x9000004A  }
0x4c: {  	s0 =	sadd.s32 @!p0 $0x100000, s1;
	[bflag:$0x2] =	sbarrier.arrive $0xFFFF  }
0x4d: {  	[sflag:s0] =	ssyncadd.tile.s32 @!p0 $0x1;
	_ =	shalt  }
.Lfunc_end2:
_tile_overlayer_lowered:
.L_overlay_start_2:
0x4e: {  	(tag) =	ssettag $0x2  }
0x4f: {  	s0 =	rddreg [dreg:$0x0];
	s2 =	stileid.u32  }
0x50: {  	s1 =	rddreg [dreg:$0x1];
	p0 =	sne.s32 s2, $0x0  }
0x51: {  	s3 =	rddreg [dreg:$0x2];
	[bflag:$0x3] =	sbarrier.arrive $0xFFFF;
	s2 =	simm.s32 @!p0 $0x1C02  }
0x52: {  	[timem:s3], [sflag:s2] =	dma.local @!p0 [hbm:s0], s1  }
0x53: {  	s0 =	simm.s32 @!p0 $0x2  }
0x54: {  	_ =	swait.ge @!p0 [sflag:s0], s1  }
0x55: {  	s1 =	ssub.s32 @!p0 $0x0, s1;
	[sflag:s0] =	ssyncset.done @!p0 $0x0  }
0x56: {  	[sflag:s0] =	ssyncadd.s32 @!p0 s1  }
0x57: {  	[bflag:$0x3] =	sbarrier.arrive $0xFFFF  }
0x58: {  	_ =	shalt  }

// kernel: kernel.14.cloned.1.call-start
scs
__scs_entry_jumppad:
0x0: {  	(pc) =	sbr.rel $0x88, $3  }
0x1: {  	(tag) =	ssettag $0x0;
	lr =	simm.s32 $0x1  }
0x2: {  	[smem:$0x3F91] =	sst lr;
	_ =	strace $0xD0000000  }
0x3: {  	_ = 	snop  }
0x4: {  	_ = 	snop  }
0x5: {  	_ = 	snop  }
0x6: {  	_ = 	snop  }
0x7: {  	_ = 	snop  }
__scs_overlays_trampoline_lowered:
0x8: {  	[smem:$0x3FA0] =	sst s0  }
0x9: {  	[smem:$0x3FA1] =	sst s1  }
0xa: {  	[smem:$0x3FA2] =	sst s2  }
0xb: {  	[smem:$0x3FA3] =	sst s3  }
0xc: {  	[smem:$0x3FA4] =	sst s4  }
0xd: {  	[smem:$0x3FA5] =	sst s5  }
0xe: {  	[smem:$0x3FA6] =	sst s6  }
0xf: {  	[smem:$0x3FA7] =	sst s7  }
0x10: {  	[smem:$0x3FA8] =	sst s8  }
0x11: {  	[smem:$0x3FA9] =	sst s9;
	s0 =	simm.s32 @!p0 $0x0  }
0x12: {  	s1 =	sld [smem:$0x3F8F];
	s0 =	simm.s32 @p0 $0x1  }
0x13: {  	[smem:$0x3FAA] =	sst s0;
	s0 =	simm.s32 @!p1 $0x0  }
0x14: {  	s2 =	sld [smem:$0x3F8E];
	s0 =	simm.s32 @p1 $0x1  }
0x15: {  	[smem:$0x3FAB] =	sst s0;
	s0 =	simm.s32 @!p2 $0x0  }
0x16: {  	s3 =	sld [smem:$0x3FDB];
	s0 =	simm.s32 @p2 $0x1  }
0x17: {  	s4 =	simm.s32 $0x1BF5;
	[smem:$0x3FAD] =	sst s0  }
0x18: {  	s0 =	sld [smem:$0x3F90];
	_ =	swait.ge [sflag:s4], $0x0  }
0x19: {  	s7 =	sld [smem:$0x3F91]  }
0x1a: {  	s8 =	sadd.s32 $0xFFFFE003, lr  }
0x1b: {  	s9 =	sadd.s32 $0xFFFFFEF7, lr;
	s5 =	simm.s32 $0xFFFFFFFF;
	p2 =	slt.u32 s8, $0xFFFFF086  }
0x1c: {  	p1 =	slt.u32 s9, $0xF7A;
	s5 =	simm.s32 @!p2 $0x0  }
0x1d: {  	s5 =	simm.s32 @p1 $0x1;
	p0 =	seq.s32 s7, s2  }
0x1e: {  	s7 =	smul.u32 @!p0 $0xF7A, s2;
	p2 =	seq.s32 @!p0 s5, $0x0  }
0x1f: {  	s9 =	smul.u32 $0xF7A, s1;
	s8 =	simm.s32 @!p0 $0x1BF5;
	p2 =	por !p2, p0  }
0x20: {  	[sflag:s8] =	ssyncset.s32 @!p0 $0xFFFFF086;
	s6 =	sadd.s32 @!p0 s3, s7;
	s7 =	simm.s32 @!p0 $0x108  }
0x21: {  	s3 =	sadd.s32 s3, s9;
	s6 =	sadd.s32 @!p0 $0x88, s6;
	s7 =	simm.s32 @p2 $0x1082  }
0x22: {  	[simem:s7], [sflag:s8] =	dma.local @!p0 [hbm:s6], $0xF7A  }
0x23: {  	s9 =	sor.u32 $0xD0000000, s2;
	s6 =	simm.s32 $0x108;
	_ =	swait.ge @!p0 [sflag:s8], $0x0  }
0x24: {  	s3 =	sadd.s32 $0x88, s3;
	s6 =	simm.s32 @!p1 $0x1082;
	[sflag:s4] =	ssyncset.s32 $0xFFFFF086  }
0x25: {  	[simem:s6], [sflag:s4] =	dma.local [hbm:s3], $0xF7A  }
0x26: {  	[smem:$0x3F91] =	sst s1;
	(tag) =	ssettag s2;
	_ =	strace s9  }
0x27: {  	s1 =	sld [smem:$0x3FA1]  }
0x28: {  	s2 =	sld [smem:$0x3FA2]  }
0x29: {  	s4 =	sld [smem:$0x3FA4]  }
0x2a: {  	p0 =	seq.s32 s5, $0x0;
	s5 =	sld [smem:$0x3FA5]  }
0x2b: {  	s6 =	sld [smem:$0x3FA6]  }
0x2c: {  	s7 =	sld [smem:$0x3FA7]  }
0x2d: {  	s3 =	simm.s32 $0x108;
	s8 =	sld [smem:$0x3FA8]  }
0x2e: {  	s3 =	simm.s32 @!p0 $0x1082;
	s9 =	sld [smem:$0x3FA9]  }
0x2f: {  	lr =	sadd.s32 s0, s3;
	s0 =	sld [smem:$0x3FA0]  }
0x30: {  	s3 =	sld [smem:$0x3FA3]  }
0x31: {  	[smem:$0x3FAC] =	sst s10  }
0x32: {  	s10 =	sld [smem:$0x3FAA];
	_ =	sdelay $0x3  }
0x33: {  	p0 =	seq.s32 s10, $0x1;
	s10 =	sld [smem:$0x3FAC];
	_ =	sdelay $0x3  }
0x34: {  	[smem:$0x3FAC] =	sst s10  }
0x35: {  	s10 =	sld [smem:$0x3FAB];
	_ =	sdelay $0x3  }
0x36: {  	p1 =	seq.s32 s10, $0x1;
	s10 =	sld [smem:$0x3FAC];
	_ =	sdelay $0x3  }
0x37: {  	[smem:$0x3FAC] =	sst s10  }
0x38: {  	s10 =	sld [smem:$0x3FAD]  }
0x39: {  	_ = 	snop;
	(pc) =	sbr.ind lr, $3  }
0x3a: {  	_ = 	snop  }
0x3b: {  	_ = 	snop  }
0x3c: {  	p2 =	seq.s32 s10, $0x1;
	s10 =	sld [smem:$0x3FAC]  }
0x3d: {  	_ =	shalt  }
0x3e: {  	_ =	shalt  }
0x3f: {  	_ =	shalt  }
0x40: {  	_ =	shalt  }
0x41: {  	_ =	shalt  }
0x42: {  	_ =	shalt  }
0x43: {  	_ =	shalt  }
0x44: {  	_ =	shalt  }
0x45: {  	_ =	shalt  }
0x46: {  	_ =	shalt  }
0x47: {  	_ =	shalt  }
0x48: {  	_ =	shalt  }
0x49: {  	_ =	shalt  }
0x4a: {  	_ =	shalt  }
0x4b: {  	_ =	shalt  }
0x4c: {  	_ =	shalt  }
0x4d: {  	_ =	shalt  }
0x4e: {  	_ =	shalt  }
0x4f: {  	_ =	shalt  }
0x50: {  	_ =	shalt  }
0x51: {  	_ =	shalt  }
0x52: {  	_ =	shalt  }
0x53: {  	_ =	shalt  }
0x54: {  	_ =	shalt  }
0x55: {  	_ =	shalt  }
0x56: {  	_ =	shalt  }
0x57: {  	_ =	shalt  }
0x58: {  	_ =	shalt  }
0x59: {  	_ =	shalt  }
0x5a: {  	_ =	shalt  }
0x5b: {  	_ =	shalt  }
0x5c: {  	_ =	shalt  }
0x5d: {  	_ =	shalt  }
0x5e: {  	_ =	shalt  }
0x5f: {  	_ =	shalt  }
0x60: {  	_ =	shalt  }
0x61: {  	_ =	shalt  }
0x62: {  	_ =	shalt  }
0x63: {  	_ =	shalt  }
0x64: {  	_ =	shalt  }
0x65: {  	_ =	shalt  }
0x66: {  	_ =	shalt  }
0x67: {  	_ =	shalt  }
0x68: {  	_ =	shalt  }
0x69: {  	_ =	shalt  }
0x6a: {  	_ =	shalt  }
0x6b: {  	_ =	shalt  }
0x6c: {  	_ =	shalt  }
0x6d: {  	_ =	shalt  }
0x6e: {  	_ =	shalt  }
0x6f: {  	_ =	shalt  }
0x70: {  	_ =	shalt  }
0x71: {  	_ =	shalt  }
0x72: {  	_ =	shalt  }
0x73: {  	_ =	shalt  }
0x74: {  	_ =	shalt  }
0x75: {  	_ =	shalt  }
0x76: {  	_ =	shalt  }
0x77: {  	_ =	shalt  }
0x78: {  	_ =	shalt  }
0x79: {  	_ =	shalt  }
0x7a: {  	_ =	shalt  }
0x7b: {  	_ =	shalt  }
0x7c: {  	_ =	shalt  }
0x7d: {  	_ =	shalt  }
0x7e: {  	_ =	shalt  }
0x7f: {  	_ =	shalt  }
0x80: {  	_ =	shalt  }
0x81: {  	_ =	shalt  }
0x82: {  	_ =	shalt  }
0x83: {  	_ =	shalt  }
0x84: {  	_ =	shalt  }
0x85: {  	_ =	shalt  }
0x86: {  	_ =	shalt  }
0x87: {  	_ =	shalt  }
.Lfunc_end0:
.L_simem_size_0:
called_computation.2_lowered:
.L_overlay_start_0:
0x88: {  	s2 =	sld [smem:$0x3FD9]  }
0x89: {  	s3 =	sld [smem:$0x3FFE];
	_ =	sdelay $0x1  }
0x8a: {  	s1 =	srdreg.scid  }
0x8b: {  	s0 =	sand.u32 $0x1, s1  }
0x8c: {  	s16 =	sshll.u32 s0, $0xA;
	s2 =	sadd.s32 s3, s2  }
0x8d: {  	s2 =	sadd.s32 s2, s16  }
0x8e: {  	[smem:$0x3FB8] =	sst s2  }
0x8f: {  	_ = 	snop  }
0x90: {  	(tm) =	ssettm $0x1  }
0x91: {  	s17 =	sld [smem:$0x3FFB];
	_ =	sdelay $0x3  }
0x92: {  	_ =	strace s17  }
0x93: {  	s2 =	sld [smem:$0x3FFC];
	_ =	sdelay $0x3  }
0x94: {  	_ =	strace s2  }
0x95: {  	s2 =	sld [smem:$0x3FFD];
	_ =	sdelay $0x3  }
0x96: {  	_ =	strace s2  }
0x97: {  	_ =	strace $0x8FFFFFFF  }
0x98: {  	s18 =	sld [smem:$0x3FDB];
	_ =	sdelay $0x1  }
0x99: {  	s19 =	simm.s32 $_scs_section_size  }
0x9a: {  	s4 =	simm.s32 $_size__tile_overlayer_lowered;
	s5 =	simm.s32 $_tile_overlayer_lowered  }
0x9b: {  	s22 =	simm.s32 $0x1BFF;
	s21 =	sshll.u32 s5, $0x1;
	s2 =	sadd.s32 s19, s18  }
0x9c: {  	s6 =	simm.s32 $0x0;
	s20 =	sshll.u32 s4, $0x1;
	s4 =	sadd.s32 s21, s2  }
0x9d: {  	[timem:s6], [sflag:s22] =	dma.local [hbm:s4], s20  }
0x9e: {  	_ =	swait.ge [sflag:s22], s20  }
0x9f: {  	s3 =	ssub.s32 $0x0, s20;
	[sflag:s22] =	ssyncset.done $0x0  }
0xa0: {  	[sflag:s22] =	ssyncadd.s32 s3;
	_ =	sdelay $0x1  }
0xa1: {  	s23 =	simm.s32 $0x1B8B  }
0xa2: {  	_ =	swait.ge [sflag:s23], $0x1  }
0xa3: {  	[sflag:s23] =	ssyncset.done $0x0  }
0xa4: {  	s25 =	simm.s32 $0x1B8E;
	s24 =	sld [smem:$0x3FFE];
	[sflag:s23] =	ssyncadd.s32 $0xFFFFFFFF  }
0xa5: {  	s26 =	simm.s32 $execute0_lowered;
	[smem:$0x3FD2] =	sst s25  }
0xa6: {  	s4 =	sshll.u32 s26, $0x1;
	_ =	strace $0x8000004C;
	[dreg:$0x1] =	wrdreg $0xFFFFFFFF  }
0xa7: {  	s28 =	simm.s32 $_size_execute0_lowered;
	s2 =	sadd.s32 s2, s4;
	[dreg:$0x0] =	wrdreg $0x0  }
0xa8: {  	s4 =	sshll.u32 s28, $0x1;
	[dreg:$0x2] =	wrdreg s2  }
0xa9: {  	[dreg:$0x3] =	wrdreg s4  }
0xaa: {  	[dreg:$0x4] =	wrdreg $0xC0  }
0xab: {  	_ =	task [dreg:s6], $0x5FFFF  }
0xac: {  	[dreg:$0x1] =	wrdreg $0xFFFFFFFF  }
0xad: {  	[dreg:$0x0] =	wrdreg $0x60  }
0xae: {  	[dreg:$0x2] =	wrdreg s24  }
0xaf: {  	[dreg:$0x3] =	wrdreg $0x12D000  }
0xb0: {  	[dreg:$0x4] =	wrdreg $0x0  }
0xb1: {  	[dreg:$0x5] =	wrdreg $0x9  }
0xb2: {  	_ =	task.clear_ibuf [dreg:s6], $0x6FFFF;
	_ =	strace $0x9000004C  }
0xb3: {  	s29 =	simm.s32 $0x9;
	_ =	strace $0x8000004E  }
0xb4: {  	_ =	swait.ge [sflag:s29], $0x1  }
0xb5: {  	[sflag:s29] =	ssyncadd.s32 $0xFFFFFFFF  }
0xb6: {  	_ =	strace $0x9000004E  }
0xb7: {  	_ =	sfence  }
0xb8: {  	s30 =	sld [smem:$0x0];
	_ =	sdelay $0x2  }
0xb9: {  	s31 =	sshll.u32 s1, $0xD;
	s1 =	sshrl.u32 s1, $0x2  }
0xba: {  	s3 =	sand.u32 $0x4000, s31;
	s1 =	sadd.s32 s1, s30  }
0xbb: {  	s0 =	sor.u32 s3, s0;
	s1 =	sshll.u32 s1, $0x11  }
0xbc: {  	s0 =	sor.u32 s1, s0  }
0xbd: {  	s0 =	sadd.s32 $0x8F2B, s0  }
0xbe: {  	[sflag:s0] =	ssyncadd.remote.s32 $0x1  }
0xbf: {  	_ =	sfence.sel $0xFFFF  }
0xc0: {  	[dreg:$0x0] =	wrdreg $0xFFFFFFFF;
	(pc) =	sbr.abs _section_cstart, $3  }
0xc1: {  	[dreg:$0x1] =	wrdreg $0xFFFFFFFF  }
0xc2: {  	_ =	task.clear_ibuf [dreg:s6], $0x2FFFF;
	_ =	strace $0x9FFFFFFF  }
0xc3: {  	(tm) =	ssettm $0x7FFFFFFF  }
tec
execute0_lowered:
.L_overlay_start_1:
0x0: {  	(tag) =	ssettag $0x1  }
0x1: {  	s6 =	rddreg [dreg:$0x0]  }
0x2: {  	s2 =	rddreg [dreg:$0x1]  }
0x3: {  	s0 =	srdreg.scid;
	s3 =	rddreg [dreg:$0x2]  }
0x4: {  	s4 =	simm.s32 $0x0;
	s16 =	simm.s32 $0x80;
	s17 =	simm.s32 $0x9E00  }
0x5: {  	s18 =	simm.s32 $0x1;
	s5 =	sand.u32 $0x1, s0;
	s0 =	stileid.u32  }
0x6: {  	s19 =	simm.s32 $0x10500;
	s20 =	simm.s32 $0x0;
	s9 =	smul.u32 $0x9E00, s0  }
0x7: {  	[smem:$0x7FF] =	sst s4;
	s1 =	sshll.u32 s5, $0x4;
	s8 =	smul.u32 $0x13C0, s0  }
0x8: {  	s11 =	smul.u32 $0x13C00, s5;
	s12 =	ssub.s32 $0x2, s5;
	s5 =	sadd.s32 $0x3E800, s6  }
0x9: {  	s31 =	sshll.u32 s0, $0x6;
	s1 =	sor.u32 s0, s1;
	s30 =	sshrl.u32 s12, $0x1  }
0xa: {  	s7 =	smul.u32 $0x4F0, s1;
	s1 =	rddreg [dreg:$0x3];
	s10 =	sshrl.u32 s9, $0x3  }
0xb: {  	_ =	strace $0x8000004D;
	s8 =	sadd.s32 s8, s11;
	s11 =	ssub.s32 s12, s30  }
0xc: {  	s14 =	sadd.s32 s9, s2;
	s15 =	sadd.s32 s9, s3;
	s12 =	simm.s32 $0x2  }
0xd: {  	s10 =	sadd.s32 s10, s6;
	s13 =	sadd.s32 s8, s6;
	s14 =	sshrl.u32 s14, $0x3  }
0xe: {  	s15 =	sshrl.u32 s15, $0x3;
	s7 =	sadd.s32 s7, s6;
	s8 =	sadd.s32 $0x3FC00, s10  }
0xf: {  	s9 =	sadd.s32 $0x3000, s13;
	s10 =	smax.u32 s11, $0x1;
	s11 =	simm.s32 $0x10580  }
0x10: {  	s13 =	sor.u32 $0x1C02, s31;
	s6 =	sadd.s32 $0x76A00, s7;
	s7 =	sadd.s32 $0x6CC00, s7  }
.LBB2_1:
0x11: {  	[tilespmem:s11], [sflag:$0x2] =	stream.linear.gather [hbm4b:s6+s4], $0x2780, $0x38;
	[tilespmem:$0x1CB00] =	vst v63  }
0x12: {  	_ =	swait.ge [sflag:s12], $0x2780  }
0x13: {  	[sflag:s12] =	ssyncset.done $0x0  }
0x14: {  	s21 =	simm.s32 $0xDE00;
	[sflag:s12] =	ssyncadd.s32 $0xFFFFD880  }
0x15: {  	[tilespmem:s21], [sflag:$0x2] =	stream.linear.gather [hbm4b:s7+s4], $0x2780, $0x38;
	[tilespmem:$0x1CB00] =	vst v63  }
0x16: {  	_ =	swait.ge [sflag:s12], $0x2780  }
0x17: {  	[sflag:s12] =	ssyncset.done $0x0  }
0x18: {  	[sflag:s12] =	ssyncadd.s32 $0xFFFFD880  }
0x19: {  	[spmem:s14], [sflag:s13] =	dma.local [hbm:s8], $0x13C0  }
0x1a: {  	_ =	swait.ge [sflag:s12], $0x13C0  }
0x1b: {  	[sflag:s12] =	ssyncset.done $0x0  }
0x1c: {  	[sflag:s12] =	ssyncadd.s32 $0xFFFFEC40  }
0x1d: {  	[spmem:s15], [sflag:s13] =	dma.local [hbm:s5], $0x13C0  }
0x1e: {  	_ =	swait.ge [sflag:s12], $0x13C0  }
0x1f: {  	[sflag:s12] =	ssyncset.done $0x0  }
0x20: {  	s22 =	simm.s32 $0x0;
	[sflag:s12] =	ssyncadd.s32 $0xFFFFEC40  }
0x21: {  	s22 =	sand.u32 $0x2000, s22;
	[bflag:$0x0] =	sbarrier.arrive $0xFFFF  }
0x22: {  	[tilespmem:s17], [sflag:$0x1] =	stream.indirect.gather [spmem:s2], $0x40, s11, s16, $0xb8;
	[tilespmem:$0x1CB00] =	vst v63  }
0x23: {  	s23 =	simm.s32 $0x10600;
	s24 =	sxor.u32 $0xBE00, s22  }
0x24: {  	[tilespmem:s24], [sflag:$0x1] =	stream.indirect.gather [spmem:s2], $0x40, s23, s16, $0xb8;
	[tilespmem:$0x1CB00] =	vst v63  }
0x25: {  	_ =	swait.ge [sflag:s18], $0x2000  }
0x26: {  	[sflag:s18] =	ssyncset.done $0x0  }
0x27: {  	s31 =	simm.s32 $0x2000;
	s22 =	sor.u32 $0x9E00, s22;
	[sflag:s18] =	ssyncadd.s32 $0xFFFFE000  }
0x28: {  	[spmem:s3] =	stream.indirect.scatter.add.f32 [tilespmem:s22], [sflag:$0x2], $0x40, s21, s16, $0xb8;
	[tilespmem:$0x1CB00] =	vst v63  }
0x29: {  	s24 =	simm.s32 $0x2;
	s23 =	sand.u32 $0x2000, s31;
	_ =	swait.ge [sflag:s12], $0x2000  }
0x2a: {  	s22 =	simm.s32 $0x10680;
	s21 =	simm.s32 $0xDE80;
	[sflag:s12] =	ssyncset.done $0x0  }
.LBB2_2:
0x2b: {  	s25 =	sxor.u32 $0xBE00, s23  }
0x2c: {  	[sflag:s12] =	ssyncadd.s32 $0xFFFFE000;
	s26 =	smov.u32 s24;
	s28 =	sadd.s32 $0x1, s24  }
0x2d: {  	[tilespmem:s25], [sflag:$0x1] =	stream.indirect.gather [spmem:s2], $0x40, s22, s16, $0xb8;
	[tilespmem:$0x1CB00] =	vst v63  }
0x2e: {  	p0 =	sne.s32 s24, $0x4D;
	_ =	swait.ge [sflag:s18], $0x2000  }
.Ltmp0:
0x2f: {  	[sflag:s18] =	ssyncset.done $0x0;
	(pc) =	sbr.rel @p0 .LBB2_2-.Ltmp0, $4  }
0x30: {  	s23 =	sor.u32 $0x9E00, s23;
	s22 =	sadd.s32 $0x80, s22;
	[sflag:s18] =	ssyncadd.s32 $0xFFFFE000  }
0x31: {  	[spmem:s3] =	stream.indirect.scatter.add.f32 [tilespmem:s23], [sflag:$0x2], $0x40, s21, s16, $0xb8;
	[tilespmem:$0x1CB00] =	vst v63  }
0x32: {  	s24 =	smov.u32 s28;
	s23 =	sshll.u32 s26, $0xD;
	_ =	swait.ge [sflag:s12], $0x2000  }
0x33: {  	s21 =	sadd.s32 $0x80, s21;
	s23 =	sand.u32 $0x2000, s23;
	[sflag:s12] =	ssyncset.done $0x0  }
0x34: {  	s24 =	sxor.u32 $0xBE00, s23;
	[sflag:s12] =	ssyncadd.s32 $0xFFFFE000  }
0x35: {  	[tilespmem:s24], [sflag:$0x1] =	stream.indirect.gather [spmem:s2], $0x40, s22, s16, $0xb8;
	[tilespmem:$0x1CB00] =	vst v63  }
0x36: {  	_ =	swait.ge [sflag:s18], $0x2000  }
0x37: {  	[sflag:s18] =	ssyncset.done $0x0  }
0x38: {  	s31 =	sor.u32 $0x9E00, s23;
	[sflag:s18] =	ssyncadd.s32 $0xFFFFE000  }
0x39: {  	[spmem:s3] =	stream.indirect.scatter.add.f32 [tilespmem:s31], [sflag:$0x2], $0x40, s21, s16, $0xb8;
	[tilespmem:$0x1CB00] =	vst v63  }
0x3a: {  	_ =	swait.ge [sflag:s12], $0x2000  }
0x3b: {  	[sflag:s12] =	ssyncset.done $0x0  }
0x3c: {  	[sflag:s12] =	ssyncadd.s32 $0xFFFFE000  }
0x3d: {  	_ =	swait.ge [sflag:s18], $0x2000  }
0x3e: {  	[sflag:s18] =	ssyncset.done $0x0  }
0x3f: {  	[sflag:s18] =	ssyncadd.s32 $0xFFFFE000  }
0x40: {  	[spmem:s3] =	stream.indirect.scatter.add.f32 [tilespmem:s17], [sflag:$0x2], $0x40, s19, s16, $0xb8;
	[tilespmem:$0x1CB00] =	vst v63  }
0x41: {  	_ =	swait.ge [sflag:s12], $0x2000  }
0x42: {  	s20 =	sadd.s32 $0x1, s20;
	[sflag:s12] =	ssyncset.done $0x0  }
0x43: {  	p0 =	sne.s32 s20, s10;
	[sflag:s12] =	ssyncadd.s32 $0xFFFFE000  }
.Ltmp1:
0x44: {  	[bflag:$0x0] =	sbarrier.arrive $0xFFFF;
	(pc) =	sbr.rel @p0 .LBB2_1-.Ltmp1, $4  }
0x45: {  	[hbm:s9], [sflag:s13] =	dma.local [spmem:s15], $0x13C0  }
0x46: {  	_ =	swait.ge [sflag:s12], $0x13C0  }
0x47: {  	[sflag:s12] =	ssyncset.done $0x0  }
0x48: {  	[sflag:s12] =	ssyncadd.s32 $0xFFFFEC40  }
0x49: {  	_ =	sfence.sel $0x180000  }
0x4a: {  	[bflag:$0x0] =	sbarrier.arrive $0xFFFF  }
0x4b: {  	p0 =	sne.s32 s0, $0x0;
	_ =	strace $0x9000004D  }
0x4c: {  	s0 =	sadd.s32 @!p0 $0x100000, s1;
	[bflag:$0x2] =	sbarrier.arrive $0xFFFF  }
0x4d: {  	[sflag:s0] =	ssyncadd.tile.s32 @!p0 $0x1;
	_ =	shalt  }
.Lfunc_end2:
_tile_overlayer_lowered:
.L_overlay_start_2:
0x4e: {  	(tag) =	ssettag $0x2  }
0x4f: {  	s0 =	rddreg [dreg:$0x0];
	s2 =	stileid.u32  }
0x50: {  	s1 =	rddreg [dreg:$0x1];
	p0 =	sne.s32 s2, $0x0  }
0x51: {  	s3 =	rddreg [dreg:$0x2];
	[bflag:$0x3] =	sbarrier.arrive $0xFFFF;
	s2 =	simm.s32 @!p0 $0x1C02  }
0x52: {  	[timem:s3], [sflag:s2] =	dma.local @!p0 [hbm:s0], s1  }
0x53: {  	s0 =	simm.s32 @!p0 $0x2  }
0x54: {  	_ =	swait.ge @!p0 [sflag:s0], s1  }
0x55: {  	s1 =	ssub.s32 @!p0 $0x0, s1;
	[sflag:s0] =	ssyncset.done @!p0 $0x0  }
0x56: {  	[sflag:s0] =	ssyncadd.s32 @!p0 s1  }
0x57: {  	[bflag:$0x3] =	sbarrier.arrive $0xFFFF  }
0x58: {  	_ =	shalt  }

// kernel: kernel.8.cloned.1.call-start
scs
__scs_entry_jumppad:
0x0: {  	(pc) =	sbr.rel $0x88, $3  }
0x1: {  	(tag) =	ssettag $0x0;
	lr =	simm.s32 $0x1  }
0x2: {  	[smem:$0x3F91] =	sst lr;
	_ =	strace $0xD0000000  }
0x3: {  	_ = 	snop  }
0x4: {  	_ = 	snop  }
0x5: {  	_ = 	snop  }
0x6: {  	_ = 	snop  }
0x7: {  	_ = 	snop  }
__scs_overlays_trampoline_lowered:
0x8: {  	[smem:$0x3FA0] =	sst s0  }
0x9: {  	[smem:$0x3FA1] =	sst s1  }
0xa: {  	[smem:$0x3FA2] =	sst s2  }
0xb: {  	[smem:$0x3FA3] =	sst s3  }
0xc: {  	[smem:$0x3FA4] =	sst s4  }
0xd: {  	[smem:$0x3FA5] =	sst s5  }
0xe: {  	[smem:$0x3FA6] =	sst s6  }
0xf: {  	[smem:$0x3FA7] =	sst s7  }
0x10: {  	[smem:$0x3FA8] =	sst s8  }
0x11: {  	[smem:$0x3FA9] =	sst s9;
	s0 =	simm.s32 @!p0 $0x0  }
0x12: {  	s1 =	sld [smem:$0x3F8F];
	s0 =	simm.s32 @p0 $0x1  }
0x13: {  	[smem:$0x3FAA] =	sst s0;
	s0 =	simm.s32 @!p1 $0x0  }
0x14: {  	s2 =	sld [smem:$0x3F8E];
	s0 =	simm.s32 @p1 $0x1  }
0x15: {  	[smem:$0x3FAB] =	sst s0;
	s0 =	simm.s32 @!p2 $0x0  }
0x16: {  	s3 =	sld [smem:$0x3FDB];
	s0 =	simm.s32 @p2 $0x1  }
0x17: {  	s4 =	simm.s32 $0x1BF5;
	[smem:$0x3FAD] =	sst s0  }
0x18: {  	s0 =	sld [smem:$0x3F90];
	_ =	swait.ge [sflag:s4], $0x0  }
0x19: {  	s7 =	sld [smem:$0x3F91]  }
0x1a: {  	s8 =	sadd.s32 $0xFFFFE003, lr  }
0x1b: {  	s9 =	sadd.s32 $0xFFFFFEF7, lr;
	s5 =	simm.s32 $0xFFFFFFFF;
	p2 =	slt.u32 s8, $0xFFFFF086  }
0x1c: {  	p1 =	slt.u32 s9, $0xF7A;
	s5 =	simm.s32 @!p2 $0x0  }
0x1d: {  	s5 =	simm.s32 @p1 $0x1;
	p0 =	seq.s32 s7, s2  }
0x1e: {  	s7 =	smul.u32 @!p0 $0xF7A, s2;
	p2 =	seq.s32 @!p0 s5, $0x0  }
0x1f: {  	s9 =	smul.u32 $0xF7A, s1;
	s8 =	simm.s32 @!p0 $0x1BF5;
	p2 =	por !p2, p0  }
0x20: {  	[sflag:s8] =	ssyncset.s32 @!p0 $0xFFFFF086;
	s6 =	sadd.s32 @!p0 s3, s7;
	s7 =	simm.s32 @!p0 $0x108  }
0x21: {  	s3 =	sadd.s32 s3, s9;
	s6 =	sadd.s32 @!p0 $0x88, s6;
	s7 =	simm.s32 @p2 $0x1082  }
0x22: {  	[simem:s7], [sflag:s8] =	dma.local @!p0 [hbm:s6], $0xF7A  }
0x23: {  	s9 =	sor.u32 $0xD0000000, s2;
	s6 =	simm.s32 $0x108;
	_ =	swait.ge @!p0 [sflag:s8], $0x0  }
0x24: {  	s3 =	sadd.s32 $0x88, s3;
	s6 =	simm.s32 @!p1 $0x1082;
	[sflag:s4] =	ssyncset.s32 $0xFFFFF086  }
0x25: {  	[simem:s6], [sflag:s4] =	dma.local [hbm:s3], $0xF7A  }
0x26: {  	[smem:$0x3F91] =	sst s1;
	(tag) =	ssettag s2;
	_ =	strace s9  }
0x27: {  	s1 =	sld [smem:$0x3FA1]  }
0x28: {  	s2 =	sld [smem:$0x3FA2]  }
0x29: {  	s4 =	sld [smem:$0x3FA4]  }
0x2a: {  	p0 =	seq.s32 s5, $0x0;
	s5 =	sld [smem:$0x3FA5]  }
0x2b: {  	s6 =	sld [smem:$0x3FA6]  }
0x2c: {  	s7 =	sld [smem:$0x3FA7]  }
0x2d: {  	s3 =	simm.s32 $0x108;
	s8 =	sld [smem:$0x3FA8]  }
0x2e: {  	s3 =	simm.s32 @!p0 $0x1082;
	s9 =	sld [smem:$0x3FA9]  }
0x2f: {  	lr =	sadd.s32 s0, s3;
	s0 =	sld [smem:$0x3FA0]  }
0x30: {  	s3 =	sld [smem:$0x3FA3]  }
0x31: {  	[smem:$0x3FAC] =	sst s10  }
0x32: {  	s10 =	sld [smem:$0x3FAA];
	_ =	sdelay $0x3  }
0x33: {  	p0 =	seq.s32 s10, $0x1;
	s10 =	sld [smem:$0x3FAC];
	_ =	sdelay $0x3  }
0x34: {  	[smem:$0x3FAC] =	sst s10  }
0x35: {  	s10 =	sld [smem:$0x3FAB];
	_ =	sdelay $0x3  }
0x36: {  	p1 =	seq.s32 s10, $0x1;
	s10 =	sld [smem:$0x3FAC];
	_ =	sdelay $0x3  }
0x37: {  	[smem:$0x3FAC] =	sst s10  }
0x38: {  	s10 =	sld [smem:$0x3FAD]  }
0x39: {  	_ = 	snop;
	(pc) =	sbr.ind lr, $3  }
0x3a: {  	_ = 	snop  }
0x3b: {  	_ = 	snop  }
0x3c: {  	p2 =	seq.s32 s10, $0x1;
	s10 =	sld [smem:$0x3FAC]  }
0x3d: {  	_ =	shalt  }
0x3e: {  	_ =	shalt  }
0x3f: {  	_ =	shalt  }
0x40: {  	_ =	shalt  }
0x41: {  	_ =	shalt  }
0x42: {  	_ =	shalt  }
0x43: {  	_ =	shalt  }
0x44: {  	_ =	shalt  }
0x45: {  	_ =	shalt  }
0x46: {  	_ =	shalt  }
0x47: {  	_ =	shalt  }
0x48: {  	_ =	shalt  }
0x49: {  	_ =	shalt  }
0x4a: {  	_ =	shalt  }
0x4b: {  	_ =	shalt  }
0x4c: {  	_ =	shalt  }
0x4d: {  	_ =	shalt  }
0x4e: {  	_ =	shalt  }
0x4f: {  	_ =	shalt  }
0x50: {  	_ =	shalt  }
0x51: {  	_ =	shalt  }
0x52: {  	_ =	shalt  }
0x53: {  	_ =	shalt  }
0x54: {  	_ =	shalt  }
0x55: {  	_ =	shalt  }
0x56: {  	_ =	shalt  }
0x57: {  	_ =	shalt  }
0x58: {  	_ =	shalt  }
0x59: {  	_ =	shalt  }
0x5a: {  	_ =	shalt  }
0x5b: {  	_ =	shalt  }
0x5c: {  	_ =	shalt  }
0x5d: {  	_ =	shalt  }
0x5e: {  	_ =	shalt  }
0x5f: {  	_ =	shalt  }
0x60: {  	_ =	shalt  }
0x61: {  	_ =	shalt  }
0x62: {  	_ =	shalt  }
0x63: {  	_ =	shalt  }
0x64: {  	_ =	shalt  }
0x65: {  	_ =	shalt  }
0x66: {  	_ =	shalt  }
0x67: {  	_ =	shalt  }
0x68: {  	_ =	shalt  }
0x69: {  	_ =	shalt  }
0x6a: {  	_ =	shalt  }
0x6b: {  	_ =	shalt  }
0x6c: {  	_ =	shalt  }
0x6d: {  	_ =	shalt  }
0x6e: {  	_ =	shalt  }
0x6f: {  	_ =	shalt  }
0x70: {  	_ =	shalt  }
0x71: {  	_ =	shalt  }
0x72: {  	_ =	shalt  }
0x73: {  	_ =	shalt  }
0x74: {  	_ =	shalt  }
0x75: {  	_ =	shalt  }
0x76: {  	_ =	shalt  }
0x77: {  	_ =	shalt  }
0x78: {  	_ =	shalt  }
0x79: {  	_ =	shalt  }
0x7a: {  	_ =	shalt  }
0x7b: {  	_ =	shalt  }
0x7c: {  	_ =	shalt  }
0x7d: {  	_ =	shalt  }
0x7e: {  	_ =	shalt  }
0x7f: {  	_ =	shalt  }
0x80: {  	_ =	shalt  }
0x81: {  	_ =	shalt  }
0x82: {  	_ =	shalt  }
0x83: {  	_ =	shalt  }
0x84: {  	_ =	shalt  }
0x85: {  	_ =	shalt  }
0x86: {  	_ =	shalt  }
0x87: {  	_ =	shalt  }
.Lfunc_end0:
.L_simem_size_0:
called_computation_lowered:
.L_overlay_start_0:
0x88: {  	s2 =	sld [smem:$0x3FD9]  }
0x89: {  	s3 =	sld [smem:$0x3FFE];
	_ =	sdelay $0x1  }
0x8a: {  	s1 =	srdreg.scid  }
0x8b: {  	s0 =	sand.u32 $0x1, s1  }
0x8c: {  	s16 =	sshll.u32 s0, $0xA;
	s2 =	sadd.s32 s3, s2  }
0x8d: {  	s2 =	sadd.s32 s2, s16  }
0x8e: {  	[smem:$0x3FB8] =	sst s2  }
0x8f: {  	_ = 	snop  }
0x90: {  	(tm) =	ssettm $0x1  }
0x91: {  	s17 =	sld [smem:$0x3FFB];
	_ =	sdelay $0x3  }
0x92: {  	_ =	strace s17  }
0x93: {  	s2 =	sld [smem:$0x3FFC];
	_ =	sdelay $0x3  }
0x94: {  	_ =	strace s2  }
0x95: {  	s2 =	sld [smem:$0x3FFD];
	_ =	sdelay $0x3  }
0x96: {  	_ =	strace s2  }
0x97: {  	_ =	strace $0x8FFFFFFF  }
0x98: {  	s18 =	sld [smem:$0x3FDB];
	_ =	sdelay $0x1  }
0x99: {  	s19 =	simm.s32 $_scs_section_size  }
0x9a: {  	s4 =	simm.s32 $_size__tile_overlayer_lowered;
	s5 =	simm.s32 $_tile_overlayer_lowered  }
0x9b: {  	s22 =	simm.s32 $0x1BFF;
	s21 =	sshll.u32 s5, $0x1;
	s2 =	sadd.s32 s19, s18  }
0x9c: {  	s6 =	simm.s32 $0x0;
	s20 =	sshll.u32 s4, $0x1;
	s4 =	sadd.s32 s21, s2  }
0x9d: {  	[timem:s6], [sflag:s22] =	dma.local [hbm:s4], s20  }
0x9e: {  	_ =	swait.ge [sflag:s22], s20  }
0x9f: {  	s3 =	ssub.s32 $0x0, s20;
	[sflag:s22] =	ssyncset.done $0x0  }
0xa0: {  	[sflag:s22] =	ssyncadd.s32 s3;
	_ =	sdelay $0x1  }
0xa1: {  	s23 =	simm.s32 $0x1B8B  }
0xa2: {  	_ =	swait.ge [sflag:s23], $0x1  }
0xa3: {  	[sflag:s23] =	ssyncset.done $0x0  }
0xa4: {  	s25 =	simm.s32 $0x1B8E;
	s24 =	sld [smem:$0x3FFE];
	[sflag:s23] =	ssyncadd.s32 $0xFFFFFFFF  }
0xa5: {  	s26 =	simm.s32 $execute0_lowered;
	[smem:$0x3FD2] =	sst s25  }
0xa6: {  	s4 =	sshll.u32 s26, $0x1;
	_ =	strace $0x80000046;
	[dreg:$0x1] =	wrdreg $0xFFFFFFFF  }
0xa7: {  	s28 =	simm.s32 $_size_execute0_lowered;
	s2 =	sadd.s32 s2, s4;
	[dreg:$0x0] =	wrdreg $0x0  }
0xa8: {  	s4 =	sshll.u32 s28, $0x1;
	[dreg:$0x2] =	wrdreg s2  }
0xa9: {  	[dreg:$0x3] =	wrdreg s4  }
0xaa: {  	[dreg:$0x4] =	wrdreg $0xC0  }
0xab: {  	_ =	task [dreg:s6], $0x5FFFF  }
0xac: {  	[dreg:$0x1] =	wrdreg $0xFFFFFFFF  }
0xad: {  	[dreg:$0x0] =	wrdreg $0x60  }
0xae: {  	[dreg:$0x2] =	wrdreg s24  }
0xaf: {  	[dreg:$0x3] =	wrdreg $0x135800  }
0xb0: {  	[dreg:$0x4] =	wrdreg $0x0  }
0xb1: {  	[dreg:$0x5] =	wrdreg $0xDE000  }
0xb2: {  	[dreg:$0x6] =	wrdreg $0x9  }
0xb3: {  	_ =	task.clear_ibuf [dreg:s6], $0x7FFFF;
	_ =	strace $0x90000046  }
0xb4: {  	s29 =	simm.s32 $0x9;
	_ =	strace $0x80000048  }
0xb5: {  	_ =	swait.ge [sflag:s29], $0x1  }
0xb6: {  	[sflag:s29] =	ssyncadd.s32 $0xFFFFFFFF  }
0xb7: {  	_ =	strace $0x90000048  }
0xb8: {  	_ =	sfence  }
0xb9: {  	s30 =	sld [smem:$0x0];
	_ =	sdelay $0x2  }
0xba: {  	s31 =	sshll.u32 s1, $0xD;
	s1 =	sshrl.u32 s1, $0x2  }
0xbb: {  	s3 =	sand.u32 $0x4000, s31;
	s1 =	sadd.s32 s1, s30  }
0xbc: {  	s0 =	sor.u32 s3, s0;
	s1 =	sshll.u32 s1, $0x11  }
0xbd: {  	s0 =	sor.u32 s1, s0  }
0xbe: {  	s0 =	sadd.s32 $0x8F2B, s0  }
0xbf: {  	[sflag:s0] =	ssyncadd.remote.s32 $0x1  }
0xc0: {  	_ =	sfence.sel $0xFFFF  }
0xc1: {  	[dreg:$0x0] =	wrdreg $0xFFFFFFFF;
	(pc) =	sbr.abs _section_cstart, $3  }
0xc2: {  	[dreg:$0x1] =	wrdreg $0xFFFFFFFF  }
0xc3: {  	_ =	task.clear_ibuf [dreg:s6], $0x2FFFF;
	_ =	strace $0x9FFFFFFF  }
0xc4: {  	(tm) =	ssettm $0x7FFFFFFF  }
0xc5: {  	_ =	shalt  }
tec
execute0_lowered:
.L_overlay_start_1:
0x0: {  	(tag) =	ssettag $0x1  }
0x1: {  	s0 =	rddreg [dreg:$0x0]  }
0x2: {  	s1 =	rddreg [dreg:$0x1]  }
0x3: {  	s2 =	srdreg.scid;
	s3 =	rddreg [dreg:$0x2]  }
0x4: {  	s16 =	stileid.u32;
	s4 =	rddreg [dreg:$0x3]  }
0x5: {  	s5 =	simm.s32 $0x0;
	s29 =	simm.s32 $0x12180;
	s30 =	simm.s32 $0x80  }
0x6: {  	s31 =	simm.s32 $0x9E00;
	s28 =	simm.s32 $0x11900;
	s2 =	sand.u32 $0x1, s2  }
0x7: {  	s7 =	smul.u32 $0x9E00, s16;
	[smem:$0x7FF] =	sst s5;
	s8 =	sadd.s32 $0x34800, s0  }
0x8: {  	s9 =	smul.u32 $0x13C0, s16;
	s10 =	sadd.s32 $0x2A800, s0;
	s11 =	sadd.s32 $0x3E800, s0  }
0x9: {  	s12 =	sadd.s32 $0x3FC00, s0;
	s24 =	sadd.s32 $0x40200, s0;
	s13 =	smul.u32 $0x5000, s16  }
0xa: {  	s6 =	smul.u32 $0x9E000, s2;
	_ =	strace $0x80000047;
	[dreg:$0x5] =	wrdreg s11  }
0xb: {  	s26 =	sshll.u32 s16, $0x6;
	s23 =	smul.u32 $0x13C00, s2;
	[dreg:$0x6] =	wrdreg s12  }
0xc: {  	[dreg:$0x7] =	wrdreg s24;
	s12 =	smul.u32 $0x2780, s16;
	s25 =	ssub.s32 $0x2, s2  }
0xd: {  	p0 =	sne.s32 s2, $0x0;
	s15 =	sshrl.u32 s25, $0x1;
	s13 =	sshrl.u32 s13, $0x3  }
0xe: {  	s6 =	sadd.s32 s7, s6;
	s9 =	sadd.s32 s9, s23;
	s14 =	sshrl.u32 s12, $0x3  }
0xf: {  	s11 =	ssub.s32 s25, s15;
	s17 =	sadd.s32 s8, s13;
	s18 =	sadd.s32 $0x280, s13  }
0x10: {  	s19 =	sadd.s32 s10, s13;
	s21 =	sadd.s32 $0x500, s13;
	s13 =	sadd.s32 $0x780, s13  }
0x11: {  	s25 =	sadd.s32 s7, s1;
	s6 =	sshrl.u32 s6, $0x3;
	[dreg:$0x8] =	wrdreg s17  }
0x12: {  	s9 =	sadd.s32 s9, s0;
	[dreg:$0x9] =	wrdreg s19;
	s20 =	sadd.s32 s8, s18  }
0x13: {  	s15 =	sadd.s32 s10, s18;
	s22 =	sadd.s32 s8, s21;
	[dreg:$0xa] =	wrdreg s20  }
0x14: {  	s23 =	sadd.s32 s10, s21;
	s8 =	sadd.s32 s8, s13;
	[dreg:$0xb] =	wrdreg s15  }
0x15: {  	s24 =	sadd.s32 s10, s13;
	s18 =	sor.u32 $0x1C02, s26;
	[dreg:$0xc] =	wrdreg s22  }
0x16: {  	s19 =	sadd.s32 s7, s3;
	s26 =	sshrl.u32 s7, $0x2;
	[dreg:$0xd] =	wrdreg s23  }
0x17: {  	s7 =	simm.s32 $0x0;
	s6 =	sadd.s32 s6, s0;
	[dreg:$0xe] =	wrdreg s8  }
0x18: {  	s0 =	sadd.s32 s14, s0;
	[dreg:$0xf] =	wrdreg s24;
	s2 =	sadd.s32 s26, s4  }
0x19: {  	s20 =	sadd.s32 $0x45400, s9;
	s22 =	smax.u32 s11, $0x1;
	s23 =	sshrl.u32 s25, $0x3  }
0x1a: {  	s26 =	simm.s32 $0x2;
	s17 =	sadd.s32 $0x3000, s6;
	s21 =	sadd.s32 $0x40400, s0  }
0x1b: {  	s0 =	sadd.s32 s12, s4;
	s24 =	sshrl.u32 @!p0 s2, $0x3;
	s2 =	simm.s32 $0x1  }
0x1c: {  	s6 =	simm.s32 $0xBE00;
	s25 =	sshrl.u32 @!p0 s0, $0x3;
	s0 =	simm.s32 $0x3  }
.LBB2_1:
0x1d: {  	[spmem:s23], [sflag:s18] =	dma.local [hbm:s17], $0x13C0  }
0x1e: {  	_ =	swait.ge [sflag:s26], $0x13C0  }
0x1f: {  	[sflag:s26] =	ssyncset.done $0x0  }
0x20: {  	s8 =	sshrl.u32 s19, $0x3;
	s9 =	rddreg [dreg:$0x5];
	[sflag:s26] =	ssyncadd.s32 $0xFFFFEC40  }
0x21: {  	[spmem:s8], [sflag:s18] =	dma.local [hbm:s9], $0x13C0  }
0x22: {  	_ =	swait.ge [sflag:s26], $0x13C0  }
0x23: {  	[sflag:s26] =	ssyncset.done $0x0  }
0x24: {  	s12 =	simm.s32 $0x11980;
	s11 =	rddreg [dreg:$0x7];
	[sflag:s26] =	ssyncadd.s32 $0xFFFFEC40  }
0x25: {  	[tilespmem:s12], [sflag:$0x2] =	stream.linear.gather [hbm4b:s11+s5], $0x800, $0x38;
	[tilespmem:$0x1D380] =	vst v63  }
0x26: {  	_ =	swait.ge [sflag:s26], $0x800  }
0x27: {  	[sflag:s26] =	ssyncset.done $0x0  }
0x28: {  	s8 =	rddreg [dreg:$0x6];
	[sflag:s26] =	ssyncadd.s32 $0xFFFFF800  }
0x29: {  	[spmem:s24], [sflag:s18] =	dma.local @!p0 [hbm:s8], $0x4F0  }
0x2a: {  	s8 =	simm.s32 @!p0 $0x2  }
0x2b: {  	_ =	swait.ge @!p0 [sflag:s8], $0x4F0  }
0x2c: {  	[sflag:s8] =	ssyncset.done @!p0 $0x0  }
0x2d: {  	[sflag:s8] =	ssyncadd.s32 @!p0 $0xFFFFFB10  }
0x2e: {  	[bflag:$0x0] =	sbarrier.arrive $0xFFFF  }
0x2f: {  	s13 =	rddreg [dreg:$0x8]  }
0x30: {  	[tilespmem:s29], [sflag:$0x2] =	stream.linear.gather [hbm4b:s13+s5], $0x1400, $0x38;
	[tilespmem:$0x1D380] =	vst v63  }
0x31: {  	_ =	swait.ge [sflag:s26], $0x1400  }
0x32: {  	[sflag:s26] =	ssyncset.done $0x0  }
0x33: {  	s11 =	simm.s32 $0x10580;
	s14 =	rddreg [dreg:$0x9];
	[sflag:s26] =	ssyncadd.s32 $0xFFFFEC00  }
0x34: {  	[tilespmem:s11], [sflag:$0x2] =	stream.linear.gather [hbm4b:s14+s5], $0x1400, $0x38;
	[tilespmem:$0x1D380] =	vst v63  }
0x35: {  	_ =	swait.ge [sflag:s26], $0x1400  }
0x36: {  	s15 =	simm.s32 $0x0;
	[sflag:s26] =	ssyncset.done $0x0  }
0x37: {  	s9 =	sand.u32 $0x2000, s15;
	[sflag:s26] =	ssyncadd.s32 $0xFFFFEC00  }
0x38: {  	[tilespmem:s31], [sflag:$0x1] =	stream.indirect.gather [spmem:s1], $0x40, s29, s30, $0xb8;
	[tilespmem:$0x1D380] =	vst v63  }
0x39: {  	s10 =	simm.s32 $0x12200;
	s12 =	sxor.u32 $0xBE00, s9  }
0x3a: {  	[tilespmem:s12], [sflag:$0x1] =	stream.indirect.gather [spmem:s1], $0x40, s10, s30, $0xb8;
	[tilespmem:$0x1D380] =	vst v63  }
0x3b: {  	_ =	swait.ge [sflag:s2], $0x2000  }
0x3c: {  	[sflag:s2] =	ssyncset.done $0x0  }
0x3d: {  	s9 =	sor.u32 $0x9E00, s9;
	[sflag:s2] =	ssyncadd.s32 $0xFFFFE000  }
0x3e: {  	[spmem:s3] =	stream.indirect.scatter.add.f32 [tilespmem:s9], [sflag:$0x3], $0x40, s11, s30, $0xb8;
	[tilespmem:$0x1D380] =	vst v63  }
0x3f: {  	_ =	swait.ge [sflag:s0], $0x2000  }
0x40: {  	s16 =	simm.s32 $0x2000;
	[sflag:s0] =	ssyncset.done $0x0  }
0x41: {  	s10 =	simm.s32 @!p0 $0x80;
	s12 =	simm.s32 @!p0 $0x11980;
	[sflag:s0] =	ssyncadd.s32 $0xFFFFE000  }
0x42: {  	[spmem:s4] =	stream.indirect.scatter.add.f32 @!p0 [tilespmem:s12], [sflag:$0x2], $0x10, s11, s10, $0xb8;
	[tilespmem:$0x1D380] =	vst v63  }
0x43: {  	s13 =	simm.s32 $0x12280;
	s14 =	sand.u32 $0x2000, s16;
	_ =	swait.ge @!p0 [sflag:s8], $0x800  }
0x44: {  	s9 =	simm.s32 $0x2;
	s11 =	simm.s32 $0x10600;
	[sflag:s8] =	ssyncset.done @!p0 $0x0  }
.LBB2_2:
0x45: {  	s15 =	sxor.u32 $0xBE00, s14  }
0x46: {  	[sflag:s8] =	ssyncadd.s32 @!p0 $0xFFFFF800;
	s16 =	smov.u32 s9;
	s9 =	sadd.s32 $0x1, s9  }
0x47: {  	[tilespmem:s15], [sflag:$0x1] =	stream.indirect.gather [spmem:s1], $0x40, s13, s30, $0xb8;
	[tilespmem:$0x1D380] =	vst v63  }
0x48: {  	p1 =	sne.s32 s9, $0x27;
	_ =	swait.ge [sflag:s2], $0x2000  }
0x49: {  	[sflag:s2] =	ssyncset.done $0x0  }
0x4a: {  	s14 =	sor.u32 $0x9E00, s14;
	[sflag:s2] =	ssyncadd.s32 $0xFFFFE000  }
0x4b: {  	[spmem:s3] =	stream.indirect.scatter.add.f32 [tilespmem:s14], [sflag:$0x3], $0x40, s11, s30, $0xb8;
	[tilespmem:$0x1D380] =	vst v63  }
0x4c: {  	_ =	swait.ge [sflag:s0], $0x2000  }
.Ltmp0:
0x4d: {  	[sflag:s0] =	ssyncset.done $0x0;
	(pc) =	sbr.rel @p1 .LBB2_2-.Ltmp0, $4  }
0x4e: {  	[sflag:s0] =	ssyncadd.s32 $0xFFFFE000  }
0x4f: {  	[spmem:s4] =	stream.indirect.scatter.add.f32 @!p0 [tilespmem:s12], [sflag:$0x2], $0x10, s11, s10, $0xb8;
	[tilespmem:$0x1D380] =	vst v63  }
0x50: {  	s13 =	sadd.s32 $0x80, s13;
	s14 =	sshll.u32 s16, $0xD;
	_ =	swait.ge @!p0 [sflag:s8], $0x800  }
0x51: {  	s14 =	sand.u32 $0x2000, s14;
	s11 =	sadd.s32 $0x80, s11;
	[sflag:s8] =	ssyncset.done @!p0 $0x0  }
0x52: {  	s9 =	sxor.u32 $0xBE00, s14;
	[sflag:s8] =	ssyncadd.s32 @!p0 $0xFFFFF800  }
0x53: {  	[tilespmem:s9], [sflag:$0x1] =	stream.indirect.gather [spmem:s1], $0x40, s13, s30, $0xb8;
	[tilespmem:$0x1D380] =	vst v63  }
0x54: {  	_ =	swait.ge [sflag:s2], $0x2000  }
0x55: {  	[sflag:s2] =	ssyncset.done $0x0  }
0x56: {  	s14 =	sor.u32 $0x9E00, s14;
	[sflag:s2] =	ssyncadd.s32 $0xFFFFE000  }
0x57: {  	[spmem:s3] =	stream.indirect.scatter.add.f32 [tilespmem:s14], [sflag:$0x3], $0x40, s11, s30, $0xb8;
	[tilespmem:$0x1D380] =	vst v63  }
0x58: {  	_ =	swait.ge [sflag:s0], $0x2000  }
0x59: {  	[sflag:s0] =	ssyncset.done $0x0  }
0x5a: {  	s10 =	simm.s32 @!p0 $0x11980;
	s9 =	simm.s32 @!p0 $0x80;
	[sflag:s0] =	ssyncadd.s32 $0xFFFFE000  }
0x5b: {  	[spmem:s4] =	stream.indirect.scatter.add.f32 @!p0 [tilespmem:s10], [sflag:$0x2], $0x10, s11, s9, $0xb8;
	[tilespmem:$0x1D380] =	vst v63  }
0x5c: {  	_ =	swait.ge @!p0 [sflag:s8], $0x800  }
0x5d: {  	[sflag:s8] =	ssyncset.done @!p0 $0x0  }
0x5e: {  	[sflag:s8] =	ssyncadd.s32 @!p0 $0xFFFFF800  }
0x5f: {  	_ =	swait.ge [sflag:s2], $0x2000  }
0x60: {  	[sflag:s2] =	ssyncset.done $0x0  }
0x61: {  	[sflag:s2] =	ssyncadd.s32 $0xFFFFE000  }
0x62: {  	[spmem:s3] =	stream.indirect.scatter.add.f32 [tilespmem:s6], [sflag:$0x3], $0x40, s28, s30, $0xb8;
	[tilespmem:$0x1D380] =	vst v63  }
0x63: {  	_ =	swait.ge [sflag:s0], $0x2000  }
0x64: {  	[sflag:s0] =	ssyncset.done $0x0  }
0x65: {  	s8 =	simm.s32 @!p0 $0x11900;
	[sflag:s0] =	ssyncadd.s32 $0xFFFFE000  }
0x66: {  	[spmem:s4] =	stream.indirect.scatter.add.f32 @!p0 [tilespmem:s10], [sflag:$0x2], $0x10, s8, s9, $0xb8;
	[tilespmem:$0x1D380] =	vst v63  }
0x67: {  	s8 =	simm.s32 @!p0 $0x2  }
0x68: {  	_ =	swait.ge @!p0 [sflag:s8], $0x800  }
0x69: {  	[sflag:s8] =	ssyncset.done @!p0 $0x0  }
0x6a: {  	s15 =	simm.s32 $0x0;
	s12 =	rddreg [dreg:$0xa];
	[sflag:s8] =	ssyncadd.s32 @!p0 $0xFFFFF800  }
0x6b: {  	[tilespmem:s29], [sflag:$0x2] =	stream.linear.gather [hbm4b:s12+s15], $0x1400, $0x38;
	[tilespmem:$0x1D380] =	vst v63  }
0x6c: {  	_ =	swait.ge [sflag:s26], $0x1400  }
0x6d: {  	[sflag:s26] =	ssyncset.done $0x0  }
0x6e: {  	s13 =	simm.s32 $0x10580;
	s16 =	rddreg [dreg:$0xb];
	[sflag:s26] =	ssyncadd.s32 $0xFFFFEC00  }
0x6f: {  	[tilespmem:s13], [sflag:$0x2] =	stream.linear.gather [hbm4b:s16+s15], $0x1400, $0x38;
	[tilespmem:$0x1D380] =	vst v63  }
0x70: {  	_ =	swait.ge [sflag:s26], $0x1400  }
0x71: {  	s12 =	simm.s32 $0x0;
	[sflag:s26] =	ssyncset.done $0x0  }
0x72: {  	s11 =	sand.u32 $0x2000, s12;
	[sflag:s26] =	ssyncadd.s32 $0xFFFFEC00  }
0x73: {  	[tilespmem:s31], [sflag:$0x1] =	stream.indirect.gather [spmem:s1], $0x40, s29, s30, $0xb8;
	[tilespmem:$0x1D380] =	vst v63  }
0x74: {  	s14 =	simm.s32 $0x12200;
	s15 =	sxor.u32 $0xBE00, s11  }
0x75: {  	[tilespmem:s15], [sflag:$0x1] =	stream.indirect.gather [spmem:s1], $0x40, s14, s30, $0xb8;
	[tilespmem:$0x1D380] =	vst v63  }
0x76: {  	_ =	swait.ge [sflag:s2], $0x2000  }
0x77: {  	[sflag:s2] =	ssyncset.done $0x0  }
0x78: {  	s11 =	sor.u32 $0x9E00, s11;
	[sflag:s2] =	ssyncadd.s32 $0xFFFFE000  }
0x79: {  	[spmem:s3] =	stream.indirect.scatter.add.f32 [tilespmem:s11], [sflag:$0x3], $0x40, s13, s30, $0xb8;
	[tilespmem:$0x1D380] =	vst v63  }
0x7a: {  	_ =	swait.ge [sflag:s0], $0x2000  }
0x7b: {  	[sflag:s0] =	ssyncset.done $0x0  }
0x7c: {  	s16 =	simm.s32 $0x2000;
	[sflag:s0] =	ssyncadd.s32 $0xFFFFE000  }
0x7d: {  	[spmem:s4] =	stream.indirect.scatter.add.f32 @!p0 [tilespmem:s10], [sflag:$0x2], $0x10, s13, s9, $0xb8;
	[tilespmem:$0x1D380] =	vst v63  }
0x7e: {  	s12 =	simm.s32 $0x2;
	s14 =	sand.u32 $0x2000, s16;
	_ =	swait.ge @!p0 [sflag:s8], $0x800  }
0x7f: {  	s11 =	simm.s32 $0x10600;
	s13 =	simm.s32 $0x12280;
	[sflag:s8] =	ssyncset.done @!p0 $0x0  }
.LBB2_4:
0x80: {  	s15 =	sxor.u32 $0xBE00, s14  }
0x81: {  	[sflag:s8] =	ssyncadd.s32 @!p0 $0xFFFFF800;
	s16 =	smov.u32 s12;
	s12 =	sadd.s32 $0x1, s12  }
0x82: {  	[tilespmem:s15], [sflag:$0x1] =	stream.indirect.gather [spmem:s1], $0x40, s13, s30, $0xb8;
	[tilespmem:$0x1D380] =	vst v63  }
0x83: {  	p1 =	sne.s32 s12, $0x27;
	_ =	swait.ge [sflag:s2], $0x2000  }
0x84: {  	[sflag:s2] =	ssyncset.done $0x0  }
0x85: {  	s14 =	sor.u32 $0x9E00, s14;
	[sflag:s2] =	ssyncadd.s32 $0xFFFFE000  }
0x86: {  	[spmem:s3] =	stream.indirect.scatter.add.f32 [tilespmem:s14], [sflag:$0x3], $0x40, s11, s30, $0xb8;
	[tilespmem:$0x1D380] =	vst v63  }
0x87: {  	_ =	swait.ge [sflag:s0], $0x2000  }
.Ltmp1:
0x88: {  	[sflag:s0] =	ssyncset.done $0x0;
	(pc) =	sbr.rel @p1 .LBB2_4-.Ltmp1, $4  }
0x89: {  	[sflag:s0] =	ssyncadd.s32 $0xFFFFE000  }
0x8a: {  	[spmem:s4] =	stream.indirect.scatter.add.f32 @!p0 [tilespmem:s10], [sflag:$0x2], $0x10, s11, s9, $0xb8;
	[tilespmem:$0x1D380] =	vst v63  }
0x8b: {  	s13 =	sadd.s32 $0x80, s13;
	s14 =	sshll.u32 s16, $0xD;
	_ =	swait.ge @!p0 [sflag:s8], $0x800  }
0x8c: {  	s14 =	sand.u32 $0x2000, s14;
	s11 =	sadd.s32 $0x80, s11;
	[sflag:s8] =	ssyncset.done @!p0 $0x0  }
0x8d: {  	s9 =	sxor.u32 $0xBE00, s14;
	[sflag:s8] =	ssyncadd.s32 @!p0 $0xFFFFF800  }
0x8e: {  	[tilespmem:s9], [sflag:$0x1] =	stream.indirect.gather [spmem:s1], $0x40, s13, s30, $0xb8;
	[tilespmem:$0x1D380] =	vst v63  }
0x8f: {  	_ =	swait.ge [sflag:s2], $0x2000  }
0x90: {  	[sflag:s2] =	ssyncset.done $0x0  }
0x91: {  	s14 =	sor.u32 $0x9E00, s14;
	[sflag:s2] =	ssyncadd.s32 $0xFFFFE000  }
0x92: {  	[spmem:s3] =	stream.indirect.scatter.add.f32 [tilespmem:s14], [sflag:$0x3], $0x40, s11, s30, $0xb8;
	[tilespmem:$0x1D380] =	vst v63  }
0x93: {  	_ =	swait.ge [sflag:s0], $0x2000  }
0x94: {  	[sflag:s0] =	ssyncset.done $0x0  }
0x95: {  	s10 =	simm.s32 @!p0 $0x11980;
	s9 =	simm.s32 @!p0 $0x80;
	[sflag:s0] =	ssyncadd.s32 $0xFFFFE000  }
0x96: {  	[spmem:s4] =	stream.indirect.scatter.add.f32 @!p0 [tilespmem:s10], [sflag:$0x2], $0x10, s11, s9, $0xb8;
	[tilespmem:$0x1D380] =	vst v63  }
0x97: {  	_ =	swait.ge @!p0 [sflag:s8], $0x800  }
0x98: {  	[sflag:s8] =	ssyncset.done @!p0 $0x0  }
0x99: {  	[sflag:s8] =	ssyncadd.s32 @!p0 $0xFFFFF800  }
0x9a: {  	_ =	swait.ge [sflag:s2], $0x2000  }
0x9b: {  	[sflag:s2] =	ssyncset.done $0x0  }
0x9c: {  	[sflag:s2] =	ssyncadd.s32 $0xFFFFE000  }
0x9d: {  	[spmem:s3] =	stream.indirect.scatter.add.f32 [tilespmem:s6], [sflag:$0x3], $0x40, s28, s30, $0xb8;
	[tilespmem:$0x1D380] =	vst v63  }
0x9e: {  	_ =	swait.ge [sflag:s0], $0x2000  }
0x9f: {  	[sflag:s0] =	ssyncset.done $0x0  }
0xa0: {  	s8 =	simm.s32 @!p0 $0x11900;
	[sflag:s0] =	ssyncadd.s32 $0xFFFFE000  }
0xa1: {  	[spmem:s4] =	stream.indirect.scatter.add.f32 @!p0 [tilespmem:s10], [sflag:$0x2], $0x10, s8, s9, $0xb8;
	[tilespmem:$0x1D380] =	vst v63  }
0xa2: {  	s8 =	simm.s32 @!p0 $0x2  }
0xa3: {  	_ =	swait.ge @!p0 [sflag:s8], $0x800  }
0xa4: {  	[sflag:s8] =	ssyncset.done @!p0 $0x0  }
0xa5: {  	s15 =	simm.s32 $0x0;
	s12 =	rddreg [dreg:$0xc];
	[sflag:s8] =	ssyncadd.s32 @!p0 $0xFFFFF800  }
0xa6: {  	[tilespmem:s29], [sflag:$0x2] =	stream.linear.gather [hbm4b:s12+s15], $0x1400, $0x38;
	[tilespmem:$0x1D380] =	vst v63  }
0xa7: {  	_ =	swait.ge [sflag:s26], $0x1400  }
0xa8: {  	[sflag:s26] =	ssyncset.done $0x0  }
0xa9: {  	s13 =	simm.s32 $0x10580;
	s16 =	rddreg [dreg:$0xd];
	[sflag:s26] =	ssyncadd.s32 $0xFFFFEC00  }
0xaa: {  	[tilespmem:s13], [sflag:$0x2] =	stream.linear.gather [hbm4b:s16+s15], $0x1400, $0x38;
	[tilespmem:$0x1D380] =	vst v63  }
0xab: {  	_ =	swait.ge [sflag:s26], $0x1400  }
0xac: {  	s12 =	simm.s32 $0x0;
	[sflag:s26] =	ssyncset.done $0x0  }
0xad: {  	s11 =	sand.u32 $0x2000, s12;
	[sflag:s26] =	ssyncadd.s32 $0xFFFFEC00  }
0xae: {  	[tilespmem:s31], [sflag:$0x1] =	stream.indirect.gather [spmem:s1], $0x40, s29, s30, $0xb8;
	[tilespmem:$0x1D380] =	vst v63  }
0xaf: {  	s14 =	simm.s32 $0x12200;
	s15 =	sxor.u32 $0xBE00, s11  }
0xb0: {  	[tilespmem:s15], [sflag:$0x1] =	stream.indirect.gather [spmem:s1], $0x40, s14, s30, $0xb8;
	[tilespmem:$0x1D380] =	vst v63  }
0xb1: {  	_ =	swait.ge [sflag:s2], $0x2000  }
0xb2: {  	[sflag:s2] =	ssyncset.done $0x0  }
0xb3: {  	s11 =	sor.u32 $0x9E00, s11;
	[sflag:s2] =	ssyncadd.s32 $0xFFFFE000  }
0xb4: {  	[spmem:s3] =	stream.indirect.scatter.add.f32 [tilespmem:s11], [sflag:$0x3], $0x40, s13, s30, $0xb8;
	[tilespmem:$0x1D380] =	vst v63  }
0xb5: {  	_ =	swait.ge [sflag:s0], $0x2000  }
0xb6: {  	[sflag:s0] =	ssyncset.done $0x0  }
0xb7: {  	s16 =	simm.s32 $0x2000;
	[sflag:s0] =	ssyncadd.s32 $0xFFFFE000  }
0xb8: {  	[spmem:s4] =	stream.indirect.scatter.add.f32 @!p0 [tilespmem:s10], [sflag:$0x2], $0x10, s13, s9, $0xb8;
	[tilespmem:$0x1D380] =	vst v63  }
0xb9: {  	s12 =	simm.s32 $0x2;
	s14 =	sand.u32 $0x2000, s16;
	_ =	swait.ge @!p0 [sflag:s8], $0x800  }
0xba: {  	s11 =	simm.s32 $0x10600;
	s13 =	simm.s32 $0x12280;
	[sflag:s8] =	ssyncset.done @!p0 $0x0  }
.LBB2_6:
0xbb: {  	s15 =	sxor.u32 $0xBE00, s14  }
0xbc: {  	[sflag:s8] =	ssyncadd.s32 @!p0 $0xFFFFF800;
	s16 =	smov.u32 s12;
	s12 =	sadd.s32 $0x1, s12  }
0xbd: {  	[tilespmem:s15], [sflag:$0x1] =	stream.indirect.gather [spmem:s1], $0x40, s13, s30, $0xb8;
	[tilespmem:$0x1D380] =	vst v63  }
0xbe: {  	p1 =	sne.s32 s12, $0x27;
	_ =	swait.ge [sflag:s2], $0x2000  }
0xbf: {  	[sflag:s2] =	ssyncset.done $0x0  }
0xc0: {  	s14 =	sor.u32 $0x9E00, s14;
	[sflag:s2] =	ssyncadd.s32 $0xFFFFE000  }
0xc1: {  	[spmem:s3] =	stream.indirect.scatter.add.f32 [tilespmem:s14], [sflag:$0x3], $0x40, s11, s30, $0xb8;
	[tilespmem:$0x1D380] =	vst v63  }
0xc2: {  	_ =	swait.ge [sflag:s0], $0x2000  }
.Ltmp2:
0xc3: {  	[sflag:s0] =	ssyncset.done $0x0;
	(pc) =	sbr.rel @p1 .LBB2_6-.Ltmp2, $4  }
0xc4: {  	[sflag:s0] =	ssyncadd.s32 $0xFFFFE000  }
0xc5: {  	[spmem:s4] =	stream.indirect.scatter.add.f32 @!p0 [tilespmem:s10], [sflag:$0x2], $0x10, s11, s9, $0xb8;
	[tilespmem:$0x1D380] =	vst v63  }
0xc6: {  	s13 =	sadd.s32 $0x80, s13;
	s14 =	sshll.u32 s16, $0xD;
	_ =	swait.ge @!p0 [sflag:s8], $0x800  }
0xc7: {  	s14 =	sand.u32 $0x2000, s14;
	s11 =	sadd.s32 $0x80, s11;
	[sflag:s8] =	ssyncset.done @!p0 $0x0  }
0xc8: {  	s9 =	sxor.u32 $0xBE00, s14;
	[sflag:s8] =	ssyncadd.s32 @!p0 $0xFFFFF800  }
0xc9: {  	[tilespmem:s9], [sflag:$0x1] =	stream.indirect.gather [spmem:s1], $0x40, s13, s30, $0xb8;
	[tilespmem:$0x1D380] =	vst v63  }
0xca: {  	_ =	swait.ge [sflag:s2], $0x2000  }
0xcb: {  	[sflag:s2] =	ssyncset.done $0x0  }
0xcc: {  	s14 =	sor.u32 $0x9E00, s14;
	[sflag:s2] =	ssyncadd.s32 $0xFFFFE000  }
0xcd: {  	[spmem:s3] =	stream.indirect.scatter.add.f32 [tilespmem:s14], [sflag:$0x3], $0x40, s11, s30, $0xb8;
	[tilespmem:$0x1D380] =	vst v63  }
0xce: {  	_ =	swait.ge [sflag:s0], $0x2000  }
0xcf: {  	[sflag:s0] =	ssyncset.done $0x0  }
0xd0: {  	s10 =	simm.s32 @!p0 $0x11980;
	s9 =	simm.s32 @!p0 $0x80;
	[sflag:s0] =	ssyncadd.s32 $0xFFFFE000  }
0xd1: {  	[spmem:s4] =	stream.indirect.scatter.add.f32 @!p0 [tilespmem:s10], [sflag:$0x2], $0x10, s11, s9, $0xb8;
	[tilespmem:$0x1D380] =	vst v63  }
0xd2: {  	_ =	swait.ge @!p0 [sflag:s8], $0x800  }
0xd3: {  	[sflag:s8] =	ssyncset.done @!p0 $0x0  }
0xd4: {  	[sflag:s8] =	ssyncadd.s32 @!p0 $0xFFFFF800  }
0xd5: {  	_ =	swait.ge [sflag:s2], $0x2000  }
0xd6: {  	[sflag:s2] =	ssyncset.done $0x0  }
0xd7: {  	[sflag:s2] =	ssyncadd.s32 $0xFFFFE000  }
0xd8: {  	[spmem:s3] =	stream.indirect.scatter.add.f32 [tilespmem:s6], [sflag:$0x3], $0x40, s28, s30, $0xb8;
	[tilespmem:$0x1D380] =	vst v63  }
0xd9: {  	_ =	swait.ge [sflag:s0], $0x2000  }
0xda: {  	[sflag:s0] =	ssyncset.done $0x0  }
0xdb: {  	s8 =	simm.s32 @!p0 $0x11900;
	[sflag:s0] =	ssyncadd.s32 $0xFFFFE000  }
0xdc: {  	[spmem:s4] =	stream.indirect.scatter.add.f32 @!p0 [tilespmem:s10], [sflag:$0x2], $0x10, s8, s9, $0xb8;
	[tilespmem:$0x1D380] =	vst v63  }
0xdd: {  	s8 =	simm.s32 @!p0 $0x2  }
0xde: {  	_ =	swait.ge @!p0 [sflag:s8], $0x800  }
0xdf: {  	[sflag:s8] =	ssyncset.done @!p0 $0x0  }
0xe0: {  	s15 =	simm.s32 $0x0;
	s12 =	rddreg [dreg:$0xe];
	[sflag:s8] =	ssyncadd.s32 @!p0 $0xFFFFF800  }
0xe1: {  	[tilespmem:s29], [sflag:$0x2] =	stream.linear.gather [hbm4b:s12+s15], $0x1400, $0x38;
	[tilespmem:$0x1D380] =	vst v63  }
0xe2: {  	_ =	swait.ge [sflag:s26], $0x1400  }
0xe3: {  	[sflag:s26] =	ssyncset.done $0x0  }
0xe4: {  	s13 =	simm.s32 $0x10580;
	s16 =	rddreg [dreg:$0xf];
	[sflag:s26] =	ssyncadd.s32 $0xFFFFEC00  }
0xe5: {  	[tilespmem:s13], [sflag:$0x2] =	stream.linear.gather [hbm4b:s16+s15], $0x1400, $0x38;
	[tilespmem:$0x1D380] =	vst v63  }
0xe6: {  	_ =	swait.ge [sflag:s26], $0x1400  }
0xe7: {  	s12 =	simm.s32 $0x0;
	[sflag:s26] =	ssyncset.done $0x0  }
0xe8: {  	s11 =	sand.u32 $0x2000, s12;
	[sflag:s26] =	ssyncadd.s32 $0xFFFFEC00  }
0xe9: {  	[tilespmem:s31], [sflag:$0x1] =	stream.indirect.gather [spmem:s1], $0x40, s29, s30, $0xb8;
	[tilespmem:$0x1D380] =	vst v63  }
0xea: {  	s14 =	simm.s32 $0x12200;
	s15 =	sxor.u32 $0xBE00, s11  }
0xeb: {  	[tilespmem:s15], [sflag:$0x1] =	stream.indirect.gather [spmem:s1], $0x40, s14, s30, $0xb8;
	[tilespmem:$0x1D380] =	vst v63  }
0xec: {  	_ =	swait.ge [sflag:s2], $0x2000  }
0xed: {  	[sflag:s2] =	ssyncset.done $0x0  }
0xee: {  	s11 =	sor.u32 $0x9E00, s11;
	[sflag:s2] =	ssyncadd.s32 $0xFFFFE000  }
0xef: {  	[spmem:s3] =	stream.indirect.scatter.add.f32 [tilespmem:s11], [sflag:$0x3], $0x40, s13, s30, $0xb8;
	[tilespmem:$0x1D380] =	vst v63  }
0xf0: {  	_ =	swait.ge [sflag:s0], $0x2000  }
0xf1: {  	[sflag:s0] =	ssyncset.done $0x0  }
0xf2: {  	s16 =	simm.s32 $0x2000;
	[sflag:s0] =	ssyncadd.s32 $0xFFFFE000  }
0xf3: {  	[spmem:s4] =	stream.indirect.scatter.add.f32 @!p0 [tilespmem:s10], [sflag:$0x2], $0x10, s13, s9, $0xb8;
	[tilespmem:$0x1D380] =	vst v63  }
0xf4: {  	s12 =	simm.s32 $0x2;
	s14 =	sand.u32 $0x2000, s16;
	_ =	swait.ge @!p0 [sflag:s8], $0x800  }
0xf5: {  	s11 =	simm.s32 $0x10600;
	s13 =	simm.s32 $0x12280;
	[sflag:s8] =	ssyncset.done @!p0 $0x0  }
.LBB2_8:
0xf6: {  	s15 =	sxor.u32 $0xBE00, s14  }
0xf7: {  	[sflag:s8] =	ssyncadd.s32 @!p0 $0xFFFFF800;
	s16 =	smov.u32 s12;
	s12 =	sadd.s32 $0x1, s12  }
0xf8: {  	[tilespmem:s15], [sflag:$0x1] =	stream.indirect.gather [spmem:s1], $0x40, s13, s30, $0xb8;
	[tilespmem:$0x1D380] =	vst v63  }
0xf9: {  	p1 =	sne.s32 s12, $0x27;
	_ =	swait.ge [sflag:s2], $0x2000  }
0xfa: {  	[sflag:s2] =	ssyncset.done $0x0  }
0xfb: {  	s14 =	sor.u32 $0x9E00, s14;
	[sflag:s2] =	ssyncadd.s32 $0xFFFFE000  }
0xfc: {  	[spmem:s3] =	stream.indirect.scatter.add.f32 [tilespmem:s14], [sflag:$0x3], $0x40, s11, s30, $0xb8;
	[tilespmem:$0x1D380] =	vst v63  }
0xfd: {  	_ =	swait.ge [sflag:s0], $0x2000  }
.Ltmp3:
0xfe: {  	[sflag:s0] =	ssyncset.done $0x0;
	(pc) =	sbr.rel @p1 .LBB2_8-.Ltmp3, $4  }
0xff: {  	[sflag:s0] =	ssyncadd.s32 $0xFFFFE000  }
0x100: {  	[spmem:s4] =	stream.indirect.scatter.add.f32 @!p0 [tilespmem:s10], [sflag:$0x2], $0x10, s11, s9, $0xb8;
	[tilespmem:$0x1D380] =	vst v63  }
0x101: {  	s13 =	sadd.s32 $0x80, s13;
	s14 =	sshll.u32 s16, $0xD;
	_ =	swait.ge @!p0 [sflag:s8], $0x800  }
0x102: {  	s14 =	sand.u32 $0x2000, s14;
	s11 =	sadd.s32 $0x80, s11;
	[sflag:s8] =	ssyncset.done @!p0 $0x0  }
0x103: {  	s9 =	sxor.u32 $0xBE00, s14;
	[sflag:s8] =	ssyncadd.s32 @!p0 $0xFFFFF800  }
0x104: {  	[tilespmem:s9], [sflag:$0x1] =	stream.indirect.gather [spmem:s1], $0x40, s13, s30, $0xb8;
	[tilespmem:$0x1D380] =	vst v63  }
0x105: {  	_ =	swait.ge [sflag:s2], $0x2000  }
0x106: {  	[sflag:s2] =	ssyncset.done $0x0  }
0x107: {  	s16 =	sor.u32 $0x9E00, s14;
	[sflag:s2] =	ssyncadd.s32 $0xFFFFE000  }
0x108: {  	[spmem:s3] =	stream.indirect.scatter.add.f32 [tilespmem:s16], [sflag:$0x3], $0x40, s11, s30, $0xb8;
	[tilespmem:$0x1D380] =	vst v63  }
0x109: {  	_ =	swait.ge [sflag:s0], $0x2000  }
0x10a: {  	[sflag:s0] =	ssyncset.done $0x0  }
0x10b: {  	s10 =	simm.s32 @!p0 $0x11980;
	s9 =	simm.s32 @!p0 $0x80;
	[sflag:s0] =	ssyncadd.s32 $0xFFFFE000  }
0x10c: {  	[spmem:s4] =	stream.indirect.scatter.add.f32 @!p0 [tilespmem:s10], [sflag:$0x2], $0x10, s11, s9, $0xb8;
	[tilespmem:$0x1D380] =	vst v63  }
0x10d: {  	_ =	swait.ge @!p0 [sflag:s8], $0x800  }
0x10e: {  	[sflag:s8] =	ssyncset.done @!p0 $0x0  }
0x10f: {  	[sflag:s8] =	ssyncadd.s32 @!p0 $0xFFFFF800  }
0x110: {  	_ =	swait.ge [sflag:s2], $0x2000  }
0x111: {  	[sflag:s2] =	ssyncset.done $0x0  }
0x112: {  	[sflag:s2] =	ssyncadd.s32 $0xFFFFE000  }
0x113: {  	[spmem:s3] =	stream.indirect.scatter.add.f32 [tilespmem:s6], [sflag:$0x3], $0x40, s28, s30, $0xb8;
	[tilespmem:$0x1D380] =	vst v63  }
0x114: {  	_ =	swait.ge [sflag:s0], $0x2000  }
0x115: {  	[sflag:s0] =	ssyncset.done $0x0  }
0x116: {  	[sflag:s0] =	ssyncadd.s32 $0xFFFFE000  }
0x117: {  	s8 =	sshrl.u32 @p0 s19, $0x3;
	[bflag:$0x0] =	sbarrier.arrive @p0 $0xFFFF  }
0x118: {  	[hbm:s20], [sflag:s18] =	dma.local @p0 [spmem:s8], $0x13C0  }
0x119: {  	s8 =	simm.s32 @p0 $0x2  }
0x11a: {  	_ =	swait.ge @p0 [sflag:s8], $0x13C0  }
0x11b: {  	[sflag:s8] =	ssyncset.done @p0 $0x0  }
0x11c: {  	[sflag:s8] =	ssyncadd.s32 @p0 $0xFFFFEC40;
	s8 =	simm.s32 @!p0 $0x11900  }
0x11d: {  	[spmem:s4] =	stream.indirect.scatter.add.f32 @!p0 [tilespmem:s10], [sflag:$0x2], $0x10, s8, s9, $0xb8;
	[tilespmem:$0x1D380] =	vst v63  }
0x11e: {  	s8 =	simm.s32 @!p0 $0x2  }
0x11f: {  	_ =	swait.ge @!p0 [sflag:s8], $0x800  }
0x120: {  	[sflag:s8] =	ssyncset.done @!p0 $0x0  }
0x121: {  	[sflag:s8] =	ssyncadd.s32 @!p0 $0xFFFFF800  }
0x122: {  	s9 =	sshrl.u32 @!p0 s19, $0x3;
	[bflag:$0x0] =	sbarrier.arrive @!p0 $0xFFFF  }
0x123: {  	[hbm:s20], [sflag:s18] =	dma.local @!p0 [spmem:s9], $0x13C0  }
0x124: {  	s7 =	sadd.s32 $0x1, s7;
	_ =	swait.ge @!p0 [sflag:s8], $0x13C0  }
0x125: {  	p1 =	sne.s32 s7, s22;
	[sflag:s8] =	ssyncset.done @!p0 $0x0  }
.Ltmp4:
0x126: {  	[sflag:s8] =	ssyncadd.s32 @!p0 $0xFFFFEC40;
	(pc) =	sbr.rel @p1 .LBB2_1-.Ltmp4, $4  }
0x127: {  	[hbm:s21], [sflag:s18] =	dma.local @!p0 [spmem:s25], $0x4F0  }
0x128: {  	_ =	swait.ge @!p0 [sflag:s8], $0x4F0  }
0x129: {  	[sflag:s8] =	ssyncset.done @!p0 $0x0  }
0x12a: {  	[sflag:s8] =	ssyncadd.s32 @!p0 $0xFFFFFB10  }
0x12b: {  	_ =	sfence.sel $0x180000  }
0x12c: {  	[bflag:$0x0] =	sbarrier.arrive $0xFFFF  }
0x12d: {  	_ =	strace $0x90000047  }
0x12e: {  	s0 =	stileid.u32;
	[bflag:$0x2] =	sbarrier.arrive $0xFFFF  }
0x12f: {  	p0 =	sne.s32 s0, $0x0;
	s0 =	rddreg [dreg:$0x4]  }
0x130: {  	s0 =	sadd.s32 @!p0 $0x100000, s0  }
0x131: {  	[sflag:s0] =	ssyncadd.tile.s32 @!p0 $0x1;
	_ =	shalt  }
.Lfunc_end2:
_tile_overlayer_lowered:
.L_overlay_start_2:
0x132: {  	(tag) =	ssettag $0x2  }
0x133: {  	s0 =	rddreg [dreg:$0x0];
	s2 =	stileid.u32  }
0x134: {  	s1 =	rddreg [dreg:$0x1];
	p0 =	sne.s32 s2, $0x0  }
0x135: {  	s3 =	rddreg [dreg:$0x2];
	[bflag:$0x3] =	sbarrier.arrive $0xFFFF;
	s2 =	simm.s32 @!p0 $0x1C02  }
0x136: {  	[timem:s3], [sflag:s2] =	dma.local @!p0 [hbm:s0], s1  }
0x137: {  	s0 =	simm.s32 @!p0 $0x2  }
0x138: {  	_ =	swait.ge @!p0 [sflag:s0], s1  }
0x139: {  	s1 =	ssub.s32 @!p0 $0x0, s1;
	[sflag:s0] =	ssyncset.done @!p0 $0x0  }
0x13a: {  	[sflag:s0] =	ssyncadd.s32 @!p0 s1  }
0x13b: {  	[bflag:$0x3] =	sbarrier.arrive $0xFFFF  }
0x13c: {  	_ =	shalt  }

</sc_bundles>
